<compile_context>
chip_gen: v7x
topology: tpu7x:2x2x1
jax: 0.10.2.dev20260603
libtpu: 0.0.44.dev20260713+nightly
codegen_flags: <defaults>
</compile_context>

<pallas_src>
import functools

import jax
import jax.numpy as jnp
from jax import lax
from jax.experimental import pallas as pl
from jax.experimental.pallas import tpu as pltpu
from jax.experimental.pallas import tpu_sc as plsc

H = 768
F = 1024
NE = 64
NT = 2048
NK = 2
BT = 128
G = 96
R_PAD = G * BT

NC, NS = 2, 16
NW = NC * NS
TPW = NT // NW

@functools.lru_cache(maxsize=1)
def _sc_kernels():
    mesh = plsc.VectorSubcoreMesh(core_axis_name="c", subcore_axis_name="s")

    HTPW = TPW // 2

    @functools.partial(
        pl.kernel,
        out_type=jax.ShapeDtypeStruct((NT, H), jnp.float32),
        mesh=mesh,
        scratch_types=[
            pltpu.VMEM((TPW,), jnp.int32),
            pltpu.VMEM((TPW,), jnp.int32),
            pltpu.VMEM((HTPW, H), jnp.float32),
            pltpu.VMEM((HTPW, H), jnp.float32),
            pltpu.VMEM((HTPW, H), jnp.float32),
            pltpu.VMEM((HTPW, H), jnp.float32),
            pltpu.SemaphoreType.DMA,
            pltpu.SemaphoreType.DMA,
        ],
    )
    def combine(idx0_hbm, idx1_hbm, opad_hbm, fin_hbm, i0_v, i1_v,
                r0a, r1a, r0b, r1b, gsem, ssem):
        wid = lax.axis_index("s") * NC + lax.axis_index("c")
        base = wid * TPW
        ci0 = pltpu.async_copy(idx0_hbm.at[pl.ds(base, TPW)], i0_v, gsem)
        ci1 = pltpu.async_copy(idx1_hbm.at[pl.ds(base, TPW)], i1_v, gsem)
        ci0.wait()
        ci1.wait()
        cpa0 = pltpu.async_copy(opad_hbm.at[i0_v.at[pl.ds(0, HTPW)]], r0a, gsem)
        cpa1 = pltpu.async_copy(opad_hbm.at[i1_v.at[pl.ds(0, HTPW)]], r1a, gsem)
        cpb0 = pltpu.async_copy(opad_hbm.at[i0_v.at[pl.ds(HTPW, HTPW)]], r0b, gsem)
        cpb1 = pltpu.async_copy(opad_hbm.at[i1_v.at[pl.ds(HTPW, HTPW)]], r1b, gsem)

        def add_rows(dst, src):
            def body(t, carry):
                for j in range(H // 16):
                    sl = pl.ds(j * 16, 16)
                    dst[t, sl] = dst[t, sl] + src[t, sl]
                return carry
            lax.fori_loop(0, HTPW, body, 0)

        cpa0.wait()
        cpa1.wait()
        add_rows(r0a, r1a)
        sta = pltpu.async_copy(r0a, fin_hbm.at[pl.ds(base, HTPW)], ssem)
        cpb0.wait()
        cpb1.wait()
        add_rows(r0b, r1b)
        stb = pltpu.async_copy(r0b, fin_hbm.at[pl.ds(base + HTPW, HTPW)], ssem)
        sta.wait()
        stb.wait()

    return combine


def _ffn_body(te_ref, nt_ref, tok_ref, hs_ref, w1_ref, w2_ref, wr_ref, o_ref):
    g = pl.program_id(0)

    @pl.when(g < nt_ref[0])
    def _():
        tok_col = jnp.transpose(tok_ref[0])
        row_t = lax.broadcasted_iota(jnp.int32, (BT, NT), 1)
        p_onehot = jnp.where(row_t == tok_col, 1.0, 0.0)
        x = jnp.dot(p_onehot, hs_ref[...],
                    preferred_element_type=jnp.float32)
        h = jnp.dot(x, w1_ref[0], preferred_element_type=jnp.float32)
        a = h[:, :F]
        b = h[:, F:]
        act = (a * jax.nn.sigmoid(a)) * b
        o = jnp.dot(act, w2_ref[0], preferred_element_type=jnp.float32)
        o_ref[...] = o * wr_ref[...]


def _tix(g, te, nt):
    return jnp.minimum(g, nt[0] - 1)


_ffn = pl.pallas_call(
    _ffn_body,
    grid_spec=pltpu.PrefetchScalarGridSpec(
        num_scalar_prefetch=2,
        grid=(G,),
        in_specs=[
            pl.BlockSpec((1, 1, BT), lambda g, te, nt: (_tix(g, te, nt), 0, 0)),
            pl.BlockSpec((NT, H), lambda g, te, nt: (0, 0)),
            pl.BlockSpec((1, H, 2 * F), lambda g, te, nt: (te[g], 0, 0)),
            pl.BlockSpec((1, F, H), lambda g, te, nt: (te[g], 0, 0)),
            pl.BlockSpec((BT, 1), lambda g, te, nt: (_tix(g, te, nt), 0)),
        ],
        out_specs=pl.BlockSpec((BT, H), lambda g, te, nt: (_tix(g, te, nt), 0)),
    ),
    out_shape=jax.ShapeDtypeStruct((R_PAD, H), jnp.float32),
    compiler_params=pltpu.CompilerParams(dimension_semantics=("arbitrary",)),
)


def kernel(hidden_states, routing_weights, W1, W2, selected_experts):
    i32 = jnp.int32
    e_flat = selected_experts.reshape(-1).astype(i32)
    onehot = (e_flat[:, None] == jnp.arange(NE, dtype=i32)[None, :]).astype(i32)
    run = jnp.cumsum(onehot, axis=0)
    counts = run[-1, :]
    rank = jnp.sum(onehot * run, axis=1) - 1
    tiles_pe = (counts + BT - 1) // BT
    tile_start = jnp.concatenate(
        [jnp.zeros((1,), i32), jnp.cumsum(tiles_pe)[:-1].astype(i32)])
    n_tiles = jnp.sum(tiles_pe).astype(i32)
    row_start = tile_start * BT
    dest = jnp.sum(onehot * row_start[None, :], axis=1) + rank
    tok_and_w = jnp.stack(
        [jnp.arange(NT * NK, dtype=i32) // NK,
         jax.lax.bitcast_convert_type(routing_weights.reshape(-1), i32)],
        axis=1)
    packed = jnp.zeros((R_PAD, 2), i32).at[dest].set(tok_and_w)
    src_tok = packed[:, 0]
    w_pad = jax.lax.bitcast_convert_type(packed[:, 1], jnp.float32)
    pos = dest.reshape(NT, NK)
    g_eff = jnp.minimum(jnp.arange(G, dtype=i32), n_tiles - 1)
    tile_expert = jnp.clip(
        jnp.sum((tile_start[None, :] <= g_eff[:, None]).astype(i32), axis=1) - 1,
        0, NE - 1)

    combine = _sc_kernels()
    out_pad = _ffn(tile_expert, n_tiles.reshape(1), src_tok.reshape(G, 1, BT),
                   hidden_states, W1, W2, w_pad.reshape(R_PAD, 1))
    final = combine(pos[:, 0], pos[:, 1], out_pad)
    return final

# --- scband reference (transcript-rebuilt; emitter-appended) ---
"""Pipeline reference for scband-yuan-block-sparse-top2-mlp-3332894622520 (READ-ONLY COPY).

The authoritative reference and input builder live on the scoring server;
editing this copy changes nothing except your own understanding.
"""

import jax, jax.numpy as jnp
import numpy as np

HIDDEN = 768
FFN = 1024
E = 64
T = 2048
K = 2


def setup_inputs(seed: int = 0) -> dict:
    key = jax.random.key(seed)
    k1, k2, k3, k4, k5 = jax.random.split(key, 5)
    hidden_states = jax.random.normal(k1, (T, HIDDEN), dtype=jnp.float32)
    routing_weights = jax.random.uniform(k2, (T, K), dtype=jnp.float32)
    selected_experts = jax.random.randint(k3, (T, K), 0, E, dtype=jnp.int32)
    # Learned parameters: per-expert w1 (hidden -> 2*ffn, gated) and w2 (ffn -> hidden), no bias.
    W1 = (jax.random.normal(k4, (E, HIDDEN, 2 * FFN), dtype=jnp.float32) * 0.02)
    W2 = (jax.random.normal(k5, (E, FFN, HIDDEN), dtype=jnp.float32) * 0.02)
    return {
        "hidden_states": hidden_states,
        "routing_weights": routing_weights,
        "W1": W1,
        "W2": W2,
        "selected_experts": selected_experts,
    }


def reference(hidden_states, routing_weights, W1, W2, selected_experts):
    # Faithful translation of YuanBlockSparseTop2MLP.forward.
    # expert_mask = one_hot(selected_experts, E).permute(2,1,0); idx, top_x = where(expert_mask[e])
    # Equivalent: top_x, idx = where(selected_experts == e) on the [T, K] matrix
    # (top_x = token index, idx = top-k slot index).
    num_experts = W1.shape[0]
    num_slots = selected_experts.shape[1]
    final_hidden_states = jnp.zeros_like(hidden_states)
    for expert_idx in range(num_experts):
        cur = hidden_states @ W1[expert_idx]              # [T, 2*FFN]
        a, b = jnp.split(cur, 2, axis=-1)                 # torch.chunk(x, 2, dim=-1)
        cur = jax.nn.silu(a) * b                          # act_fn(chunk0) * chunk1
        cur = cur @ W2[expert_idx]                        # [T, HIDDEN]
        for slot in range(num_slots):
            mask = selected_experts[:, slot] == expert_idx
            w = jnp.where(mask, routing_weights[:, slot], 0.0)
            final_hidden_states = final_hidden_states + cur * w[:, None]
    return final_hidden_states

if __name__ == "__main__":
    import jax
    _d = setup_inputs()
    print(jax.jit(kernel)(*tuple(_d.values())))

</pallas_src>

<mosaic_0001>
#map = affine_map<(d0, d1) -> (0)>
#map1 = affine_map<(d0, d1) -> (0, 0)>
module attributes {stable_mosaic.version = 14 : i64} {
  func.func @combine(%arg0: i32, %arg1: i32, %arg2: memref<2048xi32, #tpu.memory_space<hbm>>, %arg3: memref<2048xi32, #tpu.memory_space<hbm>>, %arg4: memref<12288x768xf32, #tpu.memory_space<hbm>>, %arg5: memref<2048x768xf32, #tpu.memory_space<hbm>>, %arg6: memref<64xi32, #tpu.memory_space<vmem>>, %arg7: memref<64xi32, #tpu.memory_space<vmem>>, %arg8: memref<32x768xf32, #tpu.memory_space<vmem>>, %arg9: memref<32x768xf32, #tpu.memory_space<vmem>>, %arg10: memref<32x768xf32, #tpu.memory_space<vmem>>, %arg11: memref<32x768xf32, #tpu.memory_space<vmem>>, %arg12: memref<!tpu.dma_semaphore, #tpu.memory_space<semaphore_mem>>, %arg13: memref<!tpu.dma_semaphore, #tpu.memory_space<semaphore_mem>>) attributes {dimension_semantics = [#tpu.dimension_semantics<core_parallel>, #tpu.dimension_semantics<subcore_parallel>], iteration_bounds = array<i64: 2, 16>, scalar_prefetch = 0 : i64, scratch_operands = 8 : i64, tpu.core_type = #tpu.core_type<sc_vector_subcore>, window_params = [{transform_indices = #map}, {transform_indices = #map}, {transform_indices = #map1}, {transform_indices = #map1}]} {
    %mul3A = arith.constant 2 : i32
    %mul3A_0 = arith.muli %arg1, %mul3A : i32
    %add3A = arith.addi %mul3A_0, %arg0 : i32
    %mul3A_1 = arith.constant 64 : i32
    %mul3A_2 = arith.muli %add3A, %mul3A_1 : i32
    %dma_start3A = tpu.memref_slice %arg2[%mul3A_2] : memref<2048xi32, #tpu.memory_space<hbm>> -> memref<64xi32, #tpu.memory_space<hbm>>
    %dma_start3A_3 = tpu.memref_slice %arg2[%mul3A_2] : memref<2048xi32, #tpu.memory_space<hbm>> -> memref<64xi32, #tpu.memory_space<hbm>>
    tpu.enqueue_dma source(%dma_start3A_3 : memref<64xi32, #tpu.memory_space<hbm>>) target(%arg6 : memref<64xi32, #tpu.memory_space<vmem>>) target_semaphore(%arg12 : memref<!tpu.dma_semaphore, #tpu.memory_space<semaphore_mem>>)
    %dma_start3A_4 = tpu.memref_slice %arg3[%mul3A_2] : memref<2048xi32, #tpu.memory_space<hbm>> -> memref<64xi32, #tpu.memory_space<hbm>>
    %dma_start3A_5 = tpu.memref_slice %arg3[%mul3A_2] : memref<2048xi32, #tpu.memory_space<hbm>> -> memref<64xi32, #tpu.memory_space<hbm>>
    tpu.enqueue_dma source(%dma_start3A_5 : memref<64xi32, #tpu.memory_space<hbm>>) target(%arg7 : memref<64xi32, #tpu.memory_space<vmem>>) target_semaphore(%arg12 : memref<!tpu.dma_semaphore, #tpu.memory_space<semaphore_mem>>)
    %dma_wait3A = tpu.memref_slice %arg2[%mul3A_2] : memref<2048xi32, #tpu.memory_space<hbm>> -> memref<64xi32, #tpu.memory_space<hbm>>
    %dma_wait3A_6 = tpu.memref_slice %arg2[%mul3A_2] : memref<2048xi32, #tpu.memory_space<hbm>> -> memref<64xi32, #tpu.memory_space<hbm>>
    tpu.wait_dma2 semaphore(%arg12 : memref<!tpu.dma_semaphore, #tpu.memory_space<semaphore_mem>>) src(%dma_wait3A_6 : memref<64xi32, #tpu.memory_space<hbm>>) dst(%arg6 : memref<64xi32, #tpu.memory_space<vmem>>)
    %dma_wait3A_7 = tpu.memref_slice %arg3[%mul3A_2] : memref<2048xi32, #tpu.memory_space<hbm>> -> memref<64xi32, #tpu.memory_space<hbm>>
    %dma_wait3A_8 = tpu.memref_slice %arg3[%mul3A_2] : memref<2048xi32, #tpu.memory_space<hbm>> -> memref<64xi32, #tpu.memory_space<hbm>>
    tpu.wait_dma2 semaphore(%arg12 : memref<!tpu.dma_semaphore, #tpu.memory_space<semaphore_mem>>) src(%dma_wait3A_8 : memref<64xi32, #tpu.memory_space<hbm>>) dst(%arg7 : memref<64xi32, #tpu.memory_space<vmem>>)
    %dma_start3A_9 = arith.constant 0 : i32
    %dma_start3A_10 = tpu.memref_slice %arg6[%dma_start3A_9] : memref<64xi32, #tpu.memory_space<vmem>> -> memref<32xi32, #tpu.memory_space<vmem>>
    %dma_start3A_11 = arith.constant 0 : i32
    %dma_start3A_12 = arith.constant 0 : i32
    %dma_start3A_13 = tpu.memref_slice %arg4[%dma_start3A_11, %dma_start3A_12] : memref<12288x768xf32, #tpu.memory_space<hbm>> -> memref<12288x768xf32, #tpu.memory_space<hbm>>
    tpu.enqueue_indirect_dma source(%dma_start3A_13 : memref<12288x768xf32, #tpu.memory_space<hbm>>) target(%arg8 : memref<32x768xf32, #tpu.memory_space<vmem>>) offsets(%dma_start3A_10 : memref<32xi32, #tpu.memory_space<vmem>>) semaphore(%arg12 : memref<!tpu.dma_semaphore, #tpu.memory_space<semaphore_mem>>)
    %dma_start3A_14 = arith.constant 0 : i32
    %dma_start3A_15 = tpu.memref_slice %arg7[%dma_start3A_14] : memref<64xi32, #tpu.memory_space<vmem>> -> memref<32xi32, #tpu.memory_space<vmem>>
    %dma_start3A_16 = arith.constant 0 : i32
    %dma_start3A_17 = arith.constant 0 : i32
    %dma_start3A_18 = tpu.memref_slice %arg4[%dma_start3A_16, %dma_start3A_17] : memref<12288x768xf32, #tpu.memory_space<hbm>> -> memref<12288x768xf32, #tpu.memory_space<hbm>>
    tpu.enqueue_indirect_dma source(%dma_start3A_18 : memref<12288x768xf32, #tpu.memory_space<hbm>>) target(%arg9 : memref<32x768xf32, #tpu.memory_space<vmem>>) offsets(%dma_start3A_15 : memref<32xi32, #tpu.memory_space<vmem>>) semaphore(%arg12 : memref<!tpu.dma_semaphore, #tpu.memory_space<semaphore_mem>>)
    %dma_start3A_19 = arith.constant 32 : i32
    %dma_start3A_20 = tpu.memref_slice %arg6[%dma_start3A_19] : memref<64xi32, #tpu.memory_space<vmem>> -> memref<32xi32, #tpu.memory_space<vmem>>
    %dma_start3A_21 = arith.constant 0 : i32
    %dma_start3A_22 = arith.constant 0 : i32
    %dma_start3A_23 = tpu.memref_slice %arg4[%dma_start3A_21, %dma_start3A_22] : memref<12288x768xf32, #tpu.memory_space<hbm>> -> memref<12288x768xf32, #tpu.memory_space<hbm>>
    tpu.enqueue_indirect_dma source(%dma_start3A_23 : memref<12288x768xf32, #tpu.memory_space<hbm>>) target(%arg10 : memref<32x768xf32, #tpu.memory_space<vmem>>) offsets(%dma_start3A_20 : memref<32xi32, #tpu.memory_space<vmem>>) semaphore(%arg12 : memref<!tpu.dma_semaphore, #tpu.memory_space<semaphore_mem>>)
    %dma_start3A_24 = arith.constant 32 : i32
    %dma_start3A_25 = tpu.memref_slice %arg7[%dma_start3A_24] : memref<64xi32, #tpu.memory_space<vmem>> -> memref<32xi32, #tpu.memory_space<vmem>>
    %dma_start3A_26 = arith.constant 0 : i32
    %dma_start3A_27 = arith.constant 0 : i32
    %dma_start3A_28 = tpu.memref_slice %arg4[%dma_start3A_26, %dma_start3A_27] : memref<12288x768xf32, #tpu.memory_space<hbm>> -> memref<12288x768xf32, #tpu.memory_space<hbm>>
    tpu.enqueue_indirect_dma source(%dma_start3A_28 : memref<12288x768xf32, #tpu.memory_space<hbm>>) target(%arg11 : memref<32x768xf32, #tpu.memory_space<vmem>>) offsets(%dma_start3A_25 : memref<32xi32, #tpu.memory_space<vmem>>) semaphore(%arg12 : memref<!tpu.dma_semaphore, #tpu.memory_space<semaphore_mem>>)
    %dma_wait3A_29 = arith.constant 0 : i32
    %dma_wait3A_30 = tpu.memref_slice %arg6[%dma_wait3A_29] : memref<64xi32, #tpu.memory_space<vmem>> -> memref<32xi32, #tpu.memory_space<vmem>>
    %dma_wait3A_31 = arith.constant 0 : i32
    %dma_wait3A_32 = arith.constant 0 : i32
    %dma_wait3A_33 = tpu.memref_slice %arg4[%dma_wait3A_31, %dma_wait3A_32] : memref<12288x768xf32, #tpu.memory_space<hbm>> -> memref<12288x768xf32, #tpu.memory_space<hbm>>
    tpu.wait_indirect_dma semaphore(%arg12 : memref<!tpu.dma_semaphore, #tpu.memory_space<semaphore_mem>>) src(%dma_wait3A_33 : memref<12288x768xf32, #tpu.memory_space<hbm>>) dst(%arg8 : memref<32x768xf32, #tpu.memory_space<vmem>>)
    %dma_wait3A_34 = arith.constant 0 : i32
    %dma_wait3A_35 = tpu.memref_slice %arg7[%dma_wait3A_34] : memref<64xi32, #tpu.memory_space<vmem>> -> memref<32xi32, #tpu.memory_space<vmem>>
    %dma_wait3A_36 = arith.constant 0 : i32
    %dma_wait3A_37 = arith.constant 0 : i32
    %dma_wait3A_38 = tpu.memref_slice %arg4[%dma_wait3A_36, %dma_wait3A_37] : memref<12288x768xf32, #tpu.memory_space<hbm>> -> memref<12288x768xf32, #tpu.memory_space<hbm>>
    tpu.wait_indirect_dma semaphore(%arg12 : memref<!tpu.dma_semaphore, #tpu.memory_space<semaphore_mem>>) src(%dma_wait3A_38 : memref<12288x768xf32, #tpu.memory_space<hbm>>) dst(%arg9 : memref<32x768xf32, #tpu.memory_space<vmem>>)
    %scan3A = arith.constant 0 : i32
    %scan3A_39 = arith.constant 0 : i32
    %scan3A_40 = arith.constant 32 : i32
    %scan3A_41 = arith.addi %scan3A_39, %scan3A_40 : i32
    %scan3A_42 = arith.constant 1 : i32
    scf.for %scan3A_78 = %scan3A_39 to %scan3A_41 step %scan3A_42  : i32 {
      %get3A = arith.index_cast %scan3A_78 : i32 to index
      %get3A_79 = arith.constant 0 : index
      %get3A_80 = tpu.vector_load %arg8[%get3A, %get3A_79] {strides = array<i32>} : memref<32x768xf32, #tpu.memory_space<vmem>>, vector<1x16xf32>,
      %get3A_81 = vector.shape_cast %get3A_80 : vector<1x16xf32> to vector<16xf32>
      %get3A_82 = arith.index_cast %scan3A_78 : i32 to index
      %get3A_83 = arith.constant 0 : index
      %get3A_84 = tpu.vector_load %arg9[%get3A_82, %get3A_83] {strides = array<i32>} : memref<32x768xf32, #tpu.memory_space<vmem>>, vector<1x16xf32>,
      %get3A_85 = vector.shape_cast %get3A_84 : vector<1x16xf32> to vector<16xf32>
      %add3A_86 = arith.addf %get3A_81, %get3A_85 : vector<16xf32>
      %swap3A = arith.index_cast %scan3A_78 : i32 to index
      %swap3A_87 = arith.constant 0 : index
      %swap3A_88 = tpu.vector_load %arg8[%swap3A, %swap3A_87] {strides = array<i32>} : memref<32x768xf32, #tpu.memory_space<vmem>>, vector<1x16xf32>,
      %swap3A_89 = vector.shape_cast %swap3A_88 : vector<1x16xf32> to vector<16xf32>
      %swap3A_90 = vector.shape_cast %add3A_86 : vector<16xf32> to vector<1x16xf32>
      tpu.vector_store %arg8[%swap3A, %swap3A_87], %swap3A_90 {strides = array<i32>} : memref<32x768xf32, #tpu.memory_space<vmem>>, vector<1x16xf32>,
      %get3A_91 = arith.index_cast %scan3A_78 : i32 to index
      %get3A_92 = arith.constant 16 : index
      %get3A_93 = tpu.vector_load %arg8[%get3A_91, %get3A_92] {strides = array<i32>} : memref<32x768xf32, #tpu.memory_space<vmem>>, vector<1x16xf32>,
      %get3A_94 = vector.shape_cast %get3A_93 : vector<1x16xf32> to vector<16xf32>
      %get3A_95 = arith.index_cast %scan3A_78 : i32 to index
      %get3A_96 = arith.constant 16 : index
      %get3A_97 = tpu.vector_load %arg9[%get3A_95, %get3A_96] {strides = array<i32>} : memref<32x768xf32, #tpu.memory_space<vmem>>, vector<1x16xf32>,
      %get3A_98 = vector.shape_cast %get3A_97 : vector<1x16xf32> to vector<16xf32>
      %add3A_99 = arith.addf %get3A_94, %get3A_98 : vector<16xf32>
      %swap3A_100 = arith.index_cast %scan3A_78 : i32 to index
      %swap3A_101 = arith.constant 16 : index
      %swap3A_102 = tpu.vector_load %arg8[%swap3A_100, %swap3A_101] {strides = array<i32>} : memref<32x768xf32, #tpu.memory_space<vmem>>, vector<1x16xf32>,
      %swap3A_103 = vector.shape_cast %swap3A_102 : vector<1x16xf32> to vector<16xf32>
      %swap3A_104 = vector.shape_cast %add3A_99 : vector<16xf32> to vector<1x16xf32>
      tpu.vector_store %arg8[%swap3A_100, %swap3A_101], %swap3A_104 {strides = array<i32>} : memref<32x768xf32, #tpu.memory_space<vmem>>, vector<1x16xf32>,
      %get3A_105 = arith.index_cast %scan3A_78 : i32 to index
      %get3A_106 = arith.constant 32 : index
      %get3A_107 = tpu.vector_load %arg8[%get3A_105, %get3A_106] {strides = array<i32>} : memref<32x768xf32, #tpu.memory_space<vmem>>, vector<1x16xf32>,
      %get3A_108 = vector.shape_cast %get3A_107 : vector<1x16xf32> to vector<16xf32>
      %get3A_109 = arith.index_cast %scan3A_78 : i32 to index
      %get3A_110 = arith.constant 32 : index
      %get3A_111 = tpu.vector_load %arg9[%get3A_109, %get3A_110] {strides = array<i32>} : memref<32x768xf32, #tpu.memory_space<vmem>>, vector<1x16xf32>,
      %get3A_112 = vector.shape_cast %get3A_111 : vector<1x16xf32> to vector<16xf32>
      %add3A_113 = arith.addf %get3A_108, %get3A_112 : vector<16xf32>
      %swap3A_114 = arith.index_cast %scan3A_78 : i32 to index
      %swap3A_115 = arith.constant 32 : index
      %swap3A_116 = tpu.vector_load %arg8[%swap3A_114, %swap3A_115] {strides = array<i32>} : memref<32x768xf32, #tpu.memory_space<vmem>>, vector<1x16xf32>,
      %swap3A_117 = vector.shape_cast %swap3A_116 : vector<1x16xf32> to vector<16xf32>
      %swap3A_118 = vector.shape_cast %add3A_113 : vector<16xf32> to vector<1x16xf32>
      tpu.vector_store %arg8[%swap3A_114, %swap3A_115], %swap3A_118 {strides = array<i32>} : memref<32x768xf32, #tpu.memory_space<vmem>>, vector<1x16xf32>,
      %get3A_119 = arith.index_cast %scan3A_78 : i32 to index
      %get3A_120 = arith.constant 48 : index
      %get3A_121 = tpu.vector_load %arg8[%get3A_119, %get3A_120] {strides = array<i32>} : memref<32x768xf32, #tpu.memory_space<vmem>>, vector<1x16xf32>,
      %get3A_122 = vector.shape_cast %get3A_121 : vector<1x16xf32> to vector<16xf32>
      %get3A_123 = arith.index_cast %scan3A_78 : i32 to index
      %get3A_124 = arith.constant 48 : index
      %get3A_125 = tpu.vector_load %arg9[%get3A_123, %get3A_124] {strides = array<i32>} : memref<32x768xf32, #tpu.memory_space<vmem>>, vector<1x16xf32>,
      %get3A_126 = vector.shape_cast %get3A_125 : vector<1x16xf32> to vector<16xf32>
      %add3A_127 = arith.addf %get3A_122, %get3A_126 : vector<16xf32>
      %swap3A_128 = arith.index_cast %scan3A_78 : i32 to index
      %swap3A_129 = arith.constant 48 : index
      %swap3A_130 = tpu.vector_load %arg8[%swap3A_128, %swap3A_129] {strides = array<i32>} : memref<32x768xf32, #tpu.memory_space<vmem>>, vector<1x16xf32>,
      %swap3A_131 = vector.shape_cast %swap3A_130 : vector<1x16xf32> to vector<16xf32>
      %swap3A_132 = vector.shape_cast %add3A_127 : vector<16xf32> to vector<1x16xf32>
      tpu.vector_store %arg8[%swap3A_128, %swap3A_129], %swap3A_132 {strides = array<i32>} : memref<32x768xf32, #tpu.memory_space<vmem>>, vector<1x16xf32>,
      %get3A_133 = arith.index_cast %scan3A_78 : i32 to index
      %get3A_134 = arith.constant 64 : index
      %get3A_135 = tpu.vector_load %arg8[%get3A_133, %get3A_134] {strides = array<i32>} : memref<32x768xf32, #tpu.memory_space<vmem>>, vector<1x16xf32>,
      %get3A_136 = vector.shape_cast %get3A_135 : vector<1x16xf32> to vector<16xf32>
      %get3A_137 = arith.index_cast %scan3A_78 : i32 to index
      %get3A_138 = arith.constant 64 : index
      %get3A_139 = tpu.vector_load %arg9[%get3A_137, %get3A_138] {strides = array<i32>} : memref<32x768xf32, #tpu.memory_space<vmem>>, vector<1x16xf32>,
      %get3A_140 = vector.shape_cast %get3A_139 : vector<1x16xf32> to vector<16xf32>
      %add3A_141 = arith.addf %get3A_136, %get3A_140 : vector<16xf32>
      %swap3A_142 = arith.index_cast %scan3A_78 : i32 to index
      %swap3A_143 = arith.constant 64 : index
      %swap3A_144 = tpu.vector_load %arg8[%swap3A_142, %swap3A_143] {strides = array<i32>} : memref<32x768xf32, #tpu.memory_space<vmem>>, vector<1x16xf32>,
      %swap3A_145 = vector.shape_cast %swap3A_144 : vector<1x16xf32> to vector<16xf32>
      %swap3A_146 = vector.shape_cast %add3A_141 : vector<16xf32> to vector<1x16xf32>
      tpu.vector_store %arg8[%swap3A_142, %swap3A_143], %swap3A_146 {strides = array<i32>} : memref<32x768xf32, #tpu.memory_space<vmem>>, vector<1x16xf32>,
      %get3A_147 = arith.index_cast %scan3A_78 : i32 to index
      %get3A_148 = arith.constant 80 : index
      %get3A_149 = tpu.vector_load %arg8[%get3A_147, %get3A_148] {strides = array<i32>} : memref<32x768xf32, #tpu.memory_space<vmem>>, vector<1x16xf32>,
      %get3A_150 = vector.shape_cast %get3A_149 : vector<1x16xf32> to vector<16xf32>
      %get3A_151 = arith.index_cast %scan3A_78 : i32 to index
      %get3A_152 = arith.constant 80 : index
      %get3A_153 = tpu.vector_load %arg9[%get3A_151, %get3A_152] {strides = array<i32>} : memref<32x768xf32, #tpu.memory_space<vmem>>, vector<1x16xf32>,
      %get3A_154 = vector.shape_cast %get3A_153 : vector<1x16xf32> to vector<16xf32>
      %add3A_155 = arith.addf %get3A_150, %get3A_154 : vector<16xf32>
      %swap3A_156 = arith.index_cast %scan3A_78 : i32 to index
      %swap3A_157 = arith.constant 80 : index
      %swap3A_158 = tpu.vector_load %arg8[%swap3A_156, %swap3A_157] {strides = array<i32>} : memref<32x768xf32, #tpu.memory_space<vmem>>, vector<1x16xf32>,
      %swap3A_159 = vector.shape_cast %swap3A_158 : vector<1x16xf32> to vector<16xf32>
      %swap3A_160 = vector.shape_cast %add3A_155 : vector<16xf32> to vector<1x16xf32>
      tpu.vector_store %arg8[%swap3A_156, %swap3A_157], %swap3A_160 {strides = array<i32>} : memref<32x768xf32, #tpu.memory_space<vmem>>, vector<1x16xf32>,
      %get3A_161 = arith.index_cast %scan3A_78 : i32 to index
      %get3A_162 = arith.constant 96 : index
      %get3A_163 = tpu.vector_load %arg8[%get3A_161, %get3A_162] {strides = array<i32>} : memref<32x768xf32, #tpu.memory_space<vmem>>, vector<1x16xf32>,
      %get3A_164 = vector.shape_cast %get3A_163 : vector<1x16xf32> to vector<16xf32>
      %get3A_165 = arith.index_cast %scan3A_78 : i32 to index
      %get3A_166 = arith.constant 96 : index
      %get3A_167 = tpu.vector_load %arg9[%get3A_165, %get3A_166] {strides = array<i32>} : memref<32x768xf32, #tpu.memory_space<vmem>>, vector<1x16xf32>,
      %get3A_168 = vector.shape_cast %get3A_167 : vector<1x16xf32> to vector<16xf32>
      %add3A_169 = arith.addf %get3A_164, %get3A_168 : vector<16xf32>
      %swap3A_170 = arith.index_cast %scan3A_78 : i32 to index
      %swap3A_171 = arith.constant 96 : index
      %swap3A_172 = tpu.vector_load %arg8[%swap3A_170, %swap3A_171] {strides = array<i32>} : memref<32x768xf32, #tpu.memory_space<vmem>>, vector<1x16xf32>,
      %swap3A_173 = vector.shape_cast %swap3A_172 : vector<1x16xf32> to vector<16xf32>
      %swap3A_174 = vector.shape_cast %add3A_169 : vector<16xf32> to vector<1x16xf32>
      tpu.vector_store %arg8[%swap3A_170, %swap3A_171], %swap3A_174 {strides = array<i32>} : memref<32x768xf32, #tpu.memory_space<vmem>>, vector<1x16xf32>,
      %get3A_175 = arith.index_cast %scan3A_78 : i32 to index
      %get3A_176 = arith.constant 112 : index
      %get3A_177 = tpu.vector_load %arg8[%get3A_175, %get3A_176] {strides = array<i32>} : memref<32x768xf32, #tpu.memory_space<vmem>>, vector<1x16xf32>,
      %get3A_178 = vector.shape_cast %get3A_177 : vector<1x16xf32> to vector<16xf32>
      %get3A_179 = arith.index_cast %scan3A_78 : i32 to index
      %get3A_180 = arith.constant 112 : index
      %get3A_181 = tpu.vector_load %arg9[%get3A_179, %get3A_180] {strides = array<i32>} : memref<32x768xf32, #tpu.memory_space<vmem>>, vector<1x16xf32>,
      %get3A_182 = vector.shape_cast %get3A_181 : vector<1x16xf32> to vector<16xf32>
      %add3A_183 = arith.addf %get3A_178, %get3A_182 : vector<16xf32>
      %swap3A_184 = arith.index_cast %scan3A_78 : i32 to index
      %swap3A_185 = arith.constant 112 : index
      %swap3A_186 = tpu.vector_load %arg8[%swap3A_184, %swap3A_185] {strides = array<i32>} : memref<32x768xf32, #tpu.memory_space<vmem>>, vector<1x16xf32>,
      %swap3A_187 = vector.shape_cast %swap3A_186 : vector<1x16xf32> to vector<16xf32>
      %swap3A_188 = vector.shape_cast %add3A_183 : vector<16xf32> to vector<1x16xf32>
      tpu.vector_store %arg8[%swap3A_184, %swap3A_185], %swap3A_188 {strides = array<i32>} : memref<32x768xf32, #tpu.memory_space<vmem>>, vector<1x16xf32>,
      %get3A_189 = arith.index_cast %scan3A_78 : i32 to index
      %get3A_190 = arith.constant 128 : index
      %get3A_191 = tpu.vector_load %arg8[%get3A_189, %get3A_190] {strides = array<i32>} : memref<32x768xf32, #tpu.memory_space<vmem>>, vector<1x16xf32>,
      %get3A_192 = vector.shape_cast %get3A_191 : vector<1x16xf32> to vector<16xf32>
      %get3A_193 = arith.index_cast %scan3A_78 : i32 to index
      %get3A_194 = arith.constant 128 : index
      %get3A_195 = tpu.vector_load %arg9[%get3A_193, %get3A_194] {strides = array<i32>} : memref<32x768xf32, #tpu.memory_space<vmem>>, vector<1x16xf32>,
      %get3A_196 = vector.shape_cast %get3A_195 : vector<1x16xf32> to vector<16xf32>
      %add3A_197 = arith.addf %get3A_192, %get3A_196 : vector<16xf32>
      %swap3A_198 = arith.index_cast %scan3A_78 : i32 to index
      %swap3A_199 = arith.constant 128 : index
      %swap3A_200 = tpu.vector_load %arg8[%swap3A_198, %swap3A_199] {strides = array<i32>} : memref<32x768xf32, #tpu.memory_space<vmem>>, vector<1x16xf32>,
      %swap3A_201 = vector.shape_cast %swap3A_200 : vector<1x16xf32> to vector<16xf32>
      %swap3A_202 = vector.shape_cast %add3A_197 : vector<16xf32> to vector<1x16xf32>
      tpu.vector_store %arg8[%swap3A_198, %swap3A_199], %swap3A_202 {strides = array<i32>} : memref<32x768xf32, #tpu.memory_space<vmem>>, vector<1x16xf32>,
      %get3A_203 = arith.index_cast %scan3A_78 : i32 to index
      %get3A_204 = arith.constant 144 : index
      %get3A_205 = tpu.vector_load %arg8[%get3A_203, %get3A_204] {strides = array<i32>} : memref<32x768xf32, #tpu.memory_space<vmem>>, vector<1x16xf32>,
      %get3A_206 = vector.shape_cast %get3A_205 : vector<1x16xf32> to vector<16xf32>
      %get3A_207 = arith.index_cast %scan3A_78 : i32 to index
      %get3A_208 = arith.constant 144 : index
      %get3A_209 = tpu.vector_load %arg9[%get3A_207, %get3A_208] {strides = array<i32>} : memref<32x768xf32, #tpu.memory_space<vmem>>, vector<1x16xf32>,
      %get3A_210 = vector.shape_cast %get3A_209 : vector<1x16xf32> to vector<16xf32>
      %add3A_211 = arith.addf %get3A_206, %get3A_210 : vector<16xf32>
      %swap3A_212 = arith.index_cast %scan3A_78 : i32 to index
      %swap3A_213 = arith.constant 144 : index
      %swap3A_214 = tpu.vector_load %arg8[%swap3A_212, %swap3A_213] {strides = array<i32>} : memref<32x768xf32, #tpu.memory_space<vmem>>, vector<1x16xf32>,
      %swap3A_215 = vector.shape_cast %swap3A_214 : vector<1x16xf32> to vector<16xf32>
      %swap3A_216 = vector.shape_cast %add3A_211 : vector<16xf32> to vector<1x16xf32>
      tpu.vector_store %arg8[%swap3A_212, %swap3A_213], %swap3A_216 {strides = array<i32>} : memref<32x768xf32, #tpu.memory_space<vmem>>, vector<1x16xf32>,
      %get3A_217 = arith.index_cast %scan3A_78 : i32 to index
      %get3A_218 = arith.constant 160 : index
      %get3A_219 = tpu.vector_load %arg8[%get3A_217, %get3A_218] {strides = array<i32>} : memref<32x768xf32, #tpu.memory_space<vmem>>, vector<1x16xf32>,
      %get3A_220 = vector.shape_cast %get3A_219 : vector<1x16xf32> to vector<16xf32>
      %get3A_221 = arith.index_cast %scan3A_78 : i32 to index
      %get3A_222 = arith.constant 160 : index
      %get3A_223 = tpu.vector_load %arg9[%get3A_221, %get3A_222] {strides = array<i32>} : memref<32x768xf32, #tpu.memory_space<vmem>>, vector<1x16xf32>,
      %get3A_224 = vector.shape_cast %get3A_223 : vector<1x16xf32> to vector<16xf32>
      %add3A_225 = arith.addf %get3A_220, %get3A_224 : vector<16xf32>
      %swap3A_226 = arith.index_cast %scan3A_78 : i32 to index
      %swap3A_227 = arith.constant 160 : index
      %swap3A_228 = tpu.vector_load %arg8[%swap3A_226, %swap3A_227] {strides = array<i32>} : memref<32x768xf32, #tpu.memory_space<vmem>>, vector<1x16xf32>,
      %swap3A_229 = vector.shape_cast %swap3A_228 : vector<1x16xf32> to vector<16xf32>
      %swap3A_230 = vector.shape_cast %add3A_225 : vector<16xf32> to vector<1x16xf32>
      tpu.vector_store %arg8[%swap3A_226, %swap3A_227], %swap3A_230 {strides = array<i32>} : memref<32x768xf32, #tpu.memory_space<vmem>>, vector<1x16xf32>,
      %get3A_231 = arith.index_cast %scan3A_78 : i32 to index
      %get3A_232 = arith.constant 176 : index
      %get3A_233 = tpu.vector_load %arg8[%get3A_231, %get3A_232] {strides = array<i32>} : memref<32x768xf32, #tpu.memory_space<vmem>>, vector<1x16xf32>,
      %get3A_234 = vector.shape_cast %get3A_233 : vector<1x16xf32> to vector<16xf32>
      %get3A_235 = arith.index_cast %scan3A_78 : i32 to index
      %get3A_236 = arith.constant 176 : index
      %get3A_237 = tpu.vector_load %arg9[%get3A_235, %get3A_236] {strides = array<i32>} : memref<32x768xf32, #tpu.memory_space<vmem>>, vector<1x16xf32>,
      %get3A_238 = vector.shape_cast %get3A_237 : vector<1x16xf32> to vector<16xf32>
      %add3A_239 = arith.addf %get3A_234, %get3A_238 : vector<16xf32>
      %swap3A_240 = arith.index_cast %scan3A_78 : i32 to index
      %swap3A_241 = arith.constant 176 : index
      %swap3A_242 = tpu.vector_load %arg8[%swap3A_240, %swap3A_241] {strides = array<i32>} : memref<32x768xf32, #tpu.memory_space<vmem>>, vector<1x16xf32>,
      %swap3A_243 = vector.shape_cast %swap3A_242 : vector<1x16xf32> to vector<16xf32>
      %swap3A_244 = vector.shape_cast %add3A_239 : vector<16xf32> to vector<1x16xf32>
      tpu.vector_store %arg8[%swap3A_240, %swap3A_241], %swap3A_244 {strides = array<i32>} : memref<32x768xf32, #tpu.memory_space<vmem>>, vector<1x16xf32>,
      %get3A_245 = arith.index_cast %scan3A_78 : i32 to index
      %get3A_246 = arith.constant 192 : index
      %get3A_247 = tpu.vector_load %arg8[%get3A_245, %get3A_246] {strides = array<i32>} : memref<32x768xf32, #tpu.memory_space<vmem>>, vector<1x16xf32>,
      %get3A_248 = vector.shape_cast %get3A_247 : vector<1x16xf32> to vector<16xf32>
      %get3A_249 = arith.index_cast %scan3A_78 : i32 to index
      %get3A_250 = arith.constant 192 : index
      %get3A_251 = tpu.vector_load %arg9[%get3A_249, %get3A_250] {strides = array<i32>} : memref<32x768xf32, #tpu.memory_space<vmem>>, vector<1x16xf32>,
      %get3A_252 = vector.shape_cast %get3A_251 : vector<1x16xf32> to vector<16xf32>
      %add3A_253 = arith.addf %get3A_248, %get3A_252 : vector<16xf32>
      %swap3A_254 = arith.index_cast %scan3A_78 : i32 to index
      %swap3A_255 = arith.constant 192 : index
      %swap3A_256 = tpu.vector_load %arg8[%swap3A_254, %swap3A_255] {strides = array<i32>} : memref<32x768xf32, #tpu.memory_space<vmem>>, vector<1x16xf32>,
      %swap3A_257 = vector.shape_cast %swap3A_256 : vector<1x16xf32> to vector<16xf32>
      %swap3A_258 = vector.shape_cast %add3A_253 : vector<16xf32> to vector<1x16xf32>
      tpu.vector_store %arg8[%swap3A_254, %swap3A_255], %swap3A_258 {strides = array<i32>} : memref<32x768xf32, #tpu.memory_space<vmem>>, vector<1x16xf32>,
      %get3A_259 = arith.index_cast %scan3A_78 : i32 to index
      %get3A_260 = arith.constant 208 : index
      %get3A_261 = tpu.vector_load %arg8[%get3A_259, %get3A_260] {strides = array<i32>} : memref<32x768xf32, #tpu.memory_space<vmem>>, vector<1x16xf32>,
      %get3A_262 = vector.shape_cast %get3A_261 : vector<1x16xf32> to vector<16xf32>
      %get3A_263 = arith.index_cast %scan3A_78 : i32 to index
      %get3A_264 = arith.constant 208 : index
      %get3A_265 = tpu.vector_load %arg9[%get3A_263, %get3A_264] {strides = array<i32>} : memref<32x768xf32, #tpu.memory_space<vmem>>, vector<1x16xf32>,
      %get3A_266 = vector.shape_cast %get3A_265 : vector<1x16xf32> to vector<16xf32>
      %add3A_267 = arith.addf %get3A_262, %get3A_266 : vector<16xf32>
      %swap3A_268 = arith.index_cast %scan3A_78 : i32 to index
      %swap3A_269 = arith.constant 208 : index
      %swap3A_270 = tpu.vector_load %arg8[%swap3A_268, %swap3A_269] {strides = array<i32>} : memref<32x768xf32, #tpu.memory_space<vmem>>, vector<1x16xf32>,
      %swap3A_271 = vector.shape_cast %swap3A_270 : vector<1x16xf32> to vector<16xf32>
      %swap3A_272 = vector.shape_cast %add3A_267 : vector<16xf32> to vector<1x16xf32>
      tpu.vector_store %arg8[%swap3A_268, %swap3A_269], %swap3A_272 {strides = array<i32>} : memref<32x768xf32, #tpu.memory_space<vmem>>, vector<1x16xf32>,
      %get3A_273 = arith.index_cast %scan3A_78 : i32 to index
      %get3A_274 = arith.constant 224 : index
      %get3A_275 = tpu.vector_load %arg8[%get3A_273, %get3A_274] {strides = array<i32>} : memref<32x768xf32, #tpu.memory_space<vmem>>, vector<1x16xf32>,
      %get3A_276 = vector.shape_cast %get3A_275 : vector<1x16xf32> to vector<16xf32>
      %get3A_277 = arith.index_cast %scan3A_78 : i32 to index
      %get3A_278 = arith.constant 224 : index
      %get3A_279 = tpu.vector_load %arg9[%get3A_277, %get3A_278] {strides = array<i32>} : memref<32x768xf32, #tpu.memory_space<vmem>>, vector<1x16xf32>,
      %get3A_280 = vector.shape_cast %get3A_279 : vector<1x16xf32> to vector<16xf32>
      %add3A_281 = arith.addf %get3A_276, %get3A_280 : vector<16xf32>
      %swap3A_282 = arith.index_cast %scan3A_78 : i32 to index
      %swap3A_283 = arith.constant 224 : index
      %swap3A_284 = tpu.vector_load %arg8[%swap3A_282, %swap3A_283] {strides = array<i32>} : memref<32x768xf32, #tpu.memory_space<vmem>>, vector<1x16xf32>,
      %swap3A_285 = vector.shape_cast %swap3A_284 : vector<1x16xf32> to vector<16xf32>
      %swap3A_286 = vector.shape_cast %add3A_281 : vector<16xf32> to vector<1x16xf32>
      tpu.vector_store %arg8[%swap3A_282, %swap3A_283], %swap3A_286 {strides = array<i32>} : memref<32x768xf32, #tpu.memory_space<vmem>>, vector<1x16xf32>,
      %get3A_287 = arith.index_cast %scan3A_78 : i32 to index
      %get3A_288 = arith.constant 240 : index
      %get3A_289 = tpu.vector_load %arg8[%get3A_287, %get3A_288] {strides = array<i32>} : memref<32x768xf32, #tpu.memory_space<vmem>>, vector<1x16xf32>,
      %get3A_290 = vector.shape_cast %get3A_289 : vector<1x16xf32> to vector<16xf32>
      %get3A_291 = arith.index_cast %scan3A_78 : i32 to index
      %get3A_292 = arith.constant 240 : index
      %get3A_293 = tpu.vector_load %arg9[%get3A_291, %get3A_292] {strides = array<i32>} : memref<32x768xf32, #tpu.memory_space<vmem>>, vector<1x16xf32>,
      %get3A_294 = vector.shape_cast %get3A_293 : vector<1x16xf32> to vector<16xf32>
      %add3A_295 = arith.addf %get3A_290, %get3A_294 : vector<16xf32>
      %swap3A_296 = arith.index_cast %scan3A_78 : i32 to index
      %swap3A_297 = arith.constant 240 : index
      %swap3A_298 = tpu.vector_load %arg8[%swap3A_296, %swap3A_297] {strides = array<i32>} : memref<32x768xf32, #tpu.memory_space<vmem>>, vector<1x16xf32>,
      %swap3A_299 = vector.shape_cast %swap3A_298 : vector<1x16xf32> to vector<16xf32>
      %swap3A_300 = vector.shape_cast %add3A_295 : vector<16xf32> to vector<1x16xf32>
      tpu.vector_store %arg8[%swap3A_296, %swap3A_297], %swap3A_300 {strides = array<i32>} : memref<32x768xf32, #tpu.memory_space<vmem>>, vector<1x16xf32>,
      %get3A_301 = arith.index_cast %scan3A_78 : i32 to index
      %get3A_302 = arith.constant 256 : index
      %get3A_303 = tpu.vector_load %arg8[%get3A_301, %get3A_302] {strides = array<i32>} : memref<32x768xf32, #tpu.memory_space<vmem>>, vector<1x16xf32>,
      %get3A_304 = vector.shape_cast %get3A_303 : vector<1x16xf32> to vector<16xf32>
      %get3A_305 = arith.index_cast %scan3A_78 : i32 to index
      %get3A_306 = arith.constant 256 : index
      %get3A_307 = tpu.vector_load %arg9[%get3A_305, %get3A_306] {strides = array<i32>} : memref<32x768xf32, #tpu.memory_space<vmem>>, vector<1x16xf32>,
      %get3A_308 = vector.shape_cast %get3A_307 : vector<1x16xf32> to vector<16xf32>
      %add3A_309 = arith.addf %get3A_304, %get3A_308 : vector<16xf32>
      %swap3A_310 = arith.index_cast %scan3A_78 : i32 to index
      %swap3A_311 = arith.constant 256 : index
      %swap3A_312 = tpu.vector_load %arg8[%swap3A_310, %swap3A_311] {strides = array<i32>} : memref<32x768xf32, #tpu.memory_space<vmem>>, vector<1x16xf32>,
      %swap3A_313 = vector.shape_cast %swap3A_312 : vector<1x16xf32> to vector<16xf32>
      %swap3A_314 = vector.shape_cast %add3A_309 : vector<16xf32> to vector<1x16xf32>
      tpu.vector_store %arg8[%swap3A_310, %swap3A_311], %swap3A_314 {strides = array<i32>} : memref<32x768xf32, #tpu.memory_space<vmem>>, vector<1x16xf32>,
      %get3A_315 = arith.index_cast %scan3A_78 : i32 to index
      %get3A_316 = arith.constant 272 : index
      %get3A_317 = tpu.vector_load %arg8[%get3A_315, %get3A_316] {strides = array<i32>} : memref<32x768xf32, #tpu.memory_space<vmem>>, vector<1x16xf32>,
      %get3A_318 = vector.shape_cast %get3A_317 : vector<1x16xf32> to vector<16xf32>
      %get3A_319 = arith.index_cast %scan3A_78 : i32 to index
      %get3A_320 = arith.constant 272 : index
      %get3A_321 = tpu.vector_load %arg9[%get3A_319, %get3A_320] {strides = array<i32>} : memref<32x768xf32, #tpu.memory_space<vmem>>, vector<1x16xf32>,
      %get3A_322 = vector.shape_cast %get3A_321 : vector<1x16xf32> to vector<16xf32>
      %add3A_323 = arith.addf %get3A_318, %get3A_322 : vector<16xf32>
      %swap3A_324 = arith.index_cast %scan3A_78 : i32 to index
      %swap3A_325 = arith.constant 272 : index
      %swap3A_326 = tpu.vector_load %arg8[%swap3A_324, %swap3A_325] {strides = array<i32>} : memref<32x768xf32, #tpu.memory_space<vmem>>, vector<1x16xf32>,
      %swap3A_327 = vector.shape_cast %swap3A_326 : vector<1x16xf32> to vector<16xf32>
      %swap3A_328 = vector.shape_cast %add3A_323 : vector<16xf32> to vector<1x16xf32>
      tpu.vector_store %arg8[%swap3A_324, %swap3A_325], %swap3A_328 {strides = array<i32>} : memref<32x768xf32, #tpu.memory_space<vmem>>, vector<1x16xf32>,
      %get3A_329 = arith.index_cast %scan3A_78 : i32 to index
      %get3A_330 = arith.constant 288 : index
      %get3A_331 = tpu.vector_load %arg8[%get3A_329, %get3A_330] {strides = array<i32>} : memref<32x768xf32, #tpu.memory_space<vmem>>, vector<1x16xf32>,
      %get3A_332 = vector.shape_cast %get3A_331 : vector<1x16xf32> to vector<16xf32>
      %get3A_333 = arith.index_cast %scan3A_78 : i32 to index
      %get3A_334 = arith.constant 288 : index
      %get3A_335 = tpu.vector_load %arg9[%get3A_333, %get3A_334] {strides = array<i32>} : memref<32x768xf32, #tpu.memory_space<vmem>>, vector<1x16xf32>,
      %get3A_336 = vector.shape_cast %get3A_335 : vector<1x16xf32> to vector<16xf32>
      %add3A_337 = arith.addf %get3A_332, %get3A_336 : vector<16xf32>
      %swap3A_338 = arith.index_cast %scan3A_78 : i32 to index
      %swap3A_339 = arith.constant 288 : index
      %swap3A_340 = tpu.vector_load %arg8[%swap3A_338, %swap3A_339] {strides = array<i32>} : memref<32x768xf32, #tpu.memory_space<vmem>>, vector<1x16xf32>,
      %swap3A_341 = vector.shape_cast %swap3A_340 : vector<1x16xf32> to vector<16xf32>
      %swap3A_342 = vector.shape_cast %add3A_337 : vector<16xf32> to vector<1x16xf32>
      tpu.vector_store %arg8[%swap3A_338, %swap3A_339], %swap3A_342 {strides = array<i32>} : memref<32x768xf32, #tpu.memory_space<vmem>>, vector<1x16xf32>,
      %get3A_343 = arith.index_cast %scan3A_78 : i32 to index
      %get3A_344 = arith.constant 304 : index
      %get3A_345 = tpu.vector_load %arg8[%get3A_343, %get3A_344] {strides = array<i32>} : memref<32x768xf32, #tpu.memory_space<vmem>>, vector<1x16xf32>,
      %get3A_346 = vector.shape_cast %get3A_345 : vector<1x16xf32> to vector<16xf32>
      %get3A_347 = arith.index_cast %scan3A_78 : i32 to index
      %get3A_348 = arith.constant 304 : index
      %get3A_349 = tpu.vector_load %arg9[%get3A_347, %get3A_348] {strides = array<i32>} : memref<32x768xf32, #tpu.memory_space<vmem>>, vector<1x16xf32>,
      %get3A_350 = vector.shape_cast %get3A_349 : vector<1x16xf32> to vector<16xf32>
      %add3A_351 = arith.addf %get3A_346, %get3A_350 : vector<16xf32>
      %swap3A_352 = arith.index_cast %scan3A_78 : i32 to index
      %swap3A_353 = arith.constant 304 : index
      %swap3A_354 = tpu.vector_load %arg8[%swap3A_352, %swap3A_353] {strides = array<i32>} : memref<32x768xf32, #tpu.memory_space<vmem>>, vector<1x16xf32>,
      %swap3A_355 = vector.shape_cast %swap3A_354 : vector<1x16xf32> to vector<16xf32>
      %swap3A_356 = vector.shape_cast %add3A_351 : vector<16xf32> to vector<1x16xf32>
      tpu.vector_store %arg8[%swap3A_352, %swap3A_353], %swap3A_356 {strides = array<i32>} : memref<32x768xf32, #tpu.memory_space<vmem>>, vector<1x16xf32>,
      %get3A_357 = arith.index_cast %scan3A_78 : i32 to index
      %get3A_358 = arith.constant 320 : index
      %get3A_359 = tpu.vector_load %arg8[%get3A_357, %get3A_358] {strides = array<i32>} : memref<32x768xf32, #tpu.memory_space<vmem>>, vector<1x16xf32>,
      %get3A_360 = vector.shape_cast %get3A_359 : vector<1x16xf32> to vector<16xf32>
      %get3A_361 = arith.index_cast %scan3A_78 : i32 to index
      %get3A_362 = arith.constant 320 : index
      %get3A_363 = tpu.vector_load %arg9[%get3A_361, %get3A_362] {strides = array<i32>} : memref<32x768xf32, #tpu.memory_space<vmem>>, vector<1x16xf32>,
      %get3A_364 = vector.shape_cast %get3A_363 : vector<1x16xf32> to vector<16xf32>
      %add3A_365 = arith.addf %get3A_360, %get3A_364 : vector<16xf32>
      %swap3A_366 = arith.index_cast %scan3A_78 : i32 to index
      %swap3A_367 = arith.constant 320 : index
      %swap3A_368 = tpu.vector_load %arg8[%swap3A_366, %swap3A_367] {strides = array<i32>} : memref<32x768xf32, #tpu.memory_space<vmem>>, vector<1x16xf32>,
      %swap3A_369 = vector.shape_cast %swap3A_368 : vector<1x16xf32> to vector<16xf32>
      %swap3A_370 = vector.shape_cast %add3A_365 : vector<16xf32> to vector<1x16xf32>
      tpu.vector_store %arg8[%swap3A_366, %swap3A_367], %swap3A_370 {strides = array<i32>} : memref<32x768xf32, #tpu.memory_space<vmem>>, vector<1x16xf32>,
      %get3A_371 = arith.index_cast %scan3A_78 : i32 to index
      %get3A_372 = arith.constant 336 : index
      %get3A_373 = tpu.vector_load %arg8[%get3A_371, %get3A_372] {strides = array<i32>} : memref<32x768xf32, #tpu.memory_space<vmem>>, vector<1x16xf32>,
      %get3A_374 = vector.shape_cast %get3A_373 : vector<1x16xf32> to vector<16xf32>
      %get3A_375 = arith.index_cast %scan3A_78 : i32 to index
      %get3A_376 = arith.constant 336 : index
      %get3A_377 = tpu.vector_load %arg9[%get3A_375, %get3A_376] {strides = array<i32>} : memref<32x768xf32, #tpu.memory_space<vmem>>, vector<1x16xf32>,
      %get3A_378 = vector.shape_cast %get3A_377 : vector<1x16xf32> to vector<16xf32>
      %add3A_379 = arith.addf %get3A_374, %get3A_378 : vector<16xf32>
      %swap3A_380 = arith.index_cast %scan3A_78 : i32 to index
      %swap3A_381 = arith.constant 336 : index
      %swap3A_382 = tpu.vector_load %arg8[%swap3A_380, %swap3A_381] {strides = array<i32>} : memref<32x768xf32, #tpu.memory_space<vmem>>, vector<1x16xf32>,
      %swap3A_383 = vector.shape_cast %swap3A_382 : vector<1x16xf32> to vector<16xf32>
      %swap3A_384 = vector.shape_cast %add3A_379 : vector<16xf32> to vector<1x16xf32>
      tpu.vector_store %arg8[%swap3A_380, %swap3A_381], %swap3A_384 {strides = array<i32>} : memref<32x768xf32, #tpu.memory_space<vmem>>, vector<1x16xf32>,
      %get3A_385 = arith.index_cast %scan3A_78 : i32 to index
      %get3A_386 = arith.constant 352 : index
      %get3A_387 = tpu.vector_load %arg8[%get3A_385, %get3A_386] {strides = array<i32>} : memref<32x768xf32, #tpu.memory_space<vmem>>, vector<1x16xf32>,
      %get3A_388 = vector.shape_cast %get3A_387 : vector<1x16xf32> to vector<16xf32>
      %get3A_389 = arith.index_cast %scan3A_78 : i32 to index
      %get3A_390 = arith.constant 352 : index
      %get3A_391 = tpu.vector_load %arg9[%get3A_389, %get3A_390] {strides = array<i32>} : memref<32x768xf32, #tpu.memory_space<vmem>>, vector<1x16xf32>,
      %get3A_392 = vector.shape_cast %get3A_391 : vector<1x16xf32> to vector<16xf32>
      %add3A_393 = arith.addf %get3A_388, %get3A_392 : vector<16xf32>
      %swap3A_394 = arith.index_cast %scan3A_78 : i32 to index
      %swap3A_395 = arith.constant 352 : index
      %swap3A_396 = tpu.vector_load %arg8[%swap3A_394, %swap3A_395] {strides = array<i32>} : memref<32x768xf32, #tpu.memory_space<vmem>>, vector<1x16xf32>,
      %swap3A_397 = vector.shape_cast %swap3A_396 : vector<1x16xf32> to vector<16xf32>
      %swap3A_398 = vector.shape_cast %add3A_393 : vector<16xf32> to vector<1x16xf32>
      tpu.vector_store %arg8[%swap3A_394, %swap3A_395], %swap3A_398 {strides = array<i32>} : memref<32x768xf32, #tpu.memory_space<vmem>>, vector<1x16xf32>,
      %get3A_399 = arith.index_cast %scan3A_78 : i32 to index
      %get3A_400 = arith.constant 368 : index
      %get3A_401 = tpu.vector_load %arg8[%get3A_399, %get3A_400] {strides = array<i32>} : memref<32x768xf32, #tpu.memory_space<vmem>>, vector<1x16xf32>,
      %get3A_402 = vector.shape_cast %get3A_401 : vector<1x16xf32> to vector<16xf32>
      %get3A_403 = arith.index_cast %scan3A_78 : i32 to index
      %get3A_404 = arith.constant 368 : index
      %get3A_405 = tpu.vector_load %arg9[%get3A_403, %get3A_404] {strides = array<i32>} : memref<32x768xf32, #tpu.memory_space<vmem>>, vector<1x16xf32>,
      %get3A_406 = vector.shape_cast %get3A_405 : vector<1x16xf32> to vector<16xf32>
      %add3A_407 = arith.addf %get3A_402, %get3A_406 : vector<16xf32>
      %swap3A_408 = arith.index_cast %scan3A_78 : i32 to index
      %swap3A_409 = arith.constant 368 : index
      %swap3A_410 = tpu.vector_load %arg8[%swap3A_408, %swap3A_409] {strides = array<i32>} : memref<32x768xf32, #tpu.memory_space<vmem>>, vector<1x16xf32>,
      %swap3A_411 = vector.shape_cast %swap3A_410 : vector<1x16xf32> to vector<16xf32>
      %swap3A_412 = vector.shape_cast %add3A_407 : vector<16xf32> to vector<1x16xf32>
      tpu.vector_store %arg8[%swap3A_408, %swap3A_409], %swap3A_412 {strides = array<i32>} : memref<32x768xf32, #tpu.memory_space<vmem>>, vector<1x16xf32>,
      %get3A_413 = arith.index_cast %scan3A_78 : i32 to index
      %get3A_414 = arith.constant 384 : index
      %get3A_415 = tpu.vector_load %arg8[%get3A_413, %get3A_414] {strides = array<i32>} : memref<32x768xf32, #tpu.memory_space<vmem>>, vector<1x16xf32>,
      %get3A_416 = vector.shape_cast %get3A_415 : vector<1x16xf32> to vector<16xf32>
      %get3A_417 = arith.index_cast %scan3A_78 : i32 to index
      %get3A_418 = arith.constant 384 : index
      %get3A_419 = tpu.vector_load %arg9[%get3A_417, %get3A_418] {strides = array<i32>} : memref<32x768xf32, #tpu.memory_space<vmem>>, vector<1x16xf32>,
      %get3A_420 = vector.shape_cast %get3A_419 : vector<1x16xf32> to vector<16xf32>
      %add3A_421 = arith.addf %get3A_416, %get3A_420 : vector<16xf32>
      %swap3A_422 = arith.index_cast %scan3A_78 : i32 to index
      %swap3A_423 = arith.constant 384 : index
      %swap3A_424 = tpu.vector_load %arg8[%swap3A_422, %swap3A_423] {strides = array<i32>} : memref<32x768xf32, #tpu.memory_space<vmem>>, vector<1x16xf32>,
      %swap3A_425 = vector.shape_cast %swap3A_424 : vector<1x16xf32> to vector<16xf32>
      %swap3A_426 = vector.shape_cast %add3A_421 : vector<16xf32> to vector<1x16xf32>
      tpu.vector_store %arg8[%swap3A_422, %swap3A_423], %swap3A_426 {strides = array<i32>} : memref<32x768xf32, #tpu.memory_space<vmem>>, vector<1x16xf32>,
      %get3A_427 = arith.index_cast %scan3A_78 : i32 to index
      %get3A_428 = arith.constant 400 : index
      %get3A_429 = tpu.vector_load %arg8[%get3A_427, %get3A_428] {strides = array<i32>} : memref<32x768xf32, #tpu.memory_space<vmem>>, vector<1x16xf32>,
      %get3A_430 = vector.shape_cast %get3A_429 : vector<1x16xf32> to vector<16xf32>
      %get3A_431 = arith.index_cast %scan3A_78 : i32 to index
      %get3A_432 = arith.constant 400 : index
      %get3A_433 = tpu.vector_load %arg9[%get3A_431, %get3A_432] {strides = array<i32>} : memref<32x768xf32, #tpu.memory_space<vmem>>, vector<1x16xf32>,
      %get3A_434 = vector.shape_cast %get3A_433 : vector<1x16xf32> to vector<16xf32>
      %add3A_435 = arith.addf %get3A_430, %get3A_434 : vector<16xf32>
      %swap3A_436 = arith.index_cast %scan3A_78 : i32 to index
      %swap3A_437 = arith.constant 400 : index
      %swap3A_438 = tpu.vector_load %arg8[%swap3A_436, %swap3A_437] {strides = array<i32>} : memref<32x768xf32, #tpu.memory_space<vmem>>, vector<1x16xf32>,
      %swap3A_439 = vector.shape_cast %swap3A_438 : vector<1x16xf32> to vector<16xf32>
      %swap3A_440 = vector.shape_cast %add3A_435 : vector<16xf32> to vector<1x16xf32>
      tpu.vector_store %arg8[%swap3A_436, %swap3A_437], %swap3A_440 {strides = array<i32>} : memref<32x768xf32, #tpu.memory_space<vmem>>, vector<1x16xf32>,
      %get3A_441 = arith.index_cast %scan3A_78 : i32 to index
      %get3A_442 = arith.constant 416 : index
      %get3A_443 = tpu.vector_load %arg8[%get3A_441, %get3A_442] {strides = array<i32>} : memref<32x768xf32, #tpu.memory_space<vmem>>, vector<1x16xf32>,
      %get3A_444 = vector.shape_cast %get3A_443 : vector<1x16xf32> to vector<16xf32>
      %get3A_445 = arith.index_cast %scan3A_78 : i32 to index
      %get3A_446 = arith.constant 416 : index
      %get3A_447 = tpu.vector_load %arg9[%get3A_445, %get3A_446] {strides = array<i32>} : memref<32x768xf32, #tpu.memory_space<vmem>>, vector<1x16xf32>,
      %get3A_448 = vector.shape_cast %get3A_447 : vector<1x16xf32> to vector<16xf32>
      %add3A_449 = arith.addf %get3A_444, %get3A_448 : vector<16xf32>
      %swap3A_450 = arith.index_cast %scan3A_78 : i32 to index
      %swap3A_451 = arith.constant 416 : index
      %swap3A_452 = tpu.vector_load %arg8[%swap3A_450, %swap3A_451] {strides = array<i32>} : memref<32x768xf32, #tpu.memory_space<vmem>>, vector<1x16xf32>,
      %swap3A_453 = vector.shape_cast %swap3A_452 : vector<1x16xf32> to vector<16xf32>
      %swap3A_454 = vector.shape_cast %add3A_449 : vector<16xf32> to vector<1x16xf32>
      tpu.vector_store %arg8[%swap3A_450, %swap3A_451], %swap3A_454 {strides = array<i32>} : memref<32x768xf32, #tpu.memory_space<vmem>>, vector<1x16xf32>,
      %get3A_455 = arith.index_cast %scan3A_78 : i32 to index
      %get3A_456 = arith.constant 432 : index
      %get3A_457 = tpu.vector_load %arg8[%get3A_455, %get3A_456] {strides = array<i32>} : memref<32x768xf32, #tpu.memory_space<vmem>>, vector<1x16xf32>,
      %get3A_458 = vector.shape_cast %get3A_457 : vector<1x16xf32> to vector<16xf32>
      %get3A_459 = arith.index_cast %scan3A_78 : i32 to index
      %get3A_460 = arith.constant 432 : index
      %get3A_461 = tpu.vector_load %arg9[%get3A_459, %get3A_460] {strides = array<i32>} : memref<32x768xf32, #tpu.memory_space<vmem>>, vector<1x16xf32>,
      %get3A_462 = vector.shape_cast %get3A_461 : vector<1x16xf32> to vector<16xf32>
      %add3A_463 = arith.addf %get3A_458, %get3A_462 : vector<16xf32>
      %swap3A_464 = arith.index_cast %scan3A_78 : i32 to index
      %swap3A_465 = arith.constant 432 : index
      %swap3A_466 = tpu.vector_load %arg8[%swap3A_464, %swap3A_465] {strides = array<i32>} : memref<32x768xf32, #tpu.memory_space<vmem>>, vector<1x16xf32>,
      %swap3A_467 = vector.shape_cast %swap3A_466 : vector<1x16xf32> to vector<16xf32>
      %swap3A_468 = vector.shape_cast %add3A_463 : vector<16xf32> to vector<1x16xf32>
      tpu.vector_store %arg8[%swap3A_464, %swap3A_465], %swap3A_468 {strides = array<i32>} : memref<32x768xf32, #tpu.memory_space<vmem>>, vector<1x16xf32>,
      %get3A_469 = arith.index_cast %scan3A_78 : i32 to index
      %get3A_470 = arith.constant 448 : index
      %get3A_471 = tpu.vector_load %arg8[%get3A_469, %get3A_470] {strides = array<i32>} : memref<32x768xf32, #tpu.memory_space<vmem>>, vector<1x16xf32>,
      %get3A_472 = vector.shape_cast %get3A_471 : vector<1x16xf32> to vector<16xf32>
      %get3A_473 = arith.index_cast %scan3A_78 : i32 to index
      %get3A_474 = arith.constant 448 : index
      %get3A_475 = tpu.vector_load %arg9[%get3A_473, %get3A_474] {strides = array<i32>} : memref<32x768xf32, #tpu.memory_space<vmem>>, vector<1x16xf32>,
      %get3A_476 = vector.shape_cast %get3A_475 : vector<1x16xf32> to vector<16xf32>
      %add3A_477 = arith.addf %get3A_472, %get3A_476 : vector<16xf32>
      %swap3A_478 = arith.index_cast %scan3A_78 : i32 to index
      %swap3A_479 = arith.constant 448 : index
      %swap3A_480 = tpu.vector_load %arg8[%swap3A_478, %swap3A_479] {strides = array<i32>} : memref<32x768xf32, #tpu.memory_space<vmem>>, vector<1x16xf32>,
      %swap3A_481 = vector.shape_cast %swap3A_480 : vector<1x16xf32> to vector<16xf32>
      %swap3A_482 = vector.shape_cast %add3A_477 : vector<16xf32> to vector<1x16xf32>
      tpu.vector_store %arg8[%swap3A_478, %swap3A_479], %swap3A_482 {strides = array<i32>} : memref<32x768xf32, #tpu.memory_space<vmem>>, vector<1x16xf32>,
      %get3A_483 = arith.index_cast %scan3A_78 : i32 to index
      %get3A_484 = arith.constant 464 : index
      %get3A_485 = tpu.vector_load %arg8[%get3A_483, %get3A_484] {strides = array<i32>} : memref<32x768xf32, #tpu.memory_space<vmem>>, vector<1x16xf32>,
      %get3A_486 = vector.shape_cast %get3A_485 : vector<1x16xf32> to vector<16xf32>
      %get3A_487 = arith.index_cast %scan3A_78 : i32 to index
      %get3A_488 = arith.constant 464 : index
      %get3A_489 = tpu.vector_load %arg9[%get3A_487, %get3A_488] {strides = array<i32>} : memref<32x768xf32, #tpu.memory_space<vmem>>, vector<1x16xf32>,
      %get3A_490 = vector.shape_cast %get3A_489 : vector<1x16xf32> to vector<16xf32>
      %add3A_491 = arith.addf %get3A_486, %get3A_490 : vector<16xf32>
      %swap3A_492 = arith.index_cast %scan3A_78 : i32 to index
      %swap3A_493 = arith.constant 464 : index
      %swap3A_494 = tpu.vector_load %arg8[%swap3A_492, %swap3A_493] {strides = array<i32>} : memref<32x768xf32, #tpu.memory_space<vmem>>, vector<1x16xf32>,
      %swap3A_495 = vector.shape_cast %swap3A_494 : vector<1x16xf32> to vector<16xf32>
      %swap3A_496 = vector.shape_cast %add3A_491 : vector<16xf32> to vector<1x16xf32>
      tpu.vector_store %arg8[%swap3A_492, %swap3A_493], %swap3A_496 {strides = array<i32>} : memref<32x768xf32, #tpu.memory_space<vmem>>, vector<1x16xf32>,
      %get3A_497 = arith.index_cast %scan3A_78 : i32 to index
      %get3A_498 = arith.constant 480 : index
      %get3A_499 = tpu.vector_load %arg8[%get3A_497, %get3A_498] {strides = array<i32>} : memref<32x768xf32, #tpu.memory_space<vmem>>, vector<1x16xf32>,
      %get3A_500 = vector.shape_cast %get3A_499 : vector<1x16xf32> to vector<16xf32>
      %get3A_501 = arith.index_cast %scan3A_78 : i32 to index
      %get3A_502 = arith.constant 480 : index
      %get3A_503 = tpu.vector_load %arg9[%get3A_501, %get3A_502] {strides = array<i32>} : memref<32x768xf32, #tpu.memory_space<vmem>>, vector<1x16xf32>,
      %get3A_504 = vector.shape_cast %get3A_503 : vector<1x16xf32> to vector<16xf32>
      %add3A_505 = arith.addf %get3A_500, %get3A_504 : vector<16xf32>
      %swap3A_506 = arith.index_cast %scan3A_78 : i32 to index
      %swap3A_507 = arith.constant 480 : index
      %swap3A_508 = tpu.vector_load %arg8[%swap3A_506, %swap3A_507] {strides = array<i32>} : memref<32x768xf32, #tpu.memory_space<vmem>>, vector<1x16xf32>,
      %swap3A_509 = vector.shape_cast %swap3A_508 : vector<1x16xf32> to vector<16xf32>
      %swap3A_510 = vector.shape_cast %add3A_505 : vector<16xf32> to vector<1x16xf32>
      tpu.vector_store %arg8[%swap3A_506, %swap3A_507], %swap3A_510 {strides = array<i32>} : memref<32x768xf32, #tpu.memory_space<vmem>>, vector<1x16xf32>,
      %get3A_511 = arith.index_cast %scan3A_78 : i32 to index
      %get3A_512 = arith.constant 496 : index
      %get3A_513 = tpu.vector_load %arg8[%get3A_511, %get3A_512] {strides = array<i32>} : memref<32x768xf32, #tpu.memory_space<vmem>>, vector<1x16xf32>,
      %get3A_514 = vector.shape_cast %get3A_513 : vector<1x16xf32> to vector<16xf32>
      %get3A_515 = arith.index_cast %scan3A_78 : i32 to index
      %get3A_516 = arith.constant 496 : index
      %get3A_517 = tpu.vector_load %arg9[%get3A_515, %get3A_516] {strides = array<i32>} : memref<32x768xf32, #tpu.memory_space<vmem>>, vector<1x16xf32>,
      %get3A_518 = vector.shape_cast %get3A_517 : vector<1x16xf32> to vector<16xf32>
      %add3A_519 = arith.addf %get3A_514, %get3A_518 : vector<16xf32>
      %swap3A_520 = arith.index_cast %scan3A_78 : i32 to index
      %swap3A_521 = arith.constant 496 : index
      %swap3A_522 = tpu.vector_load %arg8[%swap3A_520, %swap3A_521] {strides = array<i32>} : memref<32x768xf32, #tpu.memory_space<vmem>>, vector<1x16xf32>,
      %swap3A_523 = vector.shape_cast %swap3A_522 : vector<1x16xf32> to vector<16xf32>
      %swap3A_524 = vector.shape_cast %add3A_519 : vector<16xf32> to vector<1x16xf32>
      tpu.vector_store %arg8[%swap3A_520, %swap3A_521], %swap3A_524 {strides = array<i32>} : memref<32x768xf32, #tpu.memory_space<vmem>>, vector<1x16xf32>,
      %get3A_525 = arith.index_cast %scan3A_78 : i32 to index
      %get3A_526 = arith.constant 512 : index
      %get3A_527 = tpu.vector_load %arg8[%get3A_525, %get3A_526] {strides = array<i32>} : memref<32x768xf32, #tpu.memory_space<vmem>>, vector<1x16xf32>,
      %get3A_528 = vector.shape_cast %get3A_527 : vector<1x16xf32> to vector<16xf32>
      %get3A_529 = arith.index_cast %scan3A_78 : i32 to index
      %get3A_530 = arith.constant 512 : index
      %get3A_531 = tpu.vector_load %arg9[%get3A_529, %get3A_530] {strides = array<i32>} : memref<32x768xf32, #tpu.memory_space<vmem>>, vector<1x16xf32>,
      %get3A_532 = vector.shape_cast %get3A_531 : vector<1x16xf32> to vector<16xf32>
      %add3A_533 = arith.addf %get3A_528, %get3A_532 : vector<16xf32>
      %swap3A_534 = arith.index_cast %scan3A_78 : i32 to index
      %swap3A_535 = arith.constant 512 : index
      %swap3A_536 = tpu.vector_load %arg8[%swap3A_534, %swap3A_535] {strides = array<i32>} : memref<32x768xf32, #tpu.memory_space<vmem>>, vector<1x16xf32>,
      %swap3A_537 = vector.shape_cast %swap3A_536 : vector<1x16xf32> to vector<16xf32>
      %swap3A_538 = vector.shape_cast %add3A_533 : vector<16xf32> to vector<1x16xf32>
      tpu.vector_store %arg8[%swap3A_534, %swap3A_535], %swap3A_538 {strides = array<i32>} : memref<32x768xf32, #tpu.memory_space<vmem>>, vector<1x16xf32>,
      %get3A_539 = arith.index_cast %scan3A_78 : i32 to index
      %get3A_540 = arith.constant 528 : index
      %get3A_541 = tpu.vector_load %arg8[%get3A_539, %get3A_540] {strides = array<i32>} : memref<32x768xf32, #tpu.memory_space<vmem>>, vector<1x16xf32>,
      %get3A_542 = vector.shape_cast %get3A_541 : vector<1x16xf32> to vector<16xf32>
      %get3A_543 = arith.index_cast %scan3A_78 : i32 to index
      %get3A_544 = arith.constant 528 : index
      %get3A_545 = tpu.vector_load %arg9[%get3A_543, %get3A_544] {strides = array<i32>} : memref<32x768xf32, #tpu.memory_space<vmem>>, vector<1x16xf32>,
      %get3A_546 = vector.shape_cast %get3A_545 : vector<1x16xf32> to vector<16xf32>
      %add3A_547 = arith.addf %get3A_542, %get3A_546 : vector<16xf32>
      %swap3A_548 = arith.index_cast %scan3A_78 : i32 to index
      %swap3A_549 = arith.constant 528 : index
      %swap3A_550 = tpu.vector_load %arg8[%swap3A_548, %swap3A_549] {strides = array<i32>} : memref<32x768xf32, #tpu.memory_space<vmem>>, vector<1x16xf32>,
      %swap3A_551 = vector.shape_cast %swap3A_550 : vector<1x16xf32> to vector<16xf32>
      %swap3A_552 = vector.shape_cast %add3A_547 : vector<16xf32> to vector<1x16xf32>
      tpu.vector_store %arg8[%swap3A_548, %swap3A_549], %swap3A_552 {strides = array<i32>} : memref<32x768xf32, #tpu.memory_space<vmem>>, vector<1x16xf32>,
      %get3A_553 = arith.index_cast %scan3A_78 : i32 to index
      %get3A_554 = arith.constant 544 : index
      %get3A_555 = tpu.vector_load %arg8[%get3A_553, %get3A_554] {strides = array<i32>} : memref<32x768xf32, #tpu.memory_space<vmem>>, vector<1x16xf32>,
      %get3A_556 = vector.shape_cast %get3A_555 : vector<1x16xf32> to vector<16xf32>
      %get3A_557 = arith.index_cast %scan3A_78 : i32 to index
      %get3A_558 = arith.constant 544 : index
      %get3A_559 = tpu.vector_load %arg9[%get3A_557, %get3A_558] {strides = array<i32>} : memref<32x768xf32, #tpu.memory_space<vmem>>, vector<1x16xf32>,
      %get3A_560 = vector.shape_cast %get3A_559 : vector<1x16xf32> to vector<16xf32>
      %add3A_561 = arith.addf %get3A_556, %get3A_560 : vector<16xf32>
      %swap3A_562 = arith.index_cast %scan3A_78 : i32 to index
      %swap3A_563 = arith.constant 544 : index
      %swap3A_564 = tpu.vector_load %arg8[%swap3A_562, %swap3A_563] {strides = array<i32>} : memref<32x768xf32, #tpu.memory_space<vmem>>, vector<1x16xf32>,
      %swap3A_565 = vector.shape_cast %swap3A_564 : vector<1x16xf32> to vector<16xf32>
      %swap3A_566 = vector.shape_cast %add3A_561 : vector<16xf32> to vector<1x16xf32>
      tpu.vector_store %arg8[%swap3A_562, %swap3A_563], %swap3A_566 {strides = array<i32>} : memref<32x768xf32, #tpu.memory_space<vmem>>, vector<1x16xf32>,
      %get3A_567 = arith.index_cast %scan3A_78 : i32 to index
      %get3A_568 = arith.constant 560 : index
      %get3A_569 = tpu.vector_load %arg8[%get3A_567, %get3A_568] {strides = array<i32>} : memref<32x768xf32, #tpu.memory_space<vmem>>, vector<1x16xf32>,
      %get3A_570 = vector.shape_cast %get3A_569 : vector<1x16xf32> to vector<16xf32>
      %get3A_571 = arith.index_cast %scan3A_78 : i32 to index
      %get3A_572 = arith.constant 560 : index
      %get3A_573 = tpu.vector_load %arg9[%get3A_571, %get3A_572] {strides = array<i32>} : memref<32x768xf32, #tpu.memory_space<vmem>>, vector<1x16xf32>,
      %get3A_574 = vector.shape_cast %get3A_573 : vector<1x16xf32> to vector<16xf32>
      %add3A_575 = arith.addf %get3A_570, %get3A_574 : vector<16xf32>
      %swap3A_576 = arith.index_cast %scan3A_78 : i32 to index
      %swap3A_577 = arith.constant 560 : index
      %swap3A_578 = tpu.vector_load %arg8[%swap3A_576, %swap3A_577] {strides = array<i32>} : memref<32x768xf32, #tpu.memory_space<vmem>>, vector<1x16xf32>,
      %swap3A_579 = vector.shape_cast %swap3A_578 : vector<1x16xf32> to vector<16xf32>
      %swap3A_580 = vector.shape_cast %add3A_575 : vector<16xf32> to vector<1x16xf32>
      tpu.vector_store %arg8[%swap3A_576, %swap3A_577], %swap3A_580 {strides = array<i32>} : memref<32x768xf32, #tpu.memory_space<vmem>>, vector<1x16xf32>,
      %get3A_581 = arith.index_cast %scan3A_78 : i32 to index
      %get3A_582 = arith.constant 576 : index
      %get3A_583 = tpu.vector_load %arg8[%get3A_581, %get3A_582] {strides = array<i32>} : memref<32x768xf32, #tpu.memory_space<vmem>>, vector<1x16xf32>,
      %get3A_584 = vector.shape_cast %get3A_583 : vector<1x16xf32> to vector<16xf32>
      %get3A_585 = arith.index_cast %scan3A_78 : i32 to index
      %get3A_586 = arith.constant 576 : index
      %get3A_587 = tpu.vector_load %arg9[%get3A_585, %get3A_586] {strides = array<i32>} : memref<32x768xf32, #tpu.memory_space<vmem>>, vector<1x16xf32>,
      %get3A_588 = vector.shape_cast %get3A_587 : vector<1x16xf32> to vector<16xf32>
      %add3A_589 = arith.addf %get3A_584, %get3A_588 : vector<16xf32>
      %swap3A_590 = arith.index_cast %scan3A_78 : i32 to index
      %swap3A_591 = arith.constant 576 : index
      %swap3A_592 = tpu.vector_load %arg8[%swap3A_590, %swap3A_591] {strides = array<i32>} : memref<32x768xf32, #tpu.memory_space<vmem>>, vector<1x16xf32>,
      %swap3A_593 = vector.shape_cast %swap3A_592 : vector<1x16xf32> to vector<16xf32>
      %swap3A_594 = vector.shape_cast %add3A_589 : vector<16xf32> to vector<1x16xf32>
      tpu.vector_store %arg8[%swap3A_590, %swap3A_591], %swap3A_594 {strides = array<i32>} : memref<32x768xf32, #tpu.memory_space<vmem>>, vector<1x16xf32>,
      %get3A_595 = arith.index_cast %scan3A_78 : i32 to index
      %get3A_596 = arith.constant 592 : index
      %get3A_597 = tpu.vector_load %arg8[%get3A_595, %get3A_596] {strides = array<i32>} : memref<32x768xf32, #tpu.memory_space<vmem>>, vector<1x16xf32>,
      %get3A_598 = vector.shape_cast %get3A_597 : vector<1x16xf32> to vector<16xf32>
      %get3A_599 = arith.index_cast %scan3A_78 : i32 to index
      %get3A_600 = arith.constant 592 : index
      %get3A_601 = tpu.vector_load %arg9[%get3A_599, %get3A_600] {strides = array<i32>} : memref<32x768xf32, #tpu.memory_space<vmem>>, vector<1x16xf32>,
      %get3A_602 = vector.shape_cast %get3A_601 : vector<1x16xf32> to vector<16xf32>
      %add3A_603 = arith.addf %get3A_598, %get3A_602 : vector<16xf32>
      %swap3A_604 = arith.index_cast %scan3A_78 : i32 to index
      %swap3A_605 = arith.constant 592 : index
      %swap3A_606 = tpu.vector_load %arg8[%swap3A_604, %swap3A_605] {strides = array<i32>} : memref<32x768xf32, #tpu.memory_space<vmem>>, vector<1x16xf32>,
      %swap3A_607 = vector.shape_cast %swap3A_606 : vector<1x16xf32> to vector<16xf32>
      %swap3A_608 = vector.shape_cast %add3A_603 : vector<16xf32> to vector<1x16xf32>
      tpu.vector_store %arg8[%swap3A_604, %swap3A_605], %swap3A_608 {strides = array<i32>} : memref<32x768xf32, #tpu.memory_space<vmem>>, vector<1x16xf32>,
      %get3A_609 = arith.index_cast %scan3A_78 : i32 to index
      %get3A_610 = arith.constant 608 : index
      %get3A_611 = tpu.vector_load %arg8[%get3A_609, %get3A_610] {strides = array<i32>} : memref<32x768xf32, #tpu.memory_space<vmem>>, vector<1x16xf32>,
      %get3A_612 = vector.shape_cast %get3A_611 : vector<1x16xf32> to vector<16xf32>
      %get3A_613 = arith.index_cast %scan3A_78 : i32 to index
      %get3A_614 = arith.constant 608 : index
      %get3A_615 = tpu.vector_load %arg9[%get3A_613, %get3A_614] {strides = array<i32>} : memref<32x768xf32, #tpu.memory_space<vmem>>, vector<1x16xf32>,
      %get3A_616 = vector.shape_cast %get3A_615 : vector<1x16xf32> to vector<16xf32>
      %add3A_617 = arith.addf %get3A_612, %get3A_616 : vector<16xf32>
      %swap3A_618 = arith.index_cast %scan3A_78 : i32 to index
      %swap3A_619 = arith.constant 608 : index
      %swap3A_620 = tpu.vector_load %arg8[%swap3A_618, %swap3A_619] {strides = array<i32>} : memref<32x768xf32, #tpu.memory_space<vmem>>, vector<1x16xf32>,
      %swap3A_621 = vector.shape_cast %swap3A_620 : vector<1x16xf32> to vector<16xf32>
      %swap3A_622 = vector.shape_cast %add3A_617 : vector<16xf32> to vector<1x16xf32>
      tpu.vector_store %arg8[%swap3A_618, %swap3A_619], %swap3A_622 {strides = array<i32>} : memref<32x768xf32, #tpu.memory_space<vmem>>, vector<1x16xf32>,
      %get3A_623 = arith.index_cast %scan3A_78 : i32 to index
      %get3A_624 = arith.constant 624 : index
      %get3A_625 = tpu.vector_load %arg8[%get3A_623, %get3A_624] {strides = array<i32>} : memref<32x768xf32, #tpu.memory_space<vmem>>, vector<1x16xf32>,
      %get3A_626 = vector.shape_cast %get3A_625 : vector<1x16xf32> to vector<16xf32>
      %get3A_627 = arith.index_cast %scan3A_78 : i32 to index
      %get3A_628 = arith.constant 624 : index
      %get3A_629 = tpu.vector_load %arg9[%get3A_627, %get3A_628] {strides = array<i32>} : memref<32x768xf32, #tpu.memory_space<vmem>>, vector<1x16xf32>,
      %get3A_630 = vector.shape_cast %get3A_629 : vector<1x16xf32> to vector<16xf32>
      %add3A_631 = arith.addf %get3A_626, %get3A_630 : vector<16xf32>
      %swap3A_632 = arith.index_cast %scan3A_78 : i32 to index
      %swap3A_633 = arith.constant 624 : index
      %swap3A_634 = tpu.vector_load %arg8[%swap3A_632, %swap3A_633] {strides = array<i32>} : memref<32x768xf32, #tpu.memory_space<vmem>>, vector<1x16xf32>,
      %swap3A_635 = vector.shape_cast %swap3A_634 : vector<1x16xf32> to vector<16xf32>
      %swap3A_636 = vector.shape_cast %add3A_631 : vector<16xf32> to vector<1x16xf32>
      tpu.vector_store %arg8[%swap3A_632, %swap3A_633], %swap3A_636 {strides = array<i32>} : memref<32x768xf32, #tpu.memory_space<vmem>>, vector<1x16xf32>,
      %get3A_637 = arith.index_cast %scan3A_78 : i32 to index
      %get3A_638 = arith.constant 640 : index
      %get3A_639 = tpu.vector_load %arg8[%get3A_637, %get3A_638] {strides = array<i32>} : memref<32x768xf32, #tpu.memory_space<vmem>>, vector<1x16xf32>,
      %get3A_640 = vector.shape_cast %get3A_639 : vector<1x16xf32> to vector<16xf32>
      %get3A_641 = arith.index_cast %scan3A_78 : i32 to index
      %get3A_642 = arith.constant 640 : index
      %get3A_643 = tpu.vector_load %arg9[%get3A_641, %get3A_642] {strides = array<i32>} : memref<32x768xf32, #tpu.memory_space<vmem>>, vector<1x16xf32>,
      %get3A_644 = vector.shape_cast %get3A_643 : vector<1x16xf32> to vector<16xf32>
      %add3A_645 = arith.addf %get3A_640, %get3A_644 : vector<16xf32>
      %swap3A_646 = arith.index_cast %scan3A_78 : i32 to index
      %swap3A_647 = arith.constant 640 : index
      %swap3A_648 = tpu.vector_load %arg8[%swap3A_646, %swap3A_647] {strides = array<i32>} : memref<32x768xf32, #tpu.memory_space<vmem>>, vector<1x16xf32>,
      %swap3A_649 = vector.shape_cast %swap3A_648 : vector<1x16xf32> to vector<16xf32>
      %swap3A_650 = vector.shape_cast %add3A_645 : vector<16xf32> to vector<1x16xf32>
      tpu.vector_store %arg8[%swap3A_646, %swap3A_647], %swap3A_650 {strides = array<i32>} : memref<32x768xf32, #tpu.memory_space<vmem>>, vector<1x16xf32>,
      %get3A_651 = arith.index_cast %scan3A_78 : i32 to index
      %get3A_652 = arith.constant 656 : index
      %get3A_653 = tpu.vector_load %arg8[%get3A_651, %get3A_652] {strides = array<i32>} : memref<32x768xf32, #tpu.memory_space<vmem>>, vector<1x16xf32>,
      %get3A_654 = vector.shape_cast %get3A_653 : vector<1x16xf32> to vector<16xf32>
      %get3A_655 = arith.index_cast %scan3A_78 : i32 to index
      %get3A_656 = arith.constant 656 : index
      %get3A_657 = tpu.vector_load %arg9[%get3A_655, %get3A_656] {strides = array<i32>} : memref<32x768xf32, #tpu.memory_space<vmem>>, vector<1x16xf32>,
      %get3A_658 = vector.shape_cast %get3A_657 : vector<1x16xf32> to vector<16xf32>
      %add3A_659 = arith.addf %get3A_654, %get3A_658 : vector<16xf32>
      %swap3A_660 = arith.index_cast %scan3A_78 : i32 to index
      %swap3A_661 = arith.constant 656 : index
      %swap3A_662 = tpu.vector_load %arg8[%swap3A_660, %swap3A_661] {strides = array<i32>} : memref<32x768xf32, #tpu.memory_space<vmem>>, vector<1x16xf32>,
      %swap3A_663 = vector.shape_cast %swap3A_662 : vector<1x16xf32> to vector<16xf32>
      %swap3A_664 = vector.shape_cast %add3A_659 : vector<16xf32> to vector<1x16xf32>
      tpu.vector_store %arg8[%swap3A_660, %swap3A_661], %swap3A_664 {strides = array<i32>} : memref<32x768xf32, #tpu.memory_space<vmem>>, vector<1x16xf32>,
      %get3A_665 = arith.index_cast %scan3A_78 : i32 to index
      %get3A_666 = arith.constant 672 : index
      %get3A_667 = tpu.vector_load %arg8[%get3A_665, %get3A_666] {strides = array<i32>} : memref<32x768xf32, #tpu.memory_space<vmem>>, vector<1x16xf32>,
      %get3A_668 = vector.shape_cast %get3A_667 : vector<1x16xf32> to vector<16xf32>
      %get3A_669 = arith.index_cast %scan3A_78 : i32 to index
      %get3A_670 = arith.constant 672 : index
      %get3A_671 = tpu.vector_load %arg9[%get3A_669, %get3A_670] {strides = array<i32>} : memref<32x768xf32, #tpu.memory_space<vmem>>, vector<1x16xf32>,
      %get3A_672 = vector.shape_cast %get3A_671 : vector<1x16xf32> to vector<16xf32>
      %add3A_673 = arith.addf %get3A_668, %get3A_672 : vector<16xf32>
      %swap3A_674 = arith.index_cast %scan3A_78 : i32 to index
      %swap3A_675 = arith.constant 672 : index
      %swap3A_676 = tpu.vector_load %arg8[%swap3A_674, %swap3A_675] {strides = array<i32>} : memref<32x768xf32, #tpu.memory_space<vmem>>, vector<1x16xf32>,
      %swap3A_677 = vector.shape_cast %swap3A_676 : vector<1x16xf32> to vector<16xf32>
      %swap3A_678 = vector.shape_cast %add3A_673 : vector<16xf32> to vector<1x16xf32>
      tpu.vector_store %arg8[%swap3A_674, %swap3A_675], %swap3A_678 {strides = array<i32>} : memref<32x768xf32, #tpu.memory_space<vmem>>, vector<1x16xf32>,
      %get3A_679 = arith.index_cast %scan3A_78 : i32 to index
      %get3A_680 = arith.constant 688 : index
      %get3A_681 = tpu.vector_load %arg8[%get3A_679, %get3A_680] {strides = array<i32>} : memref<32x768xf32, #tpu.memory_space<vmem>>, vector<1x16xf32>,
      %get3A_682 = vector.shape_cast %get3A_681 : vector<1x16xf32> to vector<16xf32>
      %get3A_683 = arith.index_cast %scan3A_78 : i32 to index
      %get3A_684 = arith.constant 688 : index
      %get3A_685 = tpu.vector_load %arg9[%get3A_683, %get3A_684] {strides = array<i32>} : memref<32x768xf32, #tpu.memory_space<vmem>>, vector<1x16xf32>,
      %get3A_686 = vector.shape_cast %get3A_685 : vector<1x16xf32> to vector<16xf32>
      %add3A_687 = arith.addf %get3A_682, %get3A_686 : vector<16xf32>
      %swap3A_688 = arith.index_cast %scan3A_78 : i32 to index
      %swap3A_689 = arith.constant 688 : index
      %swap3A_690 = tpu.vector_load %arg8[%swap3A_688, %swap3A_689] {strides = array<i32>} : memref<32x768xf32, #tpu.memory_space<vmem>>, vector<1x16xf32>,
      %swap3A_691 = vector.shape_cast %swap3A_690 : vector<1x16xf32> to vector<16xf32>
      %swap3A_692 = vector.shape_cast %add3A_687 : vector<16xf32> to vector<1x16xf32>
      tpu.vector_store %arg8[%swap3A_688, %swap3A_689], %swap3A_692 {strides = array<i32>} : memref<32x768xf32, #tpu.memory_space<vmem>>, vector<1x16xf32>,
      %get3A_693 = arith.index_cast %scan3A_78 : i32 to index
      %get3A_694 = arith.constant 704 : index
      %get3A_695 = tpu.vector_load %arg8[%get3A_693, %get3A_694] {strides = array<i32>} : memref<32x768xf32, #tpu.memory_space<vmem>>, vector<1x16xf32>,
      %get3A_696 = vector.shape_cast %get3A_695 : vector<1x16xf32> to vector<16xf32>
      %get3A_697 = arith.index_cast %scan3A_78 : i32 to index
      %get3A_698 = arith.constant 704 : index
      %get3A_699 = tpu.vector_load %arg9[%get3A_697, %get3A_698] {strides = array<i32>} : memref<32x768xf32, #tpu.memory_space<vmem>>, vector<1x16xf32>,
      %get3A_700 = vector.shape_cast %get3A_699 : vector<1x16xf32> to vector<16xf32>
      %add3A_701 = arith.addf %get3A_696, %get3A_700 : vector<16xf32>
      %swap3A_702 = arith.index_cast %scan3A_78 : i32 to index
      %swap3A_703 = arith.constant 704 : index
      %swap3A_704 = tpu.vector_load %arg8[%swap3A_702, %swap3A_703] {strides = array<i32>} : memref<32x768xf32, #tpu.memory_space<vmem>>, vector<1x16xf32>,
      %swap3A_705 = vector.shape_cast %swap3A_704 : vector<1x16xf32> to vector<16xf32>
      %swap3A_706 = vector.shape_cast %add3A_701 : vector<16xf32> to vector<1x16xf32>
      tpu.vector_store %arg8[%swap3A_702, %swap3A_703], %swap3A_706 {strides = array<i32>} : memref<32x768xf32, #tpu.memory_space<vmem>>, vector<1x16xf32>,
      %get3A_707 = arith.index_cast %scan3A_78 : i32 to index
      %get3A_708 = arith.constant 720 : index
      %get3A_709 = tpu.vector_load %arg8[%get3A_707, %get3A_708] {strides = array<i32>} : memref<32x768xf32, #tpu.memory_space<vmem>>, vector<1x16xf32>,
      %get3A_710 = vector.shape_cast %get3A_709 : vector<1x16xf32> to vector<16xf32>
      %get3A_711 = arith.index_cast %scan3A_78 : i32 to index
      %get3A_712 = arith.constant 720 : index
      %get3A_713 = tpu.vector_load %arg9[%get3A_711, %get3A_712] {strides = array<i32>} : memref<32x768xf32, #tpu.memory_space<vmem>>, vector<1x16xf32>,
      %get3A_714 = vector.shape_cast %get3A_713 : vector<1x16xf32> to vector<16xf32>
      %add3A_715 = arith.addf %get3A_710, %get3A_714 : vector<16xf32>
      %swap3A_716 = arith.index_cast %scan3A_78 : i32 to index
      %swap3A_717 = arith.constant 720 : index
      %swap3A_718 = tpu.vector_load %arg8[%swap3A_716, %swap3A_717] {strides = array<i32>} : memref<32x768xf32, #tpu.memory_space<vmem>>, vector<1x16xf32>,
      %swap3A_719 = vector.shape_cast %swap3A_718 : vector<1x16xf32> to vector<16xf32>
      %swap3A_720 = vector.shape_cast %add3A_715 : vector<16xf32> to vector<1x16xf32>
      tpu.vector_store %arg8[%swap3A_716, %swap3A_717], %swap3A_720 {strides = array<i32>} : memref<32x768xf32, #tpu.memory_space<vmem>>, vector<1x16xf32>,
      %get3A_721 = arith.index_cast %scan3A_78 : i32 to index
      %get3A_722 = arith.constant 736 : index
      %get3A_723 = tpu.vector_load %arg8[%get3A_721, %get3A_722] {strides = array<i32>} : memref<32x768xf32, #tpu.memory_space<vmem>>, vector<1x16xf32>,
      %get3A_724 = vector.shape_cast %get3A_723 : vector<1x16xf32> to vector<16xf32>
      %get3A_725 = arith.index_cast %scan3A_78 : i32 to index
      %get3A_726 = arith.constant 736 : index
      %get3A_727 = tpu.vector_load %arg9[%get3A_725, %get3A_726] {strides = array<i32>} : memref<32x768xf32, #tpu.memory_space<vmem>>, vector<1x16xf32>,
      %get3A_728 = vector.shape_cast %get3A_727 : vector<1x16xf32> to vector<16xf32>
      %add3A_729 = arith.addf %get3A_724, %get3A_728 : vector<16xf32>
      %swap3A_730 = arith.index_cast %scan3A_78 : i32 to index
      %swap3A_731 = arith.constant 736 : index
      %swap3A_732 = tpu.vector_load %arg8[%swap3A_730, %swap3A_731] {strides = array<i32>} : memref<32x768xf32, #tpu.memory_space<vmem>>, vector<1x16xf32>,
      %swap3A_733 = vector.shape_cast %swap3A_732 : vector<1x16xf32> to vector<16xf32>
      %swap3A_734 = vector.shape_cast %add3A_729 : vector<16xf32> to vector<1x16xf32>
      tpu.vector_store %arg8[%swap3A_730, %swap3A_731], %swap3A_734 {strides = array<i32>} : memref<32x768xf32, #tpu.memory_space<vmem>>, vector<1x16xf32>,
      %get3A_735 = arith.index_cast %scan3A_78 : i32 to index
      %get3A_736 = arith.constant 752 : index
      %get3A_737 = tpu.vector_load %arg8[%get3A_735, %get3A_736] {strides = array<i32>} : memref<32x768xf32, #tpu.memory_space<vmem>>, vector<1x16xf32>,
      %get3A_738 = vector.shape_cast %get3A_737 : vector<1x16xf32> to vector<16xf32>
      %get3A_739 = arith.index_cast %scan3A_78 : i32 to index
      %get3A_740 = arith.constant 752 : index
      %get3A_741 = tpu.vector_load %arg9[%get3A_739, %get3A_740] {strides = array<i32>} : memref<32x768xf32, #tpu.memory_space<vmem>>, vector<1x16xf32>,
      %get3A_742 = vector.shape_cast %get3A_741 : vector<1x16xf32> to vector<16xf32>
      %add3A_743 = arith.addf %get3A_738, %get3A_742 : vector<16xf32>
      %swap3A_744 = arith.index_cast %scan3A_78 : i32 to index
      %swap3A_745 = arith.constant 752 : index
      %swap3A_746 = tpu.vector_load %arg8[%swap3A_744, %swap3A_745] {strides = array<i32>} : memref<32x768xf32, #tpu.memory_space<vmem>>, vector<1x16xf32>,
      %swap3A_747 = vector.shape_cast %swap3A_746 : vector<1x16xf32> to vector<16xf32>
      %swap3A_748 = vector.shape_cast %add3A_743 : vector<16xf32> to vector<1x16xf32>
      tpu.vector_store %arg8[%swap3A_744, %swap3A_745], %swap3A_748 {strides = array<i32>} : memref<32x768xf32, #tpu.memory_space<vmem>>, vector<1x16xf32>,
    }
    %scan3A_43 = arith.constant 32 : i32
    %dma_start3A_44 = arith.constant 0 : i32
    %dma_start3A_45 = tpu.memref_slice %arg5[%mul3A_2, %dma_start3A_44] : memref<2048x768xf32, #tpu.memory_space<hbm>> -> memref<32x768xf32, #tpu.memory_space<hbm>>
    %dma_start3A_46 = arith.constant 0 : i32
    %dma_start3A_47 = tpu.memref_slice %arg5[%mul3A_2, %dma_start3A_46] : memref<2048x768xf32, #tpu.memory_space<hbm>> -> memref<32x768xf32, #tpu.memory_space<hbm>>
    tpu.enqueue_dma source(%arg8 : memref<32x768xf32, #tpu.memory_space<vmem>>) target(%dma_start3A_47 : memref<32x768xf32, #tpu.memory_space<hbm>>) target_semaphore(%arg13 : memref<!tpu.dma_semaphore, #tpu.memory_space<semaphore_mem>>)
    %dma_wait3A_48 = arith.constant 32 : i32
    %dma_wait3A_49 = tpu.memref_slice %arg6[%dma_wait3A_48] : memref<64xi32, #tpu.memory_space<vmem>> -> memref<32xi32, #tpu.memory_space<vmem>>
    %dma_wait3A_50 = arith.constant 0 : i32
    %dma_wait3A_51 = arith.constant 0 : i32
    %dma_wait3A_52 = tpu.memref_slice %arg4[%dma_wait3A_50, %dma_wait3A_51] : memref<12288x768xf32, #tpu.memory_space<hbm>> -> memref<12288x768xf32, #tpu.memory_space<hbm>>
    tpu.wait_indirect_dma semaphore(%arg12 : memref<!tpu.dma_semaphore, #tpu.memory_space<semaphore_mem>>) src(%dma_wait3A_52 : memref<12288x768xf32, #tpu.memory_space<hbm>>) dst(%arg10 : memref<32x768xf32, #tpu.memory_space<vmem>>)
    %dma_wait3A_53 = arith.constant 32 : i32
    %dma_wait3A_54 = tpu.memref_slice %arg7[%dma_wait3A_53] : memref<64xi32, #tpu.memory_space<vmem>> -> memref<32xi32, #tpu.memory_space<vmem>>
    %dma_wait3A_55 = arith.constant 0 : i32
    %dma_wait3A_56 = arith.constant 0 : i32
    %dma_wait3A_57 = tpu.memref_slice %arg4[%dma_wait3A_55, %dma_wait3A_56] : memref<12288x768xf32, #tpu.memory_space<hbm>> -> memref<12288x768xf32, #tpu.memory_space<hbm>>
    tpu.wait_indirect_dma semaphore(%arg12 : memref<!tpu.dma_semaphore, #tpu.memory_space<semaphore_mem>>) src(%dma_wait3A_57 : memref<12288x768xf32, #tpu.memory_space<hbm>>) dst(%arg11 : memref<32x768xf32, #tpu.memory_space<vmem>>)
    %scan3A_58 = arith.constant 0 : i32
    %scan3A_59 = arith.constant 0 : i32
    %scan3A_60 = arith.constant 32 : i32
    %scan3A_61 = arith.addi %scan3A_59, %scan3A_60 : i32
    %scan3A_62 = arith.constant 1 : i32
    scf.for %scan3A_78 = %scan3A_59 to %scan3A_61 step %scan3A_62  : i32 {
      %get3A = arith.index_cast %scan3A_78 : i32 to index
      %get3A_79 = arith.constant 0 : index
      %get3A_80 = tpu.vector_load %arg10[%get3A, %get3A_79] {strides = array<i32>} : memref<32x768xf32, #tpu.memory_space<vmem>>, vector<1x16xf32>,
      %get3A_81 = vector.shape_cast %get3A_80 : vector<1x16xf32> to vector<16xf32>
      %get3A_82 = arith.index_cast %scan3A_78 : i32 to index
      %get3A_83 = arith.constant 0 : index
      %get3A_84 = tpu.vector_load %arg11[%get3A_82, %get3A_83] {strides = array<i32>} : memref<32x768xf32, #tpu.memory_space<vmem>>, vector<1x16xf32>,
      %get3A_85 = vector.shape_cast %get3A_84 : vector<1x16xf32> to vector<16xf32>
      %add3A_86 = arith.addf %get3A_81, %get3A_85 : vector<16xf32>
      %swap3A = arith.index_cast %scan3A_78 : i32 to index
      %swap3A_87 = arith.constant 0 : index
      %swap3A_88 = tpu.vector_load %arg10[%swap3A, %swap3A_87] {strides = array<i32>} : memref<32x768xf32, #tpu.memory_space<vmem>>, vector<1x16xf32>,
      %swap3A_89 = vector.shape_cast %swap3A_88 : vector<1x16xf32> to vector<16xf32>
      %swap3A_90 = vector.shape_cast %add3A_86 : vector<16xf32> to vector<1x16xf32>
      tpu.vector_store %arg10[%swap3A, %swap3A_87], %swap3A_90 {strides = array<i32>} : memref<32x768xf32, #tpu.memory_space<vmem>>, vector<1x16xf32>,
      %get3A_91 = arith.index_cast %scan3A_78 : i32 to index
      %get3A_92 = arith.constant 16 : index
      %get3A_93 = tpu.vector_load %arg10[%get3A_91, %get3A_92] {strides = array<i32>} : memref<32x768xf32, #tpu.memory_space<vmem>>, vector<1x16xf32>,
      %get3A_94 = vector.shape_cast %get3A_93 : vector<1x16xf32> to vector<16xf32>
      %get3A_95 = arith.index_cast %scan3A_78 : i32 to index
      %get3A_96 = arith.constant 16 : index
      %get3A_97 = tpu.vector_load %arg11[%get3A_95, %get3A_96] {strides = array<i32>} : memref<32x768xf32, #tpu.memory_space<vmem>>, vector<1x16xf32>,
      %get3A_98 = vector.shape_cast %get3A_97 : vector<1x16xf32> to vector<16xf32>
      %add3A_99 = arith.addf %get3A_94, %get3A_98 : vector<16xf32>
      %swap3A_100 = arith.index_cast %scan3A_78 : i32 to index
      %swap3A_101 = arith.constant 16 : index
      %swap3A_102 = tpu.vector_load %arg10[%swap3A_100, %swap3A_101] {strides = array<i32>} : memref<32x768xf32, #tpu.memory_space<vmem>>, vector<1x16xf32>,
      %swap3A_103 = vector.shape_cast %swap3A_102 : vector<1x16xf32> to vector<16xf32>
      %swap3A_104 = vector.shape_cast %add3A_99 : vector<16xf32> to vector<1x16xf32>
      tpu.vector_store %arg10[%swap3A_100, %swap3A_101], %swap3A_104 {strides = array<i32>} : memref<32x768xf32, #tpu.memory_space<vmem>>, vector<1x16xf32>,
      %get3A_105 = arith.index_cast %scan3A_78 : i32 to index
      %get3A_106 = arith.constant 32 : index
      %get3A_107 = tpu.vector_load %arg10[%get3A_105, %get3A_106] {strides = array<i32>} : memref<32x768xf32, #tpu.memory_space<vmem>>, vector<1x16xf32>,
      %get3A_108 = vector.shape_cast %get3A_107 : vector<1x16xf32> to vector<16xf32>
      %get3A_109 = arith.index_cast %scan3A_78 : i32 to index
      %get3A_110 = arith.constant 32 : index
      %get3A_111 = tpu.vector_load %arg11[%get3A_109, %get3A_110] {strides = array<i32>} : memref<32x768xf32, #tpu.memory_space<vmem>>, vector<1x16xf32>,
      %get3A_112 = vector.shape_cast %get3A_111 : vector<1x16xf32> to vector<16xf32>
      %add3A_113 = arith.addf %get3A_108, %get3A_112 : vector<16xf32>
      %swap3A_114 = arith.index_cast %scan3A_78 : i32 to index
      %swap3A_115 = arith.constant 32 : index
      %swap3A_116 = tpu.vector_load %arg10[%swap3A_114, %swap3A_115] {strides = array<i32>} : memref<32x768xf32, #tpu.memory_space<vmem>>, vector<1x16xf32>,
      %swap3A_117 = vector.shape_cast %swap3A_116 : vector<1x16xf32> to vector<16xf32>
      %swap3A_118 = vector.shape_cast %add3A_113 : vector<16xf32> to vector<1x16xf32>
      tpu.vector_store %arg10[%swap3A_114, %swap3A_115], %swap3A_118 {strides = array<i32>} : memref<32x768xf32, #tpu.memory_space<vmem>>, vector<1x16xf32>,
      %get3A_119 = arith.index_cast %scan3A_78 : i32 to index
      %get3A_120 = arith.constant 48 : index
      %get3A_121 = tpu.vector_load %arg10[%get3A_119, %get3A_120] {strides = array<i32>} : memref<32x768xf32, #tpu.memory_space<vmem>>, vector<1x16xf32>,
      %get3A_122 = vector.shape_cast %get3A_121 : vector<1x16xf32> to vector<16xf32>
      %get3A_123 = arith.index_cast %scan3A_78 : i32 to index
      %get3A_124 = arith.constant 48 : index
      %get3A_125 = tpu.vector_load %arg11[%get3A_123, %get3A_124] {strides = array<i32>} : memref<32x768xf32, #tpu.memory_space<vmem>>, vector<1x16xf32>,
      %get3A_126 = vector.shape_cast %get3A_125 : vector<1x16xf32> to vector<16xf32>
      %add3A_127 = arith.addf %get3A_122, %get3A_126 : vector<16xf32>
      %swap3A_128 = arith.index_cast %scan3A_78 : i32 to index
      %swap3A_129 = arith.constant 48 : index
      %swap3A_130 = tpu.vector_load %arg10[%swap3A_128, %swap3A_129] {strides = array<i32>} : memref<32x768xf32, #tpu.memory_space<vmem>>, vector<1x16xf32>,
      %swap3A_131 = vector.shape_cast %swap3A_130 : vector<1x16xf32> to vector<16xf32>
      %swap3A_132 = vector.shape_cast %add3A_127 : vector<16xf32> to vector<1x16xf32>
      tpu.vector_store %arg10[%swap3A_128, %swap3A_129], %swap3A_132 {strides = array<i32>} : memref<32x768xf32, #tpu.memory_space<vmem>>, vector<1x16xf32>,
      %get3A_133 = arith.index_cast %scan3A_78 : i32 to index
      %get3A_134 = arith.constant 64 : index
      %get3A_135 = tpu.vector_load %arg10[%get3A_133, %get3A_134] {strides = array<i32>} : memref<32x768xf32, #tpu.memory_space<vmem>>, vector<1x16xf32>,
      %get3A_136 = vector.shape_cast %get3A_135 : vector<1x16xf32> to vector<16xf32>
      %get3A_137 = arith.index_cast %scan3A_78 : i32 to index
      %get3A_138 = arith.constant 64 : index
      %get3A_139 = tpu.vector_load %arg11[%get3A_137, %get3A_138] {strides = array<i32>} : memref<32x768xf32, #tpu.memory_space<vmem>>, vector<1x16xf32>,
      %get3A_140 = vector.shape_cast %get3A_139 : vector<1x16xf32> to vector<16xf32>
      %add3A_141 = arith.addf %get3A_136, %get3A_140 : vector<16xf32>
      %swap3A_142 = arith.index_cast %scan3A_78 : i32 to index
      %swap3A_143 = arith.constant 64 : index
      %swap3A_144 = tpu.vector_load %arg10[%swap3A_142, %swap3A_143] {strides = array<i32>} : memref<32x768xf32, #tpu.memory_space<vmem>>, vector<1x16xf32>,
      %swap3A_145 = vector.shape_cast %swap3A_144 : vector<1x16xf32> to vector<16xf32>
      %swap3A_146 = vector.shape_cast %add3A_141 : vector<16xf32> to vector<1x16xf32>
      tpu.vector_store %arg10[%swap3A_142, %swap3A_143], %swap3A_146 {strides = array<i32>} : memref<32x768xf32, #tpu.memory_space<vmem>>, vector<1x16xf32>,
      %get3A_147 = arith.index_cast %scan3A_78 : i32 to index
      %get3A_148 = arith.constant 80 : index
      %get3A_149 = tpu.vector_load %arg10[%get3A_147, %get3A_148] {strides = array<i32>} : memref<32x768xf32, #tpu.memory_space<vmem>>, vector<1x16xf32>,
      %get3A_150 = vector.shape_cast %get3A_149 : vector<1x16xf32> to vector<16xf32>
      %get3A_151 = arith.index_cast %scan3A_78 : i32 to index
      %get3A_152 = arith.constant 80 : index
      %get3A_153 = tpu.vector_load %arg11[%get3A_151, %get3A_152] {strides = array<i32>} : memref<32x768xf32, #tpu.memory_space<vmem>>, vector<1x16xf32>,
      %get3A_154 = vector.shape_cast %get3A_153 : vector<1x16xf32> to vector<16xf32>
      %add3A_155 = arith.addf %get3A_150, %get3A_154 : vector<16xf32>
      %swap3A_156 = arith.index_cast %scan3A_78 : i32 to index
      %swap3A_157 = arith.constant 80 : index
      %swap3A_158 = tpu.vector_load %arg10[%swap3A_156, %swap3A_157] {strides = array<i32>} : memref<32x768xf32, #tpu.memory_space<vmem>>, vector<1x16xf32>,
      %swap3A_159 = vector.shape_cast %swap3A_158 : vector<1x16xf32> to vector<16xf32>
      %swap3A_160 = vector.shape_cast %add3A_155 : vector<16xf32> to vector<1x16xf32>
      tpu.vector_store %arg10[%swap3A_156, %swap3A_157], %swap3A_160 {strides = array<i32>} : memref<32x768xf32, #tpu.memory_space<vmem>>, vector<1x16xf32>,
      %get3A_161 = arith.index_cast %scan3A_78 : i32 to index
      %get3A_162 = arith.constant 96 : index
      %get3A_163 = tpu.vector_load %arg10[%get3A_161, %get3A_162] {strides = array<i32>} : memref<32x768xf32, #tpu.memory_space<vmem>>, vector<1x16xf32>,
      %get3A_164 = vector.shape_cast %get3A_163 : vector<1x16xf32> to vector<16xf32>
      %get3A_165 = arith.index_cast %scan3A_78 : i32 to index
      %get3A_166 = arith.constant 96 : index
      %get3A_167 = tpu.vector_load %arg11[%get3A_165, %get3A_166] {strides = array<i32>} : memref<32x768xf32, #tpu.memory_space<vmem>>, vector<1x16xf32>,
      %get3A_168 = vector.shape_cast %get3A_167 : vector<1x16xf32> to vector<16xf32>
      %add3A_169 = arith.addf %get3A_164, %get3A_168 : vector<16xf32>
      %swap3A_170 = arith.index_cast %scan3A_78 : i32 to index
      %swap3A_171 = arith.constant 96 : index
      %swap3A_172 = tpu.vector_load %arg10[%swap3A_170, %swap3A_171] {strides = array<i32>} : memref<32x768xf32, #tpu.memory_space<vmem>>, vector<1x16xf32>,
      %swap3A_173 = vector.shape_cast %swap3A_172 : vector<1x16xf32> to vector<16xf32>
      %swap3A_174 = vector.shape_cast %add3A_169 : vector<16xf32> to vector<1x16xf32>
      tpu.vector_store %arg10[%swap3A_170, %swap3A_171], %swap3A_174 {strides = array<i32>} : memref<32x768xf32, #tpu.memory_space<vmem>>, vector<1x16xf32>,
      %get3A_175 = arith.index_cast %scan3A_78 : i32 to index
      %get3A_176 = arith.constant 112 : index
      %get3A_177 = tpu.vector_load %arg10[%get3A_175, %get3A_176] {strides = array<i32>} : memref<32x768xf32, #tpu.memory_space<vmem>>, vector<1x16xf32>,
      %get3A_178 = vector.shape_cast %get3A_177 : vector<1x16xf32> to vector<16xf32>
      %get3A_179 = arith.index_cast %scan3A_78 : i32 to index
      %get3A_180 = arith.constant 112 : index
      %get3A_181 = tpu.vector_load %arg11[%get3A_179, %get3A_180] {strides = array<i32>} : memref<32x768xf32, #tpu.memory_space<vmem>>, vector<1x16xf32>,
      %get3A_182 = vector.shape_cast %get3A_181 : vector<1x16xf32> to vector<16xf32>
      %add3A_183 = arith.addf %get3A_178, %get3A_182 : vector<16xf32>
      %swap3A_184 = arith.index_cast %scan3A_78 : i32 to index
      %swap3A_185 = arith.constant 112 : index
      %swap3A_186 = tpu.vector_load %arg10[%swap3A_184, %swap3A_185] {strides = array<i32>} : memref<32x768xf32, #tpu.memory_space<vmem>>, vector<1x16xf32>,
      %swap3A_187 = vector.shape_cast %swap3A_186 : vector<1x16xf32> to vector<16xf32>
      %swap3A_188 = vector.shape_cast %add3A_183 : vector<16xf32> to vector<1x16xf32>
      tpu.vector_store %arg10[%swap3A_184, %swap3A_185], %swap3A_188 {strides = array<i32>} : memref<32x768xf32, #tpu.memory_space<vmem>>, vector<1x16xf32>,
      %get3A_189 = arith.index_cast %scan3A_78 : i32 to index
      %get3A_190 = arith.constant 128 : index
      %get3A_191 = tpu.vector_load %arg10[%get3A_189, %get3A_190] {strides = array<i32>} : memref<32x768xf32, #tpu.memory_space<vmem>>, vector<1x16xf32>,
      %get3A_192 = vector.shape_cast %get3A_191 : vector<1x16xf32> to vector<16xf32>
      %get3A_193 = arith.index_cast %scan3A_78 : i32 to index
      %get3A_194 = arith.constant 128 : index
      %get3A_195 = tpu.vector_load %arg11[%get3A_193, %get3A_194] {strides = array<i32>} : memref<32x768xf32, #tpu.memory_space<vmem>>, vector<1x16xf32>,
      %get3A_196 = vector.shape_cast %get3A_195 : vector<1x16xf32> to vector<16xf32>
      %add3A_197 = arith.addf %get3A_192, %get3A_196 : vector<16xf32>
      %swap3A_198 = arith.index_cast %scan3A_78 : i32 to index
      %swap3A_199 = arith.constant 128 : index
      %swap3A_200 = tpu.vector_load %arg10[%swap3A_198, %swap3A_199] {strides = array<i32>} : memref<32x768xf32, #tpu.memory_space<vmem>>, vector<1x16xf32>,
      %swap3A_201 = vector.shape_cast %swap3A_200 : vector<1x16xf32> to vector<16xf32>
      %swap3A_202 = vector.shape_cast %add3A_197 : vector<16xf32> to vector<1x16xf32>
      tpu.vector_store %arg10[%swap3A_198, %swap3A_199], %swap3A_202 {strides = array<i32>} : memref<32x768xf32, #tpu.memory_space<vmem>>, vector<1x16xf32>,
      %get3A_203 = arith.index_cast %scan3A_78 : i32 to index
      %get3A_204 = arith.constant 144 : index
      %get3A_205 = tpu.vector_load %arg10[%get3A_203, %get3A_204] {strides = array<i32>} : memref<32x768xf32, #tpu.memory_space<vmem>>, vector<1x16xf32>,
      %get3A_206 = vector.shape_cast %get3A_205 : vector<1x16xf32> to vector<16xf32>
      %get3A_207 = arith.index_cast %scan3A_78 : i32 to index
      %get3A_208 = arith.constant 144 : index
      %get3A_209 = tpu.vector_load %arg11[%get3A_207, %get3A_208] {strides = array<i32>} : memref<32x768xf32, #tpu.memory_space<vmem>>, vector<1x16xf32>,
      %get3A_210 = vector.shape_cast %get3A_209 : vector<1x16xf32> to vector<16xf32>
      %add3A_211 = arith.addf %get3A_206, %get3A_210 : vector<16xf32>
      %swap3A_212 = arith.index_cast %scan3A_78 : i32 to index
      %swap3A_213 = arith.constant 144 : index
      %swap3A_214 = tpu.vector_load %arg10[%swap3A_212, %swap3A_213] {strides = array<i32>} : memref<32x768xf32, #tpu.memory_space<vmem>>, vector<1x16xf32>,
      %swap3A_215 = vector.shape_cast %swap3A_214 : vector<1x16xf32> to vector<16xf32>
      %swap3A_216 = vector.shape_cast %add3A_211 : vector<16xf32> to vector<1x16xf32>
      tpu.vector_store %arg10[%swap3A_212, %swap3A_213], %swap3A_216 {strides = array<i32>} : memref<32x768xf32, #tpu.memory_space<vmem>>, vector<1x16xf32>,
      %get3A_217 = arith.index_cast %scan3A_78 : i32 to index
      %get3A_218 = arith.constant 160 : index
      %get3A_219 = tpu.vector_load %arg10[%get3A_217, %get3A_218] {strides = array<i32>} : memref<32x768xf32, #tpu.memory_space<vmem>>, vector<1x16xf32>,
      %get3A_220 = vector.shape_cast %get3A_219 : vector<1x16xf32> to vector<16xf32>
      %get3A_221 = arith.index_cast %scan3A_78 : i32 to index
      %get3A_222 = arith.constant 160 : index
      %get3A_223 = tpu.vector_load %arg11[%get3A_221, %get3A_222] {strides = array<i32>} : memref<32x768xf32, #tpu.memory_space<vmem>>, vector<1x16xf32>,
      %get3A_224 = vector.shape_cast %get3A_223 : vector<1x16xf32> to vector<16xf32>
      %add3A_225 = arith.addf %get3A_220, %get3A_224 : vector<16xf32>
      %swap3A_226 = arith.index_cast %scan3A_78 : i32 to index
      %swap3A_227 = arith.constant 160 : index
      %swap3A_228 = tpu.vector_load %arg10[%swap3A_226, %swap3A_227] {strides = array<i32>} : memref<32x768xf32, #tpu.memory_space<vmem>>, vector<1x16xf32>,
      %swap3A_229 = vector.shape_cast %swap3A_228 : vector<1x16xf32> to vector<16xf32>
      %swap3A_230 = vector.shape_cast %add3A_225 : vector<16xf32> to vector<1x16xf32>
      tpu.vector_store %arg10[%swap3A_226, %swap3A_227], %swap3A_230 {strides = array<i32>} : memref<32x768xf32, #tpu.memory_space<vmem>>, vector<1x16xf32>,
      %get3A_231 = arith.index_cast %scan3A_78 : i32 to index
      %get3A_232 = arith.constant 176 : index
      %get3A_233 = tpu.vector_load %arg10[%get3A_231, %get3A_232] {strides = array<i32>} : memref<32x768xf32, #tpu.memory_space<vmem>>, vector<1x16xf32>,
      %get3A_234 = vector.shape_cast %get3A_233 : vector<1x16xf32> to vector<16xf32>
      %get3A_235 = arith.index_cast %scan3A_78 : i32 to index
      %get3A_236 = arith.constant 176 : index
      %get3A_237 = tpu.vector_load %arg11[%get3A_235, %get3A_236] {strides = array<i32>} : memref<32x768xf32, #tpu.memory_space<vmem>>, vector<1x16xf32>,
      %get3A_238 = vector.shape_cast %get3A_237 : vector<1x16xf32> to vector<16xf32>
      %add3A_239 = arith.addf %get3A_234, %get3A_238 : vector<16xf32>
      %swap3A_240 = arith.index_cast %scan3A_78 : i32 to index
      %swap3A_241 = arith.constant 176 : index
      %swap3A_242 = tpu.vector_load %arg10[%swap3A_240, %swap3A_241] {strides = array<i32>} : memref<32x768xf32, #tpu.memory_space<vmem>>, vector<1x16xf32>,
      %swap3A_243 = vector.shape_cast %swap3A_242 : vector<1x16xf32> to vector<16xf32>
      %swap3A_244 = vector.shape_cast %add3A_239 : vector<16xf32> to vector<1x16xf32>
      tpu.vector_store %arg10[%swap3A_240, %swap3A_241], %swap3A_244 {strides = array<i32>} : memref<32x768xf32, #tpu.memory_space<vmem>>, vector<1x16xf32>,
      %get3A_245 = arith.index_cast %scan3A_78 : i32 to index
      %get3A_246 = arith.constant 192 : index
      %get3A_247 = tpu.vector_load %arg10[%get3A_245, %get3A_246] {strides = array<i32>} : memref<32x768xf32, #tpu.memory_space<vmem>>, vector<1x16xf32>,
      %get3A_248 = vector.shape_cast %get3A_247 : vector<1x16xf32> to vector<16xf32>
      %get3A_249 = arith.index_cast %scan3A_78 : i32 to index
      %get3A_250 = arith.constant 192 : index
      %get3A_251 = tpu.vector_load %arg11[%get3A_249, %get3A_250] {strides = array<i32>} : memref<32x768xf32, #tpu.memory_space<vmem>>, vector<1x16xf32>,
      %get3A_252 = vector.shape_cast %get3A_251 : vector<1x16xf32> to vector<16xf32>
      %add3A_253 = arith.addf %get3A_248, %get3A_252 : vector<16xf32>
      %swap3A_254 = arith.index_cast %scan3A_78 : i32 to index
      %swap3A_255 = arith.constant 192 : index
      %swap3A_256 = tpu.vector_load %arg10[%swap3A_254, %swap3A_255] {strides = array<i32>} : memref<32x768xf32, #tpu.memory_space<vmem>>, vector<1x16xf32>,
      %swap3A_257 = vector.shape_cast %swap3A_256 : vector<1x16xf32> to vector<16xf32>
      %swap3A_258 = vector.shape_cast %add3A_253 : vector<16xf32> to vector<1x16xf32>
      tpu.vector_store %arg10[%swap3A_254, %swap3A_255], %swap3A_258 {strides = array<i32>} : memref<32x768xf32, #tpu.memory_space<vmem>>, vector<1x16xf32>,
      %get3A_259 = arith.index_cast %scan3A_78 : i32 to index
      %get3A_260 = arith.constant 208 : index
      %get3A_261 = tpu.vector_load %arg10[%get3A_259, %get3A_260] {strides = array<i32>} : memref<32x768xf32, #tpu.memory_space<vmem>>, vector<1x16xf32>,
      %get3A_262 = vector.shape_cast %get3A_261 : vector<1x16xf32> to vector<16xf32>
      %get3A_263 = arith.index_cast %scan3A_78 : i32 to index
      %get3A_264 = arith.constant 208 : index
      %get3A_265 = tpu.vector_load %arg11[%get3A_263, %get3A_264] {strides = array<i32>} : memref<32x768xf32, #tpu.memory_space<vmem>>, vector<1x16xf32>,
      %get3A_266 = vector.shape_cast %get3A_265 : vector<1x16xf32> to vector<16xf32>
      %add3A_267 = arith.addf %get3A_262, %get3A_266 : vector<16xf32>
      %swap3A_268 = arith.index_cast %scan3A_78 : i32 to index
      %swap3A_269 = arith.constant 208 : index
      %swap3A_270 = tpu.vector_load %arg10[%swap3A_268, %swap3A_269] {strides = array<i32>} : memref<32x768xf32, #tpu.memory_space<vmem>>, vector<1x16xf32>,
      %swap3A_271 = vector.shape_cast %swap3A_270 : vector<1x16xf32> to vector<16xf32>
      %swap3A_272 = vector.shape_cast %add3A_267 : vector<16xf32> to vector<1x16xf32>
      tpu.vector_store %arg10[%swap3A_268, %swap3A_269], %swap3A_272 {strides = array<i32>} : memref<32x768xf32, #tpu.memory_space<vmem>>, vector<1x16xf32>,
      %get3A_273 = arith.index_cast %scan3A_78 : i32 to index
      %get3A_274 = arith.constant 224 : index
      %get3A_275 = tpu.vector_load %arg10[%get3A_273, %get3A_274] {strides = array<i32>} : memref<32x768xf32, #tpu.memory_space<vmem>>, vector<1x16xf32>,
      %get3A_276 = vector.shape_cast %get3A_275 : vector<1x16xf32> to vector<16xf32>
      %get3A_277 = arith.index_cast %scan3A_78 : i32 to index
      %get3A_278 = arith.constant 224 : index
      %get3A_279 = tpu.vector_load %arg11[%get3A_277, %get3A_278] {strides = array<i32>} : memref<32x768xf32, #tpu.memory_space<vmem>>, vector<1x16xf32>,
      %get3A_280 = vector.shape_cast %get3A_279 : vector<1x16xf32> to vector<16xf32>
      %add3A_281 = arith.addf %get3A_276, %get3A_280 : vector<16xf32>
      %swap3A_282 = arith.index_cast %scan3A_78 : i32 to index
      %swap3A_283 = arith.constant 224 : index
      %swap3A_284 = tpu.vector_load %arg10[%swap3A_282, %swap3A_283] {strides = array<i32>} : memref<32x768xf32, #tpu.memory_space<vmem>>, vector<1x16xf32>,
      %swap3A_285 = vector.shape_cast %swap3A_284 : vector<1x16xf32> to vector<16xf32>
      %swap3A_286 = vector.shape_cast %add3A_281 : vector<16xf32> to vector<1x16xf32>
      tpu.vector_store %arg10[%swap3A_282, %swap3A_283], %swap3A_286 {strides = array<i32>} : memref<32x768xf32, #tpu.memory_space<vmem>>, vector<1x16xf32>,
      %get3A_287 = arith.index_cast %scan3A_78 : i32 to index
      %get3A_288 = arith.constant 240 : index
      %get3A_289 = tpu.vector_load %arg10[%get3A_287, %get3A_288] {strides = array<i32>} : memref<32x768xf32, #tpu.memory_space<vmem>>, vector<1x16xf32>,
      %get3A_290 = vector.shape_cast %get3A_289 : vector<1x16xf32> to vector<16xf32>
      %get3A_291 = arith.index_cast %scan3A_78 : i32 to index
      %get3A_292 = arith.constant 240 : index
      %get3A_293 = tpu.vector_load %arg11[%get3A_291, %get3A_292] {strides = array<i32>} : memref<32x768xf32, #tpu.memory_space<vmem>>, vector<1x16xf32>,
      %get3A_294 = vector.shape_cast %get3A_293 : vector<1x16xf32> to vector<16xf32>
      %add3A_295 = arith.addf %get3A_290, %get3A_294 : vector<16xf32>
      %swap3A_296 = arith.index_cast %scan3A_78 : i32 to index
      %swap3A_297 = arith.constant 240 : index
      %swap3A_298 = tpu.vector_load %arg10[%swap3A_296, %swap3A_297] {strides = array<i32>} : memref<32x768xf32, #tpu.memory_space<vmem>>, vector<1x16xf32>,
      %swap3A_299 = vector.shape_cast %swap3A_298 : vector<1x16xf32> to vector<16xf32>
      %swap3A_300 = vector.shape_cast %add3A_295 : vector<16xf32> to vector<1x16xf32>
      tpu.vector_store %arg10[%swap3A_296, %swap3A_297], %swap3A_300 {strides = array<i32>} : memref<32x768xf32, #tpu.memory_space<vmem>>, vector<1x16xf32>,
      %get3A_301 = arith.index_cast %scan3A_78 : i32 to index
      %get3A_302 = arith.constant 256 : index
      %get3A_303 = tpu.vector_load %arg10[%get3A_301, %get3A_302] {strides = array<i32>} : memref<32x768xf32, #tpu.memory_space<vmem>>, vector<1x16xf32>,
      %get3A_304 = vector.shape_cast %get3A_303 : vector<1x16xf32> to vector<16xf32>
      %get3A_305 = arith.index_cast %scan3A_78 : i32 to index
      %get3A_306 = arith.constant 256 : index
      %get3A_307 = tpu.vector_load %arg11[%get3A_305, %get3A_306] {strides = array<i32>} : memref<32x768xf32, #tpu.memory_space<vmem>>, vector<1x16xf32>,
      %get3A_308 = vector.shape_cast %get3A_307 : vector<1x16xf32> to vector<16xf32>
      %add3A_309 = arith.addf %get3A_304, %get3A_308 : vector<16xf32>
      %swap3A_310 = arith.index_cast %scan3A_78 : i32 to index
      %swap3A_311 = arith.constant 256 : index
      %swap3A_312 = tpu.vector_load %arg10[%swap3A_310, %swap3A_311] {strides = array<i32>} : memref<32x768xf32, #tpu.memory_space<vmem>>, vector<1x16xf32>,
      %swap3A_313 = vector.shape_cast %swap3A_312 : vector<1x16xf32> to vector<16xf32>
      %swap3A_314 = vector.shape_cast %add3A_309 : vector<16xf32> to vector<1x16xf32>
      tpu.vector_store %arg10[%swap3A_310, %swap3A_311], %swap3A_314 {strides = array<i32>} : memref<32x768xf32, #tpu.memory_space<vmem>>, vector<1x16xf32>,
      %get3A_315 = arith.index_cast %scan3A_78 : i32 to index
      %get3A_316 = arith.constant 272 : index
      %get3A_317 = tpu.vector_load %arg10[%get3A_315, %get3A_316] {strides = array<i32>} : memref<32x768xf32, #tpu.memory_space<vmem>>, vector<1x16xf32>,
      %get3A_318 = vector.shape_cast %get3A_317 : vector<1x16xf32> to vector<16xf32>
      %get3A_319 = arith.index_cast %scan3A_78 : i32 to index
      %get3A_320 = arith.constant 272 : index
      %get3A_321 = tpu.vector_load %arg11[%get3A_319, %get3A_320] {strides = array<i32>} : memref<32x768xf32, #tpu.memory_space<vmem>>, vector<1x16xf32>,
      %get3A_322 = vector.shape_cast %get3A_321 : vector<1x16xf32> to vector<16xf32>
      %add3A_323 = arith.addf %get3A_318, %get3A_322 : vector<16xf32>
      %swap3A_324 = arith.index_cast %scan3A_78 : i32 to index
      %swap3A_325 = arith.constant 272 : index
      %swap3A_326 = tpu.vector_load %arg10[%swap3A_324, %swap3A_325] {strides = array<i32>} : memref<32x768xf32, #tpu.memory_space<vmem>>, vector<1x16xf32>,
      %swap3A_327 = vector.shape_cast %swap3A_326 : vector<1x16xf32> to vector<16xf32>
      %swap3A_328 = vector.shape_cast %add3A_323 : vector<16xf32> to vector<1x16xf32>
      tpu.vector_store %arg10[%swap3A_324, %swap3A_325], %swap3A_328 {strides = array<i32>} : memref<32x768xf32, #tpu.memory_space<vmem>>, vector<1x16xf32>,
      %get3A_329 = arith.index_cast %scan3A_78 : i32 to index
      %get3A_330 = arith.constant 288 : index
      %get3A_331 = tpu.vector_load %arg10[%get3A_329, %get3A_330] {strides = array<i32>} : memref<32x768xf32, #tpu.memory_space<vmem>>, vector<1x16xf32>,
      %get3A_332 = vector.shape_cast %get3A_331 : vector<1x16xf32> to vector<16xf32>
      %get3A_333 = arith.index_cast %scan3A_78 : i32 to index
      %get3A_334 = arith.constant 288 : index
      %get3A_335 = tpu.vector_load %arg11[%get3A_333, %get3A_334] {strides = array<i32>} : memref<32x768xf32, #tpu.memory_space<vmem>>, vector<1x16xf32>,
      %get3A_336 = vector.shape_cast %get3A_335 : vector<1x16xf32> to vector<16xf32>
      %add3A_337 = arith.addf %get3A_332, %get3A_336 : vector<16xf32>
      %swap3A_338 = arith.index_cast %scan3A_78 : i32 to index
      %swap3A_339 = arith.constant 288 : index
      %swap3A_340 = tpu.vector_load %arg10[%swap3A_338, %swap3A_339] {strides = array<i32>} : memref<32x768xf32, #tpu.memory_space<vmem>>, vector<1x16xf32>,
      %swap3A_341 = vector.shape_cast %swap3A_340 : vector<1x16xf32> to vector<16xf32>
      %swap3A_342 = vector.shape_cast %add3A_337 : vector<16xf32> to vector<1x16xf32>
      tpu.vector_store %arg10[%swap3A_338, %swap3A_339], %swap3A_342 {strides = array<i32>} : memref<32x768xf32, #tpu.memory_space<vmem>>, vector<1x16xf32>,
      %get3A_343 = arith.index_cast %scan3A_78 : i32 to index
      %get3A_344 = arith.constant 304 : index
      %get3A_345 = tpu.vector_load %arg10[%get3A_343, %get3A_344] {strides = array<i32>} : memref<32x768xf32, #tpu.memory_space<vmem>>, vector<1x16xf32>,
      %get3A_346 = vector.shape_cast %get3A_345 : vector<1x16xf32> to vector<16xf32>
      %get3A_347 = arith.index_cast %scan3A_78 : i32 to index
      %get3A_348 = arith.constant 304 : index
      %get3A_349 = tpu.vector_load %arg11[%get3A_347, %get3A_348] {strides = array<i32>} : memref<32x768xf32, #tpu.memory_space<vmem>>, vector<1x16xf32>,
      %get3A_350 = vector.shape_cast %get3A_349 : vector<1x16xf32> to vector<16xf32>
      %add3A_351 = arith.addf %get3A_346, %get3A_350 : vector<16xf32>
      %swap3A_352 = arith.index_cast %scan3A_78 : i32 to index
      %swap3A_353 = arith.constant 304 : index
      %swap3A_354 = tpu.vector_load %arg10[%swap3A_352, %swap3A_353] {strides = array<i32>} : memref<32x768xf32, #tpu.memory_space<vmem>>, vector<1x16xf32>,
      %swap3A_355 = vector.shape_cast %swap3A_354 : vector<1x16xf32> to vector<16xf32>
      %swap3A_356 = vector.shape_cast %add3A_351 : vector<16xf32> to vector<1x16xf32>
      tpu.vector_store %arg10[%swap3A_352, %swap3A_353], %swap3A_356 {strides = array<i32>} : memref<32x768xf32, #tpu.memory_space<vmem>>, vector<1x16xf32>,
      %get3A_357 = arith.index_cast %scan3A_78 : i32 to index
      %get3A_358 = arith.constant 320 : index
      %get3A_359 = tpu.vector_load %arg10[%get3A_357, %get3A_358] {strides = array<i32>} : memref<32x768xf32, #tpu.memory_space<vmem>>, vector<1x16xf32>,
      %get3A_360 = vector.shape_cast %get3A_359 : vector<1x16xf32> to vector<16xf32>
      %get3A_361 = arith.index_cast %scan3A_78 : i32 to index
      %get3A_362 = arith.constant 320 : index
      %get3A_363 = tpu.vector_load %arg11[%get3A_361, %get3A_362] {strides = array<i32>} : memref<32x768xf32, #tpu.memory_space<vmem>>, vector<1x16xf32>,
      %get3A_364 = vector.shape_cast %get3A_363 : vector<1x16xf32> to vector<16xf32>
      %add3A_365 = arith.addf %get3A_360, %get3A_364 : vector<16xf32>
      %swap3A_366 = arith.index_cast %scan3A_78 : i32 to index
      %swap3A_367 = arith.constant 320 : index
      %swap3A_368 = tpu.vector_load %arg10[%swap3A_366, %swap3A_367] {strides = array<i32>} : memref<32x768xf32, #tpu.memory_space<vmem>>, vector<1x16xf32>,
      %swap3A_369 = vector.shape_cast %swap3A_368 : vector<1x16xf32> to vector<16xf32>
      %swap3A_370 = vector.shape_cast %add3A_365 : vector<16xf32> to vector<1x16xf32>
      tpu.vector_store %arg10[%swap3A_366, %swap3A_367], %swap3A_370 {strides = array<i32>} : memref<32x768xf32, #tpu.memory_space<vmem>>, vector<1x16xf32>,
      %get3A_371 = arith.index_cast %scan3A_78 : i32 to index
      %get3A_372 = arith.constant 336 : index
      %get3A_373 = tpu.vector_load %arg10[%get3A_371, %get3A_372] {strides = array<i32>} : memref<32x768xf32, #tpu.memory_space<vmem>>, vector<1x16xf32>,
      %get3A_374 = vector.shape_cast %get3A_373 : vector<1x16xf32> to vector<16xf32>
      %get3A_375 = arith.index_cast %scan3A_78 : i32 to index
      %get3A_376 = arith.constant 336 : index
      %get3A_377 = tpu.vector_load %arg11[%get3A_375, %get3A_376] {strides = array<i32>} : memref<32x768xf32, #tpu.memory_space<vmem>>, vector<1x16xf32>,
      %get3A_378 = vector.shape_cast %get3A_377 : vector<1x16xf32> to vector<16xf32>
      %add3A_379 = arith.addf %get3A_374, %get3A_378 : vector<16xf32>
      %swap3A_380 = arith.index_cast %scan3A_78 : i32 to index
      %swap3A_381 = arith.constant 336 : index
      %swap3A_382 = tpu.vector_load %arg10[%swap3A_380, %swap3A_381] {strides = array<i32>} : memref<32x768xf32, #tpu.memory_space<vmem>>, vector<1x16xf32>,
      %swap3A_383 = vector.shape_cast %swap3A_382 : vector<1x16xf32> to vector<16xf32>
      %swap3A_384 = vector.shape_cast %add3A_379 : vector<16xf32> to vector<1x16xf32>
      tpu.vector_store %arg10[%swap3A_380, %swap3A_381], %swap3A_384 {strides = array<i32>} : memref<32x768xf32, #tpu.memory_space<vmem>>, vector<1x16xf32>,
      %get3A_385 = arith.index_cast %scan3A_78 : i32 to index
      %get3A_386 = arith.constant 352 : index
      %get3A_387 = tpu.vector_load %arg10[%get3A_385, %get3A_386] {strides = array<i32>} : memref<32x768xf32, #tpu.memory_space<vmem>>, vector<1x16xf32>,
      %get3A_388 = vector.shape_cast %get3A_387 : vector<1x16xf32> to vector<16xf32>
      %get3A_389 = arith.index_cast %scan3A_78 : i32 to index
      %get3A_390 = arith.constant 352 : index
      %get3A_391 = tpu.vector_load %arg11[%get3A_389, %get3A_390] {strides = array<i32>} : memref<32x768xf32, #tpu.memory_space<vmem>>, vector<1x16xf32>,
      %get3A_392 = vector.shape_cast %get3A_391 : vector<1x16xf32> to vector<16xf32>
      %add3A_393 = arith.addf %get3A_388, %get3A_392 : vector<16xf32>
      %swap3A_394 = arith.index_cast %scan3A_78 : i32 to index
      %swap3A_395 = arith.constant 352 : index
      %swap3A_396 = tpu.vector_load %arg10[%swap3A_394, %swap3A_395] {strides = array<i32>} : memref<32x768xf32, #tpu.memory_space<vmem>>, vector<1x16xf32>,
      %swap3A_397 = vector.shape_cast %swap3A_396 : vector<1x16xf32> to vector<16xf32>
      %swap3A_398 = vector.shape_cast %add3A_393 : vector<16xf32> to vector<1x16xf32>
      tpu.vector_store %arg10[%swap3A_394, %swap3A_395], %swap3A_398 {strides = array<i32>} : memref<32x768xf32, #tpu.memory_space<vmem>>, vector<1x16xf32>,
      %get3A_399 = arith.index_cast %scan3A_78 : i32 to index
      %get3A_400 = arith.constant 368 : index
      %get3A_401 = tpu.vector_load %arg10[%get3A_399, %get3A_400] {strides = array<i32>} : memref<32x768xf32, #tpu.memory_space<vmem>>, vector<1x16xf32>,
      %get3A_402 = vector.shape_cast %get3A_401 : vector<1x16xf32> to vector<16xf32>
      %get3A_403 = arith.index_cast %scan3A_78 : i32 to index
      %get3A_404 = arith.constant 368 : index
      %get3A_405 = tpu.vector_load %arg11[%get3A_403, %get3A_404] {strides = array<i32>} : memref<32x768xf32, #tpu.memory_space<vmem>>, vector<1x16xf32>,
      %get3A_406 = vector.shape_cast %get3A_405 : vector<1x16xf32> to vector<16xf32>
      %add3A_407 = arith.addf %get3A_402, %get3A_406 : vector<16xf32>
      %swap3A_408 = arith.index_cast %scan3A_78 : i32 to index
      %swap3A_409 = arith.constant 368 : index
      %swap3A_410 = tpu.vector_load %arg10[%swap3A_408, %swap3A_409] {strides = array<i32>} : memref<32x768xf32, #tpu.memory_space<vmem>>, vector<1x16xf32>,
      %swap3A_411 = vector.shape_cast %swap3A_410 : vector<1x16xf32> to vector<16xf32>
      %swap3A_412 = vector.shape_cast %add3A_407 : vector<16xf32> to vector<1x16xf32>
      tpu.vector_store %arg10[%swap3A_408, %swap3A_409], %swap3A_412 {strides = array<i32>} : memref<32x768xf32, #tpu.memory_space<vmem>>, vector<1x16xf32>,
      %get3A_413 = arith.index_cast %scan3A_78 : i32 to index
      %get3A_414 = arith.constant 384 : index
      %get3A_415 = tpu.vector_load %arg10[%get3A_413, %get3A_414] {strides = array<i32>} : memref<32x768xf32, #tpu.memory_space<vmem>>, vector<1x16xf32>,
      %get3A_416 = vector.shape_cast %get3A_415 : vector<1x16xf32> to vector<16xf32>
      %get3A_417 = arith.index_cast %scan3A_78 : i32 to index
      %get3A_418 = arith.constant 384 : index
      %get3A_419 = tpu.vector_load %arg11[%get3A_417, %get3A_418] {strides = array<i32>} : memref<32x768xf32, #tpu.memory_space<vmem>>, vector<1x16xf32>,
      %get3A_420 = vector.shape_cast %get3A_419 : vector<1x16xf32> to vector<16xf32>
      %add3A_421 = arith.addf %get3A_416, %get3A_420 : vector<16xf32>
      %swap3A_422 = arith.index_cast %scan3A_78 : i32 to index
      %swap3A_423 = arith.constant 384 : index
      %swap3A_424 = tpu.vector_load %arg10[%swap3A_422, %swap3A_423] {strides = array<i32>} : memref<32x768xf32, #tpu.memory_space<vmem>>, vector<1x16xf32>,
      %swap3A_425 = vector.shape_cast %swap3A_424 : vector<1x16xf32> to vector<16xf32>
      %swap3A_426 = vector.shape_cast %add3A_421 : vector<16xf32> to vector<1x16xf32>
      tpu.vector_store %arg10[%swap3A_422, %swap3A_423], %swap3A_426 {strides = array<i32>} : memref<32x768xf32, #tpu.memory_space<vmem>>, vector<1x16xf32>,
      %get3A_427 = arith.index_cast %scan3A_78 : i32 to index
      %get3A_428 = arith.constant 400 : index
      %get3A_429 = tpu.vector_load %arg10[%get3A_427, %get3A_428] {strides = array<i32>} : memref<32x768xf32, #tpu.memory_space<vmem>>, vector<1x16xf32>,
      %get3A_430 = vector.shape_cast %get3A_429 : vector<1x16xf32> to vector<16xf32>
      %get3A_431 = arith.index_cast %scan3A_78 : i32 to index
      %get3A_432 = arith.constant 400 : index
      %get3A_433 = tpu.vector_load %arg11[%get3A_431, %get3A_432] {strides = array<i32>} : memref<32x768xf32, #tpu.memory_space<vmem>>, vector<1x16xf32>,
      %get3A_434 = vector.shape_cast %get3A_433 : vector<1x16xf32> to vector<16xf32>
      %add3A_435 = arith.addf %get3A_430, %get3A_434 : vector<16xf32>
      %swap3A_436 = arith.index_cast %scan3A_78 : i32 to index
      %swap3A_437 = arith.constant 400 : index
      %swap3A_438 = tpu.vector_load %arg10[%swap3A_436, %swap3A_437] {strides = array<i32>} : memref<32x768xf32, #tpu.memory_space<vmem>>, vector<1x16xf32>,
      %swap3A_439 = vector.shape_cast %swap3A_438 : vector<1x16xf32> to vector<16xf32>
      %swap3A_440 = vector.shape_cast %add3A_435 : vector<16xf32> to vector<1x16xf32>
      tpu.vector_store %arg10[%swap3A_436, %swap3A_437], %swap3A_440 {strides = array<i32>} : memref<32x768xf32, #tpu.memory_space<vmem>>, vector<1x16xf32>,
      %get3A_441 = arith.index_cast %scan3A_78 : i32 to index
      %get3A_442 = arith.constant 416 : index
      %get3A_443 = tpu.vector_load %arg10[%get3A_441, %get3A_442] {strides = array<i32>} : memref<32x768xf32, #tpu.memory_space<vmem>>, vector<1x16xf32>,
      %get3A_444 = vector.shape_cast %get3A_443 : vector<1x16xf32> to vector<16xf32>
      %get3A_445 = arith.index_cast %scan3A_78 : i32 to index
      %get3A_446 = arith.constant 416 : index
      %get3A_447 = tpu.vector_load %arg11[%get3A_445, %get3A_446] {strides = array<i32>} : memref<32x768xf32, #tpu.memory_space<vmem>>, vector<1x16xf32>,
      %get3A_448 = vector.shape_cast %get3A_447 : vector<1x16xf32> to vector<16xf32>
      %add3A_449 = arith.addf %get3A_444, %get3A_448 : vector<16xf32>
      %swap3A_450 = arith.index_cast %scan3A_78 : i32 to index
      %swap3A_451 = arith.constant 416 : index
      %swap3A_452 = tpu.vector_load %arg10[%swap3A_450, %swap3A_451] {strides = array<i32>} : memref<32x768xf32, #tpu.memory_space<vmem>>, vector<1x16xf32>,
      %swap3A_453 = vector.shape_cast %swap3A_452 : vector<1x16xf32> to vector<16xf32>
      %swap3A_454 = vector.shape_cast %add3A_449 : vector<16xf32> to vector<1x16xf32>
      tpu.vector_store %arg10[%swap3A_450, %swap3A_451], %swap3A_454 {strides = array<i32>} : memref<32x768xf32, #tpu.memory_space<vmem>>, vector<1x16xf32>,
      %get3A_455 = arith.index_cast %scan3A_78 : i32 to index
      %get3A_456 = arith.constant 432 : index
      %get3A_457 = tpu.vector_load %arg10[%get3A_455, %get3A_456] {strides = array<i32>} : memref<32x768xf32, #tpu.memory_space<vmem>>, vector<1x16xf32>,
      %get3A_458 = vector.shape_cast %get3A_457 : vector<1x16xf32> to vector<16xf32>
      %get3A_459 = arith.index_cast %scan3A_78 : i32 to index
      %get3A_460 = arith.constant 432 : index
      %get3A_461 = tpu.vector_load %arg11[%get3A_459, %get3A_460] {strides = array<i32>} : memref<32x768xf32, #tpu.memory_space<vmem>>, vector<1x16xf32>,
      %get3A_462 = vector.shape_cast %get3A_461 : vector<1x16xf32> to vector<16xf32>
      %add3A_463 = arith.addf %get3A_458, %get3A_462 : vector<16xf32>
      %swap3A_464 = arith.index_cast %scan3A_78 : i32 to index
      %swap3A_465 = arith.constant 432 : index
      %swap3A_466 = tpu.vector_load %arg10[%swap3A_464, %swap3A_465] {strides = array<i32>} : memref<32x768xf32, #tpu.memory_space<vmem>>, vector<1x16xf32>,
      %swap3A_467 = vector.shape_cast %swap3A_466 : vector<1x16xf32> to vector<16xf32>
      %swap3A_468 = vector.shape_cast %add3A_463 : vector<16xf32> to vector<1x16xf32>
      tpu.vector_store %arg10[%swap3A_464, %swap3A_465], %swap3A_468 {strides = array<i32>} : memref<32x768xf32, #tpu.memory_space<vmem>>, vector<1x16xf32>,
      %get3A_469 = arith.index_cast %scan3A_78 : i32 to index
      %get3A_470 = arith.constant 448 : index
      %get3A_471 = tpu.vector_load %arg10[%get3A_469, %get3A_470] {strides = array<i32>} : memref<32x768xf32, #tpu.memory_space<vmem>>, vector<1x16xf32>,
      %get3A_472 = vector.shape_cast %get3A_471 : vector<1x16xf32> to vector<16xf32>
      %get3A_473 = arith.index_cast %scan3A_78 : i32 to index
      %get3A_474 = arith.constant 448 : index
      %get3A_475 = tpu.vector_load %arg11[%get3A_473, %get3A_474] {strides = array<i32>} : memref<32x768xf32, #tpu.memory_space<vmem>>, vector<1x16xf32>,
      %get3A_476 = vector.shape_cast %get3A_475 : vector<1x16xf32> to vector<16xf32>
      %add3A_477 = arith.addf %get3A_472, %get3A_476 : vector<16xf32>
      %swap3A_478 = arith.index_cast %scan3A_78 : i32 to index
      %swap3A_479 = arith.constant 448 : index
      %swap3A_480 = tpu.vector_load %arg10[%swap3A_478, %swap3A_479] {strides = array<i32>} : memref<32x768xf32, #tpu.memory_space<vmem>>, vector<1x16xf32>,
      %swap3A_481 = vector.shape_cast %swap3A_480 : vector<1x16xf32> to vector<16xf32>
      %swap3A_482 = vector.shape_cast %add3A_477 : vector<16xf32> to vector<1x16xf32>
      tpu.vector_store %arg10[%swap3A_478, %swap3A_479], %swap3A_482 {strides = array<i32>} : memref<32x768xf32, #tpu.memory_space<vmem>>, vector<1x16xf32>,
      %get3A_483 = arith.index_cast %scan3A_78 : i32 to index
      %get3A_484 = arith.constant 464 : index
      %get3A_485 = tpu.vector_load %arg10[%get3A_483, %get3A_484] {strides = array<i32>} : memref<32x768xf32, #tpu.memory_space<vmem>>, vector<1x16xf32>,
      %get3A_486 = vector.shape_cast %get3A_485 : vector<1x16xf32> to vector<16xf32>
      %get3A_487 = arith.index_cast %scan3A_78 : i32 to index
      %get3A_488 = arith.constant 464 : index
      %get3A_489 = tpu.vector_load %arg11[%get3A_487, %get3A_488] {strides = array<i32>} : memref<32x768xf32, #tpu.memory_space<vmem>>, vector<1x16xf32>,
      %get3A_490 = vector.shape_cast %get3A_489 : vector<1x16xf32> to vector<16xf32>
      %add3A_491 = arith.addf %get3A_486, %get3A_490 : vector<16xf32>
      %swap3A_492 = arith.index_cast %scan3A_78 : i32 to index
      %swap3A_493 = arith.constant 464 : index
      %swap3A_494 = tpu.vector_load %arg10[%swap3A_492, %swap3A_493] {strides = array<i32>} : memref<32x768xf32, #tpu.memory_space<vmem>>, vector<1x16xf32>,
      %swap3A_495 = vector.shape_cast %swap3A_494 : vector<1x16xf32> to vector<16xf32>
      %swap3A_496 = vector.shape_cast %add3A_491 : vector<16xf32> to vector<1x16xf32>
      tpu.vector_store %arg10[%swap3A_492, %swap3A_493], %swap3A_496 {strides = array<i32>} : memref<32x768xf32, #tpu.memory_space<vmem>>, vector<1x16xf32>,
      %get3A_497 = arith.index_cast %scan3A_78 : i32 to index
      %get3A_498 = arith.constant 480 : index
      %get3A_499 = tpu.vector_load %arg10[%get3A_497, %get3A_498] {strides = array<i32>} : memref<32x768xf32, #tpu.memory_space<vmem>>, vector<1x16xf32>,
      %get3A_500 = vector.shape_cast %get3A_499 : vector<1x16xf32> to vector<16xf32>
      %get3A_501 = arith.index_cast %scan3A_78 : i32 to index
      %get3A_502 = arith.constant 480 : index
      %get3A_503 = tpu.vector_load %arg11[%get3A_501, %get3A_502] {strides = array<i32>} : memref<32x768xf32, #tpu.memory_space<vmem>>, vector<1x16xf32>,
      %get3A_504 = vector.shape_cast %get3A_503 : vector<1x16xf32> to vector<16xf32>
      %add3A_505 = arith.addf %get3A_500, %get3A_504 : vector<16xf32>
      %swap3A_506 = arith.index_cast %scan3A_78 : i32 to index
      %swap3A_507 = arith.constant 480 : index
      %swap3A_508 = tpu.vector_load %arg10[%swap3A_506, %swap3A_507] {strides = array<i32>} : memref<32x768xf32, #tpu.memory_space<vmem>>, vector<1x16xf32>,
      %swap3A_509 = vector.shape_cast %swap3A_508 : vector<1x16xf32> to vector<16xf32>
      %swap3A_510 = vector.shape_cast %add3A_505 : vector<16xf32> to vector<1x16xf32>
      tpu.vector_store %arg10[%swap3A_506, %swap3A_507], %swap3A_510 {strides = array<i32>} : memref<32x768xf32, #tpu.memory_space<vmem>>, vector<1x16xf32>,
      %get3A_511 = arith.index_cast %scan3A_78 : i32 to index
      %get3A_512 = arith.constant 496 : index
      %get3A_513 = tpu.vector_load %arg10[%get3A_511, %get3A_512] {strides = array<i32>} : memref<32x768xf32, #tpu.memory_space<vmem>>, vector<1x16xf32>,
      %get3A_514 = vector.shape_cast %get3A_513 : vector<1x16xf32> to vector<16xf32>
      %get3A_515 = arith.index_cast %scan3A_78 : i32 to index
      %get3A_516 = arith.constant 496 : index
      %get3A_517 = tpu.vector_load %arg11[%get3A_515, %get3A_516] {strides = array<i32>} : memref<32x768xf32, #tpu.memory_space<vmem>>, vector<1x16xf32>,
      %get3A_518 = vector.shape_cast %get3A_517 : vector<1x16xf32> to vector<16xf32>
      %add3A_519 = arith.addf %get3A_514, %get3A_518 : vector<16xf32>
      %swap3A_520 = arith.index_cast %scan3A_78 : i32 to index
      %swap3A_521 = arith.constant 496 : index
      %swap3A_522 = tpu.vector_load %arg10[%swap3A_520, %swap3A_521] {strides = array<i32>} : memref<32x768xf32, #tpu.memory_space<vmem>>, vector<1x16xf32>,
      %swap3A_523 = vector.shape_cast %swap3A_522 : vector<1x16xf32> to vector<16xf32>
      %swap3A_524 = vector.shape_cast %add3A_519 : vector<16xf32> to vector<1x16xf32>
      tpu.vector_store %arg10[%swap3A_520, %swap3A_521], %swap3A_524 {strides = array<i32>} : memref<32x768xf32, #tpu.memory_space<vmem>>, vector<1x16xf32>,
      %get3A_525 = arith.index_cast %scan3A_78 : i32 to index
      %get3A_526 = arith.constant 512 : index
      %get3A_527 = tpu.vector_load %arg10[%get3A_525, %get3A_526] {strides = array<i32>} : memref<32x768xf32, #tpu.memory_space<vmem>>, vector<1x16xf32>,
      %get3A_528 = vector.shape_cast %get3A_527 : vector<1x16xf32> to vector<16xf32>
      %get3A_529 = arith.index_cast %scan3A_78 : i32 to index
      %get3A_530 = arith.constant 512 : index
      %get3A_531 = tpu.vector_load %arg11[%get3A_529, %get3A_530] {strides = array<i32>} : memref<32x768xf32, #tpu.memory_space<vmem>>, vector<1x16xf32>,
      %get3A_532 = vector.shape_cast %get3A_531 : vector<1x16xf32> to vector<16xf32>
      %add3A_533 = arith.addf %get3A_528, %get3A_532 : vector<16xf32>
      %swap3A_534 = arith.index_cast %scan3A_78 : i32 to index
      %swap3A_535 = arith.constant 512 : index
      %swap3A_536 = tpu.vector_load %arg10[%swap3A_534, %swap3A_535] {strides = array<i32>} : memref<32x768xf32, #tpu.memory_space<vmem>>, vector<1x16xf32>,
      %swap3A_537 = vector.shape_cast %swap3A_536 : vector<1x16xf32> to vector<16xf32>
      %swap3A_538 = vector.shape_cast %add3A_533 : vector<16xf32> to vector<1x16xf32>
      tpu.vector_store %arg10[%swap3A_534, %swap3A_535], %swap3A_538 {strides = array<i32>} : memref<32x768xf32, #tpu.memory_space<vmem>>, vector<1x16xf32>,
      %get3A_539 = arith.index_cast %scan3A_78 : i32 to index
      %get3A_540 = arith.constant 528 : index
      %get3A_541 = tpu.vector_load %arg10[%get3A_539, %get3A_540] {strides = array<i32>} : memref<32x768xf32, #tpu.memory_space<vmem>>, vector<1x16xf32>,
      %get3A_542 = vector.shape_cast %get3A_541 : vector<1x16xf32> to vector<16xf32>
      %get3A_543 = arith.index_cast %scan3A_78 : i32 to index
      %get3A_544 = arith.constant 528 : index
      %get3A_545 = tpu.vector_load %arg11[%get3A_543, %get3A_544] {strides = array<i32>} : memref<32x768xf32, #tpu.memory_space<vmem>>, vector<1x16xf32>,
      %get3A_546 = vector.shape_cast %get3A_545 : vector<1x16xf32> to vector<16xf32>
      %add3A_547 = arith.addf %get3A_542, %get3A_546 : vector<16xf32>
      %swap3A_548 = arith.index_cast %scan3A_78 : i32 to index
      %swap3A_549 = arith.constant 528 : index
      %swap3A_550 = tpu.vector_load %arg10[%swap3A_548, %swap3A_549] {strides = array<i32>} : memref<32x768xf32, #tpu.memory_space<vmem>>, vector<1x16xf32>,
      %swap3A_551 = vector.shape_cast %swap3A_550 : vector<1x16xf32> to vector<16xf32>
      %swap3A_552 = vector.shape_cast %add3A_547 : vector<16xf32> to vector<1x16xf32>
      tpu.vector_store %arg10[%swap3A_548, %swap3A_549], %swap3A_552 {strides = array<i32>} : memref<32x768xf32, #tpu.memory_space<vmem>>, vector<1x16xf32>,
      %get3A_553 = arith.index_cast %scan3A_78 : i32 to index
      %get3A_554 = arith.constant 544 : index
      %get3A_555 = tpu.vector_load %arg10[%get3A_553, %get3A_554] {strides = array<i32>} : memref<32x768xf32, #tpu.memory_space<vmem>>, vector<1x16xf32>,
      %get3A_556 = vector.shape_cast %get3A_555 : vector<1x16xf32> to vector<16xf32>
      %get3A_557 = arith.index_cast %scan3A_78 : i32 to index
      %get3A_558 = arith.constant 544 : index
      %get3A_559 = tpu.vector_load %arg11[%get3A_557, %get3A_558] {strides = array<i32>} : memref<32x768xf32, #tpu.memory_space<vmem>>, vector<1x16xf32>,
      %get3A_560 = vector.shape_cast %get3A_559 : vector<1x16xf32> to vector<16xf32>
      %add3A_561 = arith.addf %get3A_556, %get3A_560 : vector<16xf32>
      %swap3A_562 = arith.index_cast %scan3A_78 : i32 to index
      %swap3A_563 = arith.constant 544 : index
      %swap3A_564 = tpu.vector_load %arg10[%swap3A_562, %swap3A_563] {strides = array<i32>} : memref<32x768xf32, #tpu.memory_space<vmem>>, vector<1x16xf32>,
      %swap3A_565 = vector.shape_cast %swap3A_564 : vector<1x16xf32> to vector<16xf32>
      %swap3A_566 = vector.shape_cast %add3A_561 : vector<16xf32> to vector<1x16xf32>
      tpu.vector_store %arg10[%swap3A_562, %swap3A_563], %swap3A_566 {strides = array<i32>} : memref<32x768xf32, #tpu.memory_space<vmem>>, vector<1x16xf32>,
      %get3A_567 = arith.index_cast %scan3A_78 : i32 to index
      %get3A_568 = arith.constant 560 : index
      %get3A_569 = tpu.vector_load %arg10[%get3A_567, %get3A_568] {strides = array<i32>} : memref<32x768xf32, #tpu.memory_space<vmem>>, vector<1x16xf32>,
      %get3A_570 = vector.shape_cast %get3A_569 : vector<1x16xf32> to vector<16xf32>
      %get3A_571 = arith.index_cast %scan3A_78 : i32 to index
      %get3A_572 = arith.constant 560 : index
      %get3A_573 = tpu.vector_load %arg11[%get3A_571, %get3A_572] {strides = array<i32>} : memref<32x768xf32, #tpu.memory_space<vmem>>, vector<1x16xf32>,
      %get3A_574 = vector.shape_cast %get3A_573 : vector<1x16xf32> to vector<16xf32>
      %add3A_575 = arith.addf %get3A_570, %get3A_574 : vector<16xf32>
      %swap3A_576 = arith.index_cast %scan3A_78 : i32 to index
      %swap3A_577 = arith.constant 560 : index
      %swap3A_578 = tpu.vector_load %arg10[%swap3A_576, %swap3A_577] {strides = array<i32>} : memref<32x768xf32, #tpu.memory_space<vmem>>, vector<1x16xf32>,
      %swap3A_579 = vector.shape_cast %swap3A_578 : vector<1x16xf32> to vector<16xf32>
      %swap3A_580 = vector.shape_cast %add3A_575 : vector<16xf32> to vector<1x16xf32>
      tpu.vector_store %arg10[%swap3A_576, %swap3A_577], %swap3A_580 {strides = array<i32>} : memref<32x768xf32, #tpu.memory_space<vmem>>, vector<1x16xf32>,
      %get3A_581 = arith.index_cast %scan3A_78 : i32 to index
      %get3A_582 = arith.constant 576 : index
      %get3A_583 = tpu.vector_load %arg10[%get3A_581, %get3A_582] {strides = array<i32>} : memref<32x768xf32, #tpu.memory_space<vmem>>, vector<1x16xf32>,
      %get3A_584 = vector.shape_cast %get3A_583 : vector<1x16xf32> to vector<16xf32>
      %get3A_585 = arith.index_cast %scan3A_78 : i32 to index
      %get3A_586 = arith.constant 576 : index
      %get3A_587 = tpu.vector_load %arg11[%get3A_585, %get3A_586] {strides = array<i32>} : memref<32x768xf32, #tpu.memory_space<vmem>>, vector<1x16xf32>,
      %get3A_588 = vector.shape_cast %get3A_587 : vector<1x16xf32> to vector<16xf32>
      %add3A_589 = arith.addf %get3A_584, %get3A_588 : vector<16xf32>
      %swap3A_590 = arith.index_cast %scan3A_78 : i32 to index
      %swap3A_591 = arith.constant 576 : index
      %swap3A_592 = tpu.vector_load %arg10[%swap3A_590, %swap3A_591] {strides = array<i32>} : memref<32x768xf32, #tpu.memory_space<vmem>>, vector<1x16xf32>,
      %swap3A_593 = vector.shape_cast %swap3A_592 : vector<1x16xf32> to vector<16xf32>
      %swap3A_594 = vector.shape_cast %add3A_589 : vector<16xf32> to vector<1x16xf32>
      tpu.vector_store %arg10[%swap3A_590, %swap3A_591], %swap3A_594 {strides = array<i32>} : memref<32x768xf32, #tpu.memory_space<vmem>>, vector<1x16xf32>,
      %get3A_595 = arith.index_cast %scan3A_78 : i32 to index
      %get3A_596 = arith.constant 592 : index
      %get3A_597 = tpu.vector_load %arg10[%get3A_595, %get3A_596] {strides = array<i32>} : memref<32x768xf32, #tpu.memory_space<vmem>>, vector<1x16xf32>,
      %get3A_598 = vector.shape_cast %get3A_597 : vector<1x16xf32> to vector<16xf32>
      %get3A_599 = arith.index_cast %scan3A_78 : i32 to index
      %get3A_600 = arith.constant 592 : index
      %get3A_601 = tpu.vector_load %arg11[%get3A_599, %get3A_600] {strides = array<i32>} : memref<32x768xf32, #tpu.memory_space<vmem>>, vector<1x16xf32>,
      %get3A_602 = vector.shape_cast %get3A_601 : vector<1x16xf32> to vector<16xf32>
      %add3A_603 = arith.addf %get3A_598, %get3A_602 : vector<16xf32>
      %swap3A_604 = arith.index_cast %scan3A_78 : i32 to index
      %swap3A_605 = arith.constant 592 : index
      %swap3A_606 = tpu.vector_load %arg10[%swap3A_604, %swap3A_605] {strides = array<i32>} : memref<32x768xf32, #tpu.memory_space<vmem>>, vector<1x16xf32>,
      %swap3A_607 = vector.shape_cast %swap3A_606 : vector<1x16xf32> to vector<16xf32>
      %swap3A_608 = vector.shape_cast %add3A_603 : vector<16xf32> to vector<1x16xf32>
      tpu.vector_store %arg10[%swap3A_604, %swap3A_605], %swap3A_608 {strides = array<i32>} : memref<32x768xf32, #tpu.memory_space<vmem>>, vector<1x16xf32>,
      %get3A_609 = arith.index_cast %scan3A_78 : i32 to index
      %get3A_610 = arith.constant 608 : index
      %get3A_611 = tpu.vector_load %arg10[%get3A_609, %get3A_610] {strides = array<i32>} : memref<32x768xf32, #tpu.memory_space<vmem>>, vector<1x16xf32>,
      %get3A_612 = vector.shape_cast %get3A_611 : vector<1x16xf32> to vector<16xf32>
      %get3A_613 = arith.index_cast %scan3A_78 : i32 to index
      %get3A_614 = arith.constant 608 : index
      %get3A_615 = tpu.vector_load %arg11[%get3A_613, %get3A_614] {strides = array<i32>} : memref<32x768xf32, #tpu.memory_space<vmem>>, vector<1x16xf32>,
      %get3A_616 = vector.shape_cast %get3A_615 : vector<1x16xf32> to vector<16xf32>
      %add3A_617 = arith.addf %get3A_612, %get3A_616 : vector<16xf32>
      %swap3A_618 = arith.index_cast %scan3A_78 : i32 to index
      %swap3A_619 = arith.constant 608 : index
      %swap3A_620 = tpu.vector_load %arg10[%swap3A_618, %swap3A_619] {strides = array<i32>} : memref<32x768xf32, #tpu.memory_space<vmem>>, vector<1x16xf32>,
      %swap3A_621 = vector.shape_cast %swap3A_620 : vector<1x16xf32> to vector<16xf32>
      %swap3A_622 = vector.shape_cast %add3A_617 : vector<16xf32> to vector<1x16xf32>
      tpu.vector_store %arg10[%swap3A_618, %swap3A_619], %swap3A_622 {strides = array<i32>} : memref<32x768xf32, #tpu.memory_space<vmem>>, vector<1x16xf32>,
      %get3A_623 = arith.index_cast %scan3A_78 : i32 to index
      %get3A_624 = arith.constant 624 : index
      %get3A_625 = tpu.vector_load %arg10[%get3A_623, %get3A_624] {strides = array<i32>} : memref<32x768xf32, #tpu.memory_space<vmem>>, vector<1x16xf32>,
      %get3A_626 = vector.shape_cast %get3A_625 : vector<1x16xf32> to vector<16xf32>
      %get3A_627 = arith.index_cast %scan3A_78 : i32 to index
      %get3A_628 = arith.constant 624 : index
      %get3A_629 = tpu.vector_load %arg11[%get3A_627, %get3A_628] {strides = array<i32>} : memref<32x768xf32, #tpu.memory_space<vmem>>, vector<1x16xf32>,
      %get3A_630 = vector.shape_cast %get3A_629 : vector<1x16xf32> to vector<16xf32>
      %add3A_631 = arith.addf %get3A_626, %get3A_630 : vector<16xf32>
      %swap3A_632 = arith.index_cast %scan3A_78 : i32 to index
      %swap3A_633 = arith.constant 624 : index
      %swap3A_634 = tpu.vector_load %arg10[%swap3A_632, %swap3A_633] {strides = array<i32>} : memref<32x768xf32, #tpu.memory_space<vmem>>, vector<1x16xf32>,
      %swap3A_635 = vector.shape_cast %swap3A_634 : vector<1x16xf32> to vector<16xf32>
      %swap3A_636 = vector.shape_cast %add3A_631 : vector<16xf32> to vector<1x16xf32>
      tpu.vector_store %arg10[%swap3A_632, %swap3A_633], %swap3A_636 {strides = array<i32>} : memref<32x768xf32, #tpu.memory_space<vmem>>, vector<1x16xf32>,
      %get3A_637 = arith.index_cast %scan3A_78 : i32 to index
      %get3A_638 = arith.constant 640 : index
      %get3A_639 = tpu.vector_load %arg10[%get3A_637, %get3A_638] {strides = array<i32>} : memref<32x768xf32, #tpu.memory_space<vmem>>, vector<1x16xf32>,
      %get3A_640 = vector.shape_cast %get3A_639 : vector<1x16xf32> to vector<16xf32>
      %get3A_641 = arith.index_cast %scan3A_78 : i32 to index
      %get3A_642 = arith.constant 640 : index
      %get3A_643 = tpu.vector_load %arg11[%get3A_641, %get3A_642] {strides = array<i32>} : memref<32x768xf32, #tpu.memory_space<vmem>>, vector<1x16xf32>,
      %get3A_644 = vector.shape_cast %get3A_643 : vector<1x16xf32> to vector<16xf32>
      %add3A_645 = arith.addf %get3A_640, %get3A_644 : vector<16xf32>
      %swap3A_646 = arith.index_cast %scan3A_78 : i32 to index
      %swap3A_647 = arith.constant 640 : index
      %swap3A_648 = tpu.vector_load %arg10[%swap3A_646, %swap3A_647] {strides = array<i32>} : memref<32x768xf32, #tpu.memory_space<vmem>>, vector<1x16xf32>,
      %swap3A_649 = vector.shape_cast %swap3A_648 : vector<1x16xf32> to vector<16xf32>
      %swap3A_650 = vector.shape_cast %add3A_645 : vector<16xf32> to vector<1x16xf32>
      tpu.vector_store %arg10[%swap3A_646, %swap3A_647], %swap3A_650 {strides = array<i32>} : memref<32x768xf32, #tpu.memory_space<vmem>>, vector<1x16xf32>,
      %get3A_651 = arith.index_cast %scan3A_78 : i32 to index
      %get3A_652 = arith.constant 656 : index
      %get3A_653 = tpu.vector_load %arg10[%get3A_651, %get3A_652] {strides = array<i32>} : memref<32x768xf32, #tpu.memory_space<vmem>>, vector<1x16xf32>,
      %get3A_654 = vector.shape_cast %get3A_653 : vector<1x16xf32> to vector<16xf32>
      %get3A_655 = arith.index_cast %scan3A_78 : i32 to index
      %get3A_656 = arith.constant 656 : index
      %get3A_657 = tpu.vector_load %arg11[%get3A_655, %get3A_656] {strides = array<i32>} : memref<32x768xf32, #tpu.memory_space<vmem>>, vector<1x16xf32>,
      %get3A_658 = vector.shape_cast %get3A_657 : vector<1x16xf32> to vector<16xf32>
      %add3A_659 = arith.addf %get3A_654, %get3A_658 : vector<16xf32>
      %swap3A_660 = arith.index_cast %scan3A_78 : i32 to index
      %swap3A_661 = arith.constant 656 : index
      %swap3A_662 = tpu.vector_load %arg10[%swap3A_660, %swap3A_661] {strides = array<i32>} : memref<32x768xf32, #tpu.memory_space<vmem>>, vector<1x16xf32>,
      %swap3A_663 = vector.shape_cast %swap3A_662 : vector<1x16xf32> to vector<16xf32>
      %swap3A_664 = vector.shape_cast %add3A_659 : vector<16xf32> to vector<1x16xf32>
      tpu.vector_store %arg10[%swap3A_660, %swap3A_661], %swap3A_664 {strides = array<i32>} : memref<32x768xf32, #tpu.memory_space<vmem>>, vector<1x16xf32>,
      %get3A_665 = arith.index_cast %scan3A_78 : i32 to index
      %get3A_666 = arith.constant 672 : index
      %get3A_667 = tpu.vector_load %arg10[%get3A_665, %get3A_666] {strides = array<i32>} : memref<32x768xf32, #tpu.memory_space<vmem>>, vector<1x16xf32>,
      %get3A_668 = vector.shape_cast %get3A_667 : vector<1x16xf32> to vector<16xf32>
      %get3A_669 = arith.index_cast %scan3A_78 : i32 to index
      %get3A_670 = arith.constant 672 : index
      %get3A_671 = tpu.vector_load %arg11[%get3A_669, %get3A_670] {strides = array<i32>} : memref<32x768xf32, #tpu.memory_space<vmem>>, vector<1x16xf32>,
      %get3A_672 = vector.shape_cast %get3A_671 : vector<1x16xf32> to vector<16xf32>
      %add3A_673 = arith.addf %get3A_668, %get3A_672 : vector<16xf32>
      %swap3A_674 = arith.index_cast %scan3A_78 : i32 to index
      %swap3A_675 = arith.constant 672 : index
      %swap3A_676 = tpu.vector_load %arg10[%swap3A_674, %swap3A_675] {strides = array<i32>} : memref<32x768xf32, #tpu.memory_space<vmem>>, vector<1x16xf32>,
      %swap3A_677 = vector.shape_cast %swap3A_676 : vector<1x16xf32> to vector<16xf32>
      %swap3A_678 = vector.shape_cast %add3A_673 : vector<16xf32> to vector<1x16xf32>
      tpu.vector_store %arg10[%swap3A_674, %swap3A_675], %swap3A_678 {strides = array<i32>} : memref<32x768xf32, #tpu.memory_space<vmem>>, vector<1x16xf32>,
      %get3A_679 = arith.index_cast %scan3A_78 : i32 to index
      %get3A_680 = arith.constant 688 : index
      %get3A_681 = tpu.vector_load %arg10[%get3A_679, %get3A_680] {strides = array<i32>} : memref<32x768xf32, #tpu.memory_space<vmem>>, vector<1x16xf32>,
      %get3A_682 = vector.shape_cast %get3A_681 : vector<1x16xf32> to vector<16xf32>
      %get3A_683 = arith.index_cast %scan3A_78 : i32 to index
      %get3A_684 = arith.constant 688 : index
      %get3A_685 = tpu.vector_load %arg11[%get3A_683, %get3A_684] {strides = array<i32>} : memref<32x768xf32, #tpu.memory_space<vmem>>, vector<1x16xf32>,
      %get3A_686 = vector.shape_cast %get3A_685 : vector<1x16xf32> to vector<16xf32>
      %add3A_687 = arith.addf %get3A_682, %get3A_686 : vector<16xf32>
      %swap3A_688 = arith.index_cast %scan3A_78 : i32 to index
      %swap3A_689 = arith.constant 688 : index
      %swap3A_690 = tpu.vector_load %arg10[%swap3A_688, %swap3A_689] {strides = array<i32>} : memref<32x768xf32, #tpu.memory_space<vmem>>, vector<1x16xf32>,
      %swap3A_691 = vector.shape_cast %swap3A_690 : vector<1x16xf32> to vector<16xf32>
      %swap3A_692 = vector.shape_cast %add3A_687 : vector<16xf32> to vector<1x16xf32>
      tpu.vector_store %arg10[%swap3A_688, %swap3A_689], %swap3A_692 {strides = array<i32>} : memref<32x768xf32, #tpu.memory_space<vmem>>, vector<1x16xf32>,
      %get3A_693 = arith.index_cast %scan3A_78 : i32 to index
      %get3A_694 = arith.constant 704 : index
      %get3A_695 = tpu.vector_load %arg10[%get3A_693, %get3A_694] {strides = array<i32>} : memref<32x768xf32, #tpu.memory_space<vmem>>, vector<1x16xf32>,
      %get3A_696 = vector.shape_cast %get3A_695 : vector<1x16xf32> to vector<16xf32>
      %get3A_697 = arith.index_cast %scan3A_78 : i32 to index
      %get3A_698 = arith.constant 704 : index
      %get3A_699 = tpu.vector_load %arg11[%get3A_697, %get3A_698] {strides = array<i32>} : memref<32x768xf32, #tpu.memory_space<vmem>>, vector<1x16xf32>,
      %get3A_700 = vector.shape_cast %get3A_699 : vector<1x16xf32> to vector<16xf32>
      %add3A_701 = arith.addf %get3A_696, %get3A_700 : vector<16xf32>
      %swap3A_702 = arith.index_cast %scan3A_78 : i32 to index
      %swap3A_703 = arith.constant 704 : index
      %swap3A_704 = tpu.vector_load %arg10[%swap3A_702, %swap3A_703] {strides = array<i32>} : memref<32x768xf32, #tpu.memory_space<vmem>>, vector<1x16xf32>,
      %swap3A_705 = vector.shape_cast %swap3A_704 : vector<1x16xf32> to vector<16xf32>
      %swap3A_706 = vector.shape_cast %add3A_701 : vector<16xf32> to vector<1x16xf32>
      tpu.vector_store %arg10[%swap3A_702, %swap3A_703], %swap3A_706 {strides = array<i32>} : memref<32x768xf32, #tpu.memory_space<vmem>>, vector<1x16xf32>,
      %get3A_707 = arith.index_cast %scan3A_78 : i32 to index
      %get3A_708 = arith.constant 720 : index
      %get3A_709 = tpu.vector_load %arg10[%get3A_707, %get3A_708] {strides = array<i32>} : memref<32x768xf32, #tpu.memory_space<vmem>>, vector<1x16xf32>,
      %get3A_710 = vector.shape_cast %get3A_709 : vector<1x16xf32> to vector<16xf32>
      %get3A_711 = arith.index_cast %scan3A_78 : i32 to index
      %get3A_712 = arith.constant 720 : index
      %get3A_713 = tpu.vector_load %arg11[%get3A_711, %get3A_712] {strides = array<i32>} : memref<32x768xf32, #tpu.memory_space<vmem>>, vector<1x16xf32>,
      %get3A_714 = vector.shape_cast %get3A_713 : vector<1x16xf32> to vector<16xf32>
      %add3A_715 = arith.addf %get3A_710, %get3A_714 : vector<16xf32>
      %swap3A_716 = arith.index_cast %scan3A_78 : i32 to index
      %swap3A_717 = arith.constant 720 : index
      %swap3A_718 = tpu.vector_load %arg10[%swap3A_716, %swap3A_717] {strides = array<i32>} : memref<32x768xf32, #tpu.memory_space<vmem>>, vector<1x16xf32>,
      %swap3A_719 = vector.shape_cast %swap3A_718 : vector<1x16xf32> to vector<16xf32>
      %swap3A_720 = vector.shape_cast %add3A_715 : vector<16xf32> to vector<1x16xf32>
      tpu.vector_store %arg10[%swap3A_716, %swap3A_717], %swap3A_720 {strides = array<i32>} : memref<32x768xf32, #tpu.memory_space<vmem>>, vector<1x16xf32>,
      %get3A_721 = arith.index_cast %scan3A_78 : i32 to index
      %get3A_722 = arith.constant 736 : index
      %get3A_723 = tpu.vector_load %arg10[%get3A_721, %get3A_722] {strides = array<i32>} : memref<32x768xf32, #tpu.memory_space<vmem>>, vector<1x16xf32>,
      %get3A_724 = vector.shape_cast %get3A_723 : vector<1x16xf32> to vector<16xf32>
      %get3A_725 = arith.index_cast %scan3A_78 : i32 to index
      %get3A_726 = arith.constant 736 : index
      %get3A_727 = tpu.vector_load %arg11[%get3A_725, %get3A_726] {strides = array<i32>} : memref<32x768xf32, #tpu.memory_space<vmem>>, vector<1x16xf32>,
      %get3A_728 = vector.shape_cast %get3A_727 : vector<1x16xf32> to vector<16xf32>
      %add3A_729 = arith.addf %get3A_724, %get3A_728 : vector<16xf32>
      %swap3A_730 = arith.index_cast %scan3A_78 : i32 to index
      %swap3A_731 = arith.constant 736 : index
      %swap3A_732 = tpu.vector_load %arg10[%swap3A_730, %swap3A_731] {strides = array<i32>} : memref<32x768xf32, #tpu.memory_space<vmem>>, vector<1x16xf32>,
      %swap3A_733 = vector.shape_cast %swap3A_732 : vector<1x16xf32> to vector<16xf32>
      %swap3A_734 = vector.shape_cast %add3A_729 : vector<16xf32> to vector<1x16xf32>
      tpu.vector_store %arg10[%swap3A_730, %swap3A_731], %swap3A_734 {strides = array<i32>} : memref<32x768xf32, #tpu.memory_space<vmem>>, vector<1x16xf32>,
      %get3A_735 = arith.index_cast %scan3A_78 : i32 to index
      %get3A_736 = arith.constant 752 : index
      %get3A_737 = tpu.vector_load %arg10[%get3A_735, %get3A_736] {strides = array<i32>} : memref<32x768xf32, #tpu.memory_space<vmem>>, vector<1x16xf32>,
      %get3A_738 = vector.shape_cast %get3A_737 : vector<1x16xf32> to vector<16xf32>
      %get3A_739 = arith.index_cast %scan3A_78 : i32 to index
      %get3A_740 = arith.constant 752 : index
      %get3A_741 = tpu.vector_load %arg11[%get3A_739, %get3A_740] {strides = array<i32>} : memref<32x768xf32, #tpu.memory_space<vmem>>, vector<1x16xf32>,
      %get3A_742 = vector.shape_cast %get3A_741 : vector<1x16xf32> to vector<16xf32>
      %add3A_743 = arith.addf %get3A_738, %get3A_742 : vector<16xf32>
      %swap3A_744 = arith.index_cast %scan3A_78 : i32 to index
      %swap3A_745 = arith.constant 752 : index
      %swap3A_746 = tpu.vector_load %arg10[%swap3A_744, %swap3A_745] {strides = array<i32>} : memref<32x768xf32, #tpu.memory_space<vmem>>, vector<1x16xf32>,
      %swap3A_747 = vector.shape_cast %swap3A_746 : vector<1x16xf32> to vector<16xf32>
      %swap3A_748 = vector.shape_cast %add3A_743 : vector<16xf32> to vector<1x16xf32>
      tpu.vector_store %arg10[%swap3A_744, %swap3A_745], %swap3A_748 {strides = array<i32>} : memref<32x768xf32, #tpu.memory_space<vmem>>, vector<1x16xf32>,
    }
    %scan3A_63 = arith.constant 32 : i32
    %add3A_64 = arith.constant 32 : i32
    %add3A_65 = arith.addi %mul3A_2, %add3A_64 : i32
    %dma_start3A_66 = arith.constant 0 : i32
    %dma_start3A_67 = tpu.memref_slice %arg5[%add3A_65, %dma_start3A_66] : memref<2048x768xf32, #tpu.memory_space<hbm>> -> memref<32x768xf32, #tpu.memory_space<hbm>>
    %dma_start3A_68 = arith.constant 0 : i32
    %dma_start3A_69 = tpu.memref_slice %arg5[%add3A_65, %dma_start3A_68] : memref<2048x768xf32, #tpu.memory_space<hbm>> -> memref<32x768xf32, #tpu.memory_space<hbm>>
    tpu.enqueue_dma source(%arg10 : memref<32x768xf32, #tpu.memory_space<vmem>>) target(%dma_start3A_69 : memref<32x768xf32, #tpu.memory_space<hbm>>) target_semaphore(%arg13 : memref<!tpu.dma_semaphore, #tpu.memory_space<semaphore_mem>>)
    %dma_wait3A_70 = arith.constant 0 : i32
    %dma_wait3A_71 = tpu.memref_slice %arg5[%mul3A_2, %dma_wait3A_70] : memref<2048x768xf32, #tpu.memory_space<hbm>> -> memref<32x768xf32, #tpu.memory_space<hbm>>
    %dma_wait3A_72 = arith.constant 0 : i32
    %dma_wait3A_73 = tpu.memref_slice %arg5[%mul3A_2, %dma_wait3A_72] : memref<2048x768xf32, #tpu.memory_space<hbm>> -> memref<32x768xf32, #tpu.memory_space<hbm>>
    tpu.wait_dma2 semaphore(%arg13 : memref<!tpu.dma_semaphore, #tpu.memory_space<semaphore_mem>>) src(%arg8 : memref<32x768xf32, #tpu.memory_space<vmem>>) dst(%dma_wait3A_73 : memref<32x768xf32, #tpu.memory_space<hbm>>)
    %dma_wait3A_74 = arith.constant 0 : i32
    %dma_wait3A_75 = tpu.memref_slice %arg5[%add3A_65, %dma_wait3A_74] : memref<2048x768xf32, #tpu.memory_space<hbm>> -> memref<32x768xf32, #tpu.memory_space<hbm>>
    %dma_wait3A_76 = arith.constant 0 : i32
    %dma_wait3A_77 = tpu.memref_slice %arg5[%add3A_65, %dma_wait3A_76] : memref<2048x768xf32, #tpu.memory_space<hbm>> -> memref<32x768xf32, #tpu.memory_space<hbm>>
    tpu.wait_dma2 semaphore(%arg13 : memref<!tpu.dma_semaphore, #tpu.memory_space<semaphore_mem>>) src(%arg10 : memref<32x768xf32, #tpu.memory_space<vmem>>) dst(%dma_wait3A_77 : memref<32x768xf32, #tpu.memory_space<hbm>>)
    return
  }
}

module attributes {stable_mosaic.version = 14 : i64} {
  func.func @_ffn_body(%arg0: i32, %arg1: memref<96xi32, #tpu.memory_space<smem>>, %arg2: memref<1xi32, #tpu.memory_space<smem>>, %arg3: memref<1x1x128xi32, #tpu.memory_space<vmem>>, %arg4: memref<2048x768xf32, #tpu.memory_space<vmem>>, %arg5: memref<1x768x2048xf32, #tpu.memory_space<vmem>>, %arg6: memref<1x1024x768xf32, #tpu.memory_space<vmem>>, %arg7: memref<128x1xf32, #tpu.memory_space<vmem>>, %arg8: memref<128x768xf32, #tpu.memory_space<vmem>>) attributes {dimension_semantics = [#tpu.dimension_semantics<arbitrary>], iteration_bounds = array<i64: 96>, scalar_prefetch = 2 : i64, scratch_operands = 0 : i64, tpu.core_type = #tpu.core_type<tc>, window_params = [{transform_indices = @transform_0, window_bounds = array<i64: 1, 1, 128>}, {pipeline_mode = #tpu.pipeline_mode<synchronous>, transform_indices = @transform_1, window_bounds = array<i64: 2048, 768>}, {transform_indices = @transform_2, window_bounds = array<i64: 1, 768, 2048>}, {transform_indices = @transform_3, window_bounds = array<i64: 1, 1024, 768>}, {transform_indices = @transform_4, window_bounds = array<i64: 128, 1>}, {transform_indices = @transform_5, window_bounds = array<i64: 128, 768>}]} {
    %get3A = arith.constant 0 : index
    %get3A_0 = memref.load %arg2[%get3A] : memref<1xi32, #tpu.memory_space<smem>>
    %lt3A = arith.cmpi slt, %arg0, %get3A_0 : i32
    %convert_element_type3A = arith.extui %lt3A : i1 to i32
    %cond3A = arith.constant 0 : i32
    %cond3A_1 = arith.cmpi ne, %convert_element_type3A, %cond3A : i32
    scf.if %cond3A_1 {
      %get3A_2 = arith.constant 0 : index
      %get3A_3 = arith.constant 0 : index
      %get3A_4 = arith.constant 0 : index
      %get3A_5 = vector.load %arg3[%get3A_2, %get3A_3, %get3A_4] : memref<1x1x128xi32, #tpu.memory_space<vmem>>, vector<1x1x128xi32>
      %get3A_6 = vector.shape_cast %get3A_5 : vector<1x1x128xi32> to vector<1x128xi32>
      %transpose3A = tpu.transpose %get3A_6, [1, 0] : vector<1x128xi32> -> vector<128x1xi32>
      %iota3A = tpu.iota {dimensions = array<i32: 1>} : vector<128x2048xi32>
      %eq3A = vector.broadcast %transpose3A : vector<128x1xi32> to vector<128x2048xi32>
      %eq3A_7 = arith.cmpi eq, %iota3A, %eq3A : vector<128x2048xi32>
      %jit3A = arith.constant 1.000000e+00 : f32
      %jit3A_8 = arith.constant 0.000000e+00 : f32
      %broadcast_in_dim3A = vector.broadcast %jit3A : f32 to vector<128x2048xf32>
      %broadcast_in_dim3A_9 = vector.broadcast %jit3A_8 : f32 to vector<128x2048xf32>
      %select_n3A = arith.select %eq3A_7, %broadcast_in_dim3A, %broadcast_in_dim3A_9 : vector<128x2048xi1>, vector<128x2048xf32>
      %get3A_10 = arith.constant 0 : index
      %get3A_11 = arith.constant 0 : index
      %get3A_12 = vector.load %arg4[%get3A_10, %get3A_11] : memref<2048x768xf32, #tpu.memory_space<vmem>>, vector<2048x768xf32>
      %dot_general3A = arith.constant dense<0.000000e+00> : vector<128x768xf32>
      %dot_general3A_13 = tpu.matmul %select_n3A, %get3A_12, %dot_general3A {dimension_numbers = #tpu.dot_dimension_numbers<[1], [0], [0], [1], [0, 0, 1, 1], [], []>, transpose_lhs_hint = false} : vector<128x2048xf32>, vector<2048x768xf32>, vector<128x768xf32> -> vector<128x768xf32>
      %get3A_14 = arith.constant 0 : index
      %get3A_15 = arith.constant 0 : index
      %get3A_16 = arith.constant 0 : index
      %get3A_17 = vector.load %arg5[%get3A_14, %get3A_15, %get3A_16] : memref<1x768x2048xf32, #tpu.memory_space<vmem>>, vector<1x768x2048xf32>
      %get3A_18 = vector.shape_cast %get3A_17 : vector<1x768x2048xf32> to vector<768x2048xf32>
      %dot_general3A_19 = arith.constant dense<0.000000e+00> : vector<128x2048xf32>
      %dot_general3A_20 = tpu.matmul %dot_general3A_13, %get3A_18, %dot_general3A_19 {dimension_numbers = #tpu.dot_dimension_numbers<[1], [0], [0], [1], [0, 0, 1, 1], [], []>, transpose_lhs_hint = false} : vector<128x768xf32>, vector<768x2048xf32>, vector<128x2048xf32> -> vector<128x2048xf32>
      %slice3A = vector.extract_strided_slice %dot_general3A_20 {offsets = [0, 0], sizes = [128, 1024], strides = [1, 1]} : vector<128x2048xf32> to vector<128x1024xf32>
      %slice3A_21 = vector.extract_strided_slice %dot_general3A_20 {offsets = [0, 1024], sizes = [128, 1024], strides = [1, 1]} : vector<128x2048xf32> to vector<128x1024xf32>
      %logistic3A = arith.negf %slice3A : vector<128x1024xf32>
      %logistic3A_22 = math.exp %logistic3A : vector<128x1024xf32>
      %logistic3A_23 = arith.constant 1.000000e+00 : f32
      %logistic3A_24 = vector.broadcast %logistic3A_23 : f32 to vector<128x1024xf32>
      %logistic3A_25 = arith.addf %logistic3A_24, %logistic3A_22 : vector<128x1024xf32>
      %logistic3A_26 = arith.divf %logistic3A_24, %logistic3A_25 : vector<128x1024xf32>
      %mul3A = arith.mulf %slice3A, %logistic3A_26 : vector<128x1024xf32>
      %mul3A_27 = arith.mulf %mul3A, %slice3A_21 : vector<128x1024xf32>
      %get3A_28 = arith.constant 0 : index
      %get3A_29 = arith.constant 0 : index
      %get3A_30 = arith.constant 0 : index
      %get3A_31 = vector.load %arg6[%get3A_28, %get3A_29, %get3A_30] : memref<1x1024x768xf32, #tpu.memory_space<vmem>>, vector<1x1024x768xf32>
      %get3A_32 = vector.shape_cast %get3A_31 : vector<1x1024x768xf32> to vector<1024x768xf32>
      %dot_general3A_33 = arith.constant dense<0.000000e+00> : vector<128x768xf32>
      %dot_general3A_34 = tpu.matmul %mul3A_27, %get3A_32, %dot_general3A_33 {dimension_numbers = #tpu.dot_dimension_numbers<[1], [0], [0], [1], [0, 0, 1, 1], [], []>, transpose_lhs_hint = false} : vector<128x1024xf32>, vector<1024x768xf32>, vector<128x768xf32> -> vector<128x768xf32>
      %get3A_35 = arith.constant 0 : index
      %get3A_36 = arith.constant 0 : index
      %get3A_37 = vector.load %arg7[%get3A_35, %get3A_36] : memref<128x1xf32, #tpu.memory_space<vmem>>, vector<128x1xf32>
      %mul3A_38 = vector.broadcast %get3A_37 : vector<128x1xf32> to vector<128x768xf32>
      %mul3A_39 = arith.mulf %dot_general3A_34, %mul3A_38 : vector<128x768xf32>
      %swap3A = arith.constant 0 : index
      %swap3A_40 = arith.constant 0 : index
      %swap3A_41 = vector.load %arg8[%swap3A, %swap3A_40] : memref<128x768xf32, #tpu.memory_space<vmem>>, vector<128x768xf32>
      tpu.vector_store %arg8[%swap3A, %swap3A_40], %mul3A_39 {strides = array<i32>} : memref<128x768xf32, #tpu.memory_space<vmem>>, vector<128x768xf32>,
    } else {
    }
    return
  }
  func.func @transform_0(%arg0: i32, %arg1: memref<96xi32, #tpu.memory_space<smem>>, %arg2: memref<1xi32, #tpu.memory_space<smem>>) -> (i32, i32, i32) {
    %get3A = arith.constant 0 : index
    %get3A_0 = memref.load %arg2[%get3A] : memref<1xi32, #tpu.memory_space<smem>>
    %sub3A = arith.constant 1 : i32
    %sub3A_1 = arith.subi %get3A_0, %sub3A : i32
    %min3A = arith.minsi %arg0, %sub3A_1 : i32
    %c0_i32 = arith.constant 0 : i32
    %c0_i32_2 = arith.constant 0 : i32
    %c0_i32_3 = arith.constant 0 : i32
    return %min3A, %c0_i32, %c0_i32_2 : i32, i32, i32
  }
  func.func @transform_1(%arg0: i32, %arg1: memref<96xi32, #tpu.memory_space<smem>>, %arg2: memref<1xi32, #tpu.memory_space<smem>>) -> (i32, i32) {
    %c0_i32 = arith.constant 0 : i32
    %c0_i32_0 = arith.constant 0 : i32
    %c0_i32_1 = arith.constant 0 : i32
    return %c0_i32, %c0_i32_0 : i32, i32
  }
  func.func @transform_2(%arg0: i32, %arg1: memref<96xi32, #tpu.memory_space<smem>>, %arg2: memref<1xi32, #tpu.memory_space<smem>>) -> (i32, i32, i32) {
    %get3A = arith.index_cast %arg0 : i32 to index
    %get3A_0 = memref.load %arg1[%get3A] : memref<96xi32, #tpu.memory_space<smem>>
    %c0_i32 = arith.constant 0 : i32
    %c0_i32_1 = arith.constant 0 : i32
    %c0_i32_2 = arith.constant 0 : i32
    return %get3A_0, %c0_i32, %c0_i32_1 : i32, i32, i32
  }
  func.func @transform_3(%arg0: i32, %arg1: memref<96xi32, #tpu.memory_space<smem>>, %arg2: memref<1xi32, #tpu.memory_space<smem>>) -> (i32, i32, i32) {
    %get3A = arith.index_cast %arg0 : i32 to index
    %get3A_0 = memref.load %arg1[%get3A] : memref<96xi32, #tpu.memory_space<smem>>
    %c0_i32 = arith.constant 0 : i32
    %c0_i32_1 = arith.constant 0 : i32
    %c0_i32_2 = arith.constant 0 : i32
    return %get3A_0, %c0_i32, %c0_i32_1 : i32, i32, i32
  }
  func.func @transform_4(%arg0: i32, %arg1: memref<96xi32, #tpu.memory_space<smem>>, %arg2: memref<1xi32, #tpu.memory_space<smem>>) -> (i32, i32) {
    %get3A = arith.constant 0 : index
    %get3A_0 = memref.load %arg2[%get3A] : memref<1xi32, #tpu.memory_space<smem>>
    %sub3A = arith.constant 1 : i32
    %sub3A_1 = arith.subi %get3A_0, %sub3A : i32
    %min3A = arith.minsi %arg0, %sub3A_1 : i32
    %c0_i32 = arith.constant 0 : i32
    %c0_i32_2 = arith.constant 0 : i32
    return %min3A, %c0_i32 : i32, i32
  }
  func.func @transform_5(%arg0: i32, %arg1: memref<96xi32, #tpu.memory_space<smem>>, %arg2: memref<1xi32, #tpu.memory_space<smem>>) -> (i32, i32) {
    %get3A = arith.constant 0 : index
    %get3A_0 = memref.load %arg2[%get3A] : memref<1xi32, #tpu.memory_space<smem>>
    %sub3A = arith.constant 1 : i32
    %sub3A_1 = arith.subi %get3A_0, %sub3A : i32
    %min3A = arith.minsi %arg0, %sub3A_1 : i32
    %c0_i32 = arith.constant 0 : i32
    %c0_i32_2 = arith.constant 0 : i32
    return %min3A, %c0_i32 : i32, i32
  }
}

</mosaic_0001>

<sc_bundles>
// kernel: kernel.4.cloned.1.call-start
scs
__scs_entry_jumppad:
0x0: {  	(pc) =	sbr.rel $0x88, $3  }
0x1: {  	(tag) =	ssettag $0x0;
	lr =	simm.s32 $0x1  }
0x2: {  	[smem:$0x3F9C] =	sst lr;
	_ =	strace $0xD0000000  }
0x3: {  	_ = 	snop  }
0x4: {  	_ = 	snop  }
0x5: {  	_ = 	snop  }
0x6: {  	_ = 	snop  }
0x7: {  	_ = 	snop  }
__scs_overlays_trampoline_lowered:
0x8: {  	[smem:$0x3FAB] =	sst s0  }
0x9: {  	[smem:$0x3FAC] =	sst s1  }
0xa: {  	[smem:$0x3FAD] =	sst s2  }
0xb: {  	[smem:$0x3FAE] =	sst s3  }
0xc: {  	[smem:$0x3FAF] =	sst s4  }
0xd: {  	[smem:$0x3FB0] =	sst s5  }
0xe: {  	[smem:$0x3FB1] =	sst s6  }
0xf: {  	[smem:$0x3FB2] =	sst s7  }
0x10: {  	[smem:$0x3FB3] =	sst s8  }
0x11: {  	[smem:$0x3FB4] =	sst s9;
	s0 =	simm.s32 @!p0 $0x0  }
0x12: {  	s1 =	sld [smem:$0x3F9A];
	s0 =	simm.s32 @p0 $0x1  }
0x13: {  	[smem:$0x3FB5] =	sst s0;
	s0 =	simm.s32 @!p1 $0x0  }
0x14: {  	s2 =	sld [smem:$0x3F99];
	s0 =	simm.s32 @p1 $0x1  }
0x15: {  	[smem:$0x3FB6] =	sst s0;
	s0 =	simm.s32 @!p2 $0x0  }
0x16: {  	s3 =	sld [smem:$0x3FDB];
	s0 =	simm.s32 @p2 $0x1  }
0x17: {  	s4 =	simm.s32 $0x1BF5;
	[smem:$0x3FB8] =	sst s0  }
0x18: {  	s0 =	sld [smem:$0x3F9B];
	_ =	swait.ge [sflag:s4], $0x0  }
0x19: {  	s7 =	sld [smem:$0x3F9C]  }
0x1a: {  	s8 =	sadd.s32 $0xFFFFE003, lr  }
0x1b: {  	s9 =	sadd.s32 $0xFFFFFEF7, lr;
	s5 =	simm.s32 $0xFFFFFFFF;
	p2 =	slt.u32 s8, $0xFFFFF086  }
0x1c: {  	p1 =	slt.u32 s9, $0xF7A;
	s5 =	simm.s32 @!p2 $0x0  }
0x1d: {  	s5 =	simm.s32 @p1 $0x1;
	p0 =	seq.s32 s7, s2  }
0x1e: {  	s7 =	smul.u32 @!p0 $0xF7A, s2;
	p2 =	seq.s32 @!p0 s5, $0x0  }
0x1f: {  	s9 =	smul.u32 $0xF7A, s1;
	s8 =	simm.s32 @!p0 $0x1BF5;
	p2 =	por !p2, p0  }
0x20: {  	[sflag:s8] =	ssyncset.s32 @!p0 $0xFFFFF086;
	s6 =	sadd.s32 @!p0 s3, s7;
	s7 =	simm.s32 @!p0 $0x108  }
0x21: {  	s3 =	sadd.s32 s3, s9;
	s6 =	sadd.s32 @!p0 $0x88, s6;
	s7 =	simm.s32 @p2 $0x1082  }
0x22: {  	[simem:s7], [sflag:s8] =	dma.local @!p0 [hbm:s6], $0xF7A  }
0x23: {  	s9 =	sor.u32 $0xD0000000, s2;
	s6 =	simm.s32 $0x108;
	_ =	swait.ge @!p0 [sflag:s8], $0x0  }
0x24: {  	s3 =	sadd.s32 $0x88, s3;
	s6 =	simm.s32 @!p1 $0x1082;
	[sflag:s4] =	ssyncset.s32 $0xFFFFF086  }
0x25: {  	[simem:s6], [sflag:s4] =	dma.local [hbm:s3], $0xF7A  }
0x26: {  	[smem:$0x3F9C] =	sst s1;
	(tag) =	ssettag s2;
	_ =	strace s9  }
0x27: {  	s1 =	sld [smem:$0x3FAC]  }
0x28: {  	s2 =	sld [smem:$0x3FAD]  }
0x29: {  	s4 =	sld [smem:$0x3FAF]  }
0x2a: {  	p0 =	seq.s32 s5, $0x0;
	s5 =	sld [smem:$0x3FB0]  }
0x2b: {  	s6 =	sld [smem:$0x3FB1]  }
0x2c: {  	s7 =	sld [smem:$0x3FB2]  }
0x2d: {  	s3 =	simm.s32 $0x108;
	s8 =	sld [smem:$0x3FB3]  }
0x2e: {  	s3 =	simm.s32 @!p0 $0x1082;
	s9 =	sld [smem:$0x3FB4]  }
0x2f: {  	lr =	sadd.s32 s0, s3;
	s0 =	sld [smem:$0x3FAB]  }
0x30: {  	s3 =	sld [smem:$0x3FAE]  }
0x31: {  	[smem:$0x3FB7] =	sst s10  }
0x32: {  	s10 =	sld [smem:$0x3FB5];
	_ =	sdelay $0x3  }
0x33: {  	p0 =	seq.s32 s10, $0x1;
	s10 =	sld [smem:$0x3FB7];
	_ =	sdelay $0x3  }
0x34: {  	[smem:$0x3FB7] =	sst s10  }
0x35: {  	s10 =	sld [smem:$0x3FB6];
	_ =	sdelay $0x3  }
0x36: {  	p1 =	seq.s32 s10, $0x1;
	s10 =	sld [smem:$0x3FB7];
	_ =	sdelay $0x3  }
0x37: {  	[smem:$0x3FB7] =	sst s10  }
0x38: {  	s10 =	sld [smem:$0x3FB8]  }
0x39: {  	_ = 	snop;
	(pc) =	sbr.ind lr, $3  }
0x3a: {  	_ = 	snop  }
0x3b: {  	_ = 	snop  }
0x3c: {  	p2 =	seq.s32 s10, $0x1;
	s10 =	sld [smem:$0x3FB7]  }
0x3d: {  	_ =	shalt  }
0x3e: {  	_ =	shalt  }
0x3f: {  	_ =	shalt  }
0x40: {  	_ =	shalt  }
0x41: {  	_ =	shalt  }
0x42: {  	_ =	shalt  }
0x43: {  	_ =	shalt  }
0x44: {  	_ =	shalt  }
0x45: {  	_ =	shalt  }
0x46: {  	_ =	shalt  }
0x47: {  	_ =	shalt  }
0x48: {  	_ =	shalt  }
0x49: {  	_ =	shalt  }
0x4a: {  	_ =	shalt  }
0x4b: {  	_ =	shalt  }
0x4c: {  	_ =	shalt  }
0x4d: {  	_ =	shalt  }
0x4e: {  	_ =	shalt  }
0x4f: {  	_ =	shalt  }
0x50: {  	_ =	shalt  }
0x51: {  	_ =	shalt  }
0x52: {  	_ =	shalt  }
0x53: {  	_ =	shalt  }
0x54: {  	_ =	shalt  }
0x55: {  	_ =	shalt  }
0x56: {  	_ =	shalt  }
0x57: {  	_ =	shalt  }
0x58: {  	_ =	shalt  }
0x59: {  	_ =	shalt  }
0x5a: {  	_ =	shalt  }
0x5b: {  	_ =	shalt  }
0x5c: {  	_ =	shalt  }
0x5d: {  	_ =	shalt  }
0x5e: {  	_ =	shalt  }
0x5f: {  	_ =	shalt  }
0x60: {  	_ =	shalt  }
0x61: {  	_ =	shalt  }
0x62: {  	_ =	shalt  }
0x63: {  	_ =	shalt  }
0x64: {  	_ =	shalt  }
0x65: {  	_ =	shalt  }
0x66: {  	_ =	shalt  }
0x67: {  	_ =	shalt  }
0x68: {  	_ =	shalt  }
0x69: {  	_ =	shalt  }
0x6a: {  	_ =	shalt  }
0x6b: {  	_ =	shalt  }
0x6c: {  	_ =	shalt  }
0x6d: {  	_ =	shalt  }
0x6e: {  	_ =	shalt  }
0x6f: {  	_ =	shalt  }
0x70: {  	_ =	shalt  }
0x71: {  	_ =	shalt  }
0x72: {  	_ =	shalt  }
0x73: {  	_ =	shalt  }
0x74: {  	_ =	shalt  }
0x75: {  	_ =	shalt  }
0x76: {  	_ =	shalt  }
0x77: {  	_ =	shalt  }
0x78: {  	_ =	shalt  }
0x79: {  	_ =	shalt  }
0x7a: {  	_ =	shalt  }
0x7b: {  	_ =	shalt  }
0x7c: {  	_ =	shalt  }
0x7d: {  	_ =	shalt  }
0x7e: {  	_ =	shalt  }
0x7f: {  	_ =	shalt  }
0x80: {  	_ =	shalt  }
0x81: {  	_ =	shalt  }
0x82: {  	_ =	shalt  }
0x83: {  	_ =	shalt  }
0x84: {  	_ =	shalt  }
0x85: {  	_ =	shalt  }
0x86: {  	_ =	shalt  }
0x87: {  	_ =	shalt  }
.Lfunc_end0:
.L_simem_size_0:
called_computation_lowered:
.L_overlay_start_0:
0x88: {  	s2 =	sld [smem:$0x3FD9]  }
0x89: {  	s3 =	sld [smem:$0x3FFE];
	_ =	sdelay $0x1  }
0x8a: {  	s1 =	srdreg.scid  }
0x8b: {  	s0 =	sand.u32 $0x1, s1  }
0x8c: {  	s17 =	sshll.u32 s0, $0xA;
	s2 =	sadd.s32 s3, s2  }
0x8d: {  	s2 =	sadd.s32 s2, s17  }
0x8e: {  	[smem:$0x3FC3] =	sst s2  }
0x8f: {  	_ = 	snop  }
0x90: {  	s2 =	sld [smem:$0x3FD0];
	(tm) =	ssettm $0x1  }
0x91: {  	s18 =	sld [smem:$0x3FFB];
	_ =	sdelay $0x3  }
0x92: {  	_ =	strace s18  }
0x93: {  	s3 =	sld [smem:$0x3FFC];
	_ =	sdelay $0x3  }
0x94: {  	_ =	strace s3  }
0x95: {  	s3 =	sld [smem:$0x3FFD];
	_ =	sdelay $0x3  }
0x96: {  	_ =	strace s3  }
0x97: {  	_ =	strace $0x8FFFFFFF  }
0x98: {  	s19 =	sld [smem:$0x3FDB];
	_ =	sdelay $0x1  }
0x99: {  	s4 =	simm.s32 $_scs_section_size  }
0x9a: {  	s5 =	simm.s32 $_size__tile_overlayer_lowered;
	s6 =	simm.s32 $_tile_overlayer_lowered  }
0x9b: {  	s22 =	simm.s32 $0x1BFF;
	s21 =	sshll.u32 s6, $0x1;
	s3 =	sadd.s32 s4, s19  }
0x9c: {  	s7 =	simm.s32 $0x0;
	s20 =	sshll.u32 s5, $0x1;
	s5 =	sadd.s32 s21, s3  }
0x9d: {  	[timem:s7], [sflag:s22] =	dma.local [hbm:s5], s20  }
0x9e: {  	_ =	swait.ge [sflag:s22], s20  }
0x9f: {  	s4 =	ssub.s32 $0x0, s20;
	[sflag:s22] =	ssyncset.done $0x0  }
0xa0: {  	[sflag:s22] =	ssyncadd.s32 s4;
	_ =	sdelay $0x1  }
0xa1: {  	s23 =	simm.s32 $0x1B8B  }
0xa2: {  	_ =	swait.ge [sflag:s23], $0x1  }
0xa3: {  	[sflag:s23] =	ssyncset.done $0x0  }
0xa4: {  	s25 =	simm.s32 $0x1B8E;
	s24 =	sld [smem:$0x3FFE];
	[sflag:s23] =	ssyncadd.s32 $0xFFFFFFFF  }
0xa5: {  	s26 =	simm.s32 $execute0_lowered;
	[smem:$0x3FD2] =	sst s25  }
0xa6: {  	s5 =	sshll.u32 s26, $0x1;
	_ =	strace $0x80000046;
	[dreg:$0x1] =	wrdreg $0xFFFFFFFF  }
0xa7: {  	s28 =	simm.s32 $_size_execute0_lowered;
	s3 =	sadd.s32 s3, s5;
	[dreg:$0x0] =	wrdreg $0x0  }
0xa8: {  	s5 =	sshll.u32 s28, $0x1;
	[dreg:$0x2] =	wrdreg s3  }
0xa9: {  	[dreg:$0x3] =	wrdreg s5  }
0xaa: {  	[dreg:$0x4] =	wrdreg $0xC0  }
0xab: {  	_ =	task [dreg:s7], $0x5FFFF  }
0xac: {  	[dreg:$0x1] =	wrdreg $0xFFFFFFFF  }
0xad: {  	[dreg:$0x0] =	wrdreg $0x60  }
0xae: {  	[dreg:$0x2] =	wrdreg s24  }
0xaf: {  	[dreg:$0x3] =	wrdreg s2  }
0xb0: {  	[dreg:$0x4] =	wrdreg $0x9  }
0xb1: {  	_ =	task.clear_ibuf [dreg:s7], $0x5FFFF;
	_ =	strace $0x90000046  }
0xb2: {  	s29 =	simm.s32 $0x9;
	_ =	strace $0x80000048  }
0xb3: {  	_ =	swait.ge [sflag:s29], $0x1  }
0xb4: {  	[sflag:s29] =	ssyncadd.s32 $0xFFFFFFFF  }
0xb5: {  	_ =	strace $0x90000048  }
0xb6: {  	_ =	sfence  }
0xb7: {  	s30 =	sld [smem:$0x0];
	_ =	sdelay $0x2  }
0xb8: {  	s31 =	sshll.u32 s1, $0xD;
	s1 =	sshrl.u32 s1, $0x2  }
0xb9: {  	s3 =	sand.u32 $0x4000, s31;
	s1 =	sadd.s32 s1, s30  }
0xba: {  	s0 =	sor.u32 s3, s0;
	s1 =	sshll.u32 s1, $0x11  }
0xbb: {  	s0 =	sor.u32 s1, s0  }
0xbc: {  	s0 =	sadd.s32 $0x8F2B, s0  }
0xbd: {  	[sflag:s0] =	ssyncadd.remote.s32 $0x1  }
0xbe: {  	_ =	sfence.sel $0xFFFF  }
0xbf: {  	[dreg:$0x0] =	wrdreg $0xFFFFFFFF;
	(pc) =	sbr.abs _section_cstart, $3  }
0xc0: {  	[dreg:$0x1] =	wrdreg $0xFFFFFFFF  }
0xc1: {  	_ =	task.clear_ibuf [dreg:s7], $0x2FFFF;
	_ =	strace $0x9FFFFFFF  }
0xc2: {  	(tm) =	ssettm $0x7FFFFFFF  }
0xc3: {  	_ =	shalt  }
tec
execute0_lowered:
.L_overlay_start_1:
0x0: {  	(tag) =	ssettag $0x1  }
0x1: {  	s0 =	rddreg [dreg:$0x0]  }
0x2: {  	s1 =	rddreg [dreg:$0x1];
	s3 =	srdreg.scid;
	s2 =	simm.s32 $0x0  }
0x3: {  	s4 =	stileid.u32;
	s12 =	simm.s32 $0x1;
	s13 =	simm.s32 $0x100  }
0x4: {  	s17 =	simm.s32 $0xC100;
	s30 =	simm.s32 $0x12100;
	s31 =	simm.s32 $0x12900  }
0x5: {  	s11 =	simm.s32 $0x14100;
	s14 =	simm.s32 $0x14900;
	s15 =	simm.s32 $0x15100  }
0x6: {  	s16 =	simm.s32 $0x15900;
	s18 =	simm.s32 $0x16100;
	s19 =	simm.s32 $0x16900  }
0x7: {  	s20 =	simm.s32 $0x17100;
	s21 =	simm.s32 $0x17900;
	s22 =	simm.s32 $0x2  }
0x8: {  	s23 =	simm.s32 $0x0;
	s3 =	sand.u32 $0x1, s3;
	[smem:$0x7FF] =	sst s2  }
0x9: {  	s4 =	sshll.u32 s4, $0x4;
	s5 =	sshll.u32 s3, $0x3;
	s6 =	ssub.s32 $0x2, s3  }
0xa: {  	_ =	strace $0x80000047;
	s5 =	sor.u32 s5, s4;
	s28 =	sshrl.u32 s6, $0x1  }
0xb: {  	s3 =	sadd.s32 $0x400, s0;
	s7 =	smul.u32 $0x1800, s5;
	s10 =	ssub.s32 s6, s28  }
0xc: {  	s4 =	sadd.s32 s0, s5;
	s8 =	smul.u32 $0x300, s5;
	s6 =	sadd.s32 $0x500, s0  }
0xd: {  	v2 =	vlaneseq.u32;
	s5 =	sadd.s32 $0x200, s4;
	s10 =	smax.u32 s10, $0x1;
	s9 =	sshrl.u32 s7, $0x3  }
0xe: {  	vm0 =	vmmov $0xffff;
	v1 =	vshrl.u32 v2, $0x3;
	s7 =	sadd.s32 $0x600, s0;
	s8 =	sadd.s32 s1, s8;
	s29 =	sadd.s32 s1, s9  }
0xf: {  	v0 =	vand.u32 $0x7, v2;
	v2 =	vor.u32 $0x8, v2;
	v1 =	vmul.u32 $0x8, v1;
	s0 =	simm.s32 $0x13100;
	s1 =	simm.s32 $0x13900;
	s9 =	sadd.s32 $0xC00, s29  }
.LBB2_1:
0x10: {  	[tilespmem:s2], [sflag:$0x1] =	stream.linear.gather [hbm4b:s5+s2], $0x40, $0x38;
	[tilespmem:$0x18100] =	vst v63  }
0x11: {  	s24 =	simm.s32 $0x80  }
0x12: {  	[tilespmem:s24], [sflag:$0x1] =	stream.linear.gather [hbm4b:s4+s2], $0x40, $0x38;
	[tilespmem:$0x18100] =	vst v63  }
0x13: {  	_ =	swait.ge [sflag:s12], $0x40  }
0x14: {  	[sflag:s12] =	ssyncset.done $0x0  }
0x15: {  	[sflag:s12] =	ssyncadd.s32 $0xFFFFFFC0  }
0x16: {  	_ =	swait.ge [sflag:s12], $0x40  }
0x17: {  	[sflag:s12] =	ssyncset.done $0x0  }
0x18: {  	[sflag:s12] =	ssyncadd.s32 $0xFFFFFFC0  }
0x19: {  	v3 =	vld [tilespmem:$0x0];
	_ =	sdelay $0x4  }
0x1a: {  	v4 =	vshrl.u32 v3, $0x3  }
0x1b: {  	v4 =	vmul.u32 $0x30, v4  }
0x1c: {  	v3 =	vand.u32 $0x7, v3  }
0x1d: {  	v3 =	vor.u32 v3, v4  }
0x1e: {  	v4 =	vperm.xlane v3, v0;
	_ =	sdelay $0x1  }
0x1f: {  	v4 =	vadd.s32 v1, v4;
	_ =	sdelay $0x3  }
0x20: {  	v3 =	vperm.xlane v3, v2  }
0x21: {  	[tilespmem:s13], [sflag:$0x1] =	stream.indirect_vreg.gather [hbm4b:s3+s2], $0x80, v4, vm0, $0xb8;
	[tilespmem:$0x18100] =	vst v63  }
0x22: {  	s26 =	simm.s32 $0x900;
	v3 =	vadd.s32 v1, v3  }
0x23: {  	[tilespmem:s26], [sflag:$0x1] =	stream.indirect_vreg.gather [hbm4b:s6+s2], $0x80, v4, vm0, $0xb8;
	[tilespmem:$0x18100] =	vst v63  }
0x24: {  	s28 =	simm.s32 $0x1100  }
0x25: {  	[tilespmem:s28], [sflag:$0x1] =	stream.indirect_vreg.gather [hbm4b:s7+s2], $0x80, v4, vm0, $0xb8;
	[tilespmem:$0x18100] =	vst v63  }
0x26: {  	s29 =	simm.s32 $0x1900  }
0x27: {  	[tilespmem:s29], [sflag:$0x1] =	stream.indirect_vreg.gather [hbm4b:s3+s2], $0x80, v3, vm0, $0xb8;
	[tilespmem:$0x18100] =	vst v63  }
0x28: {  	s25 =	simm.s32 $0x2100  }
0x29: {  	[tilespmem:s25], [sflag:$0x1] =	stream.indirect_vreg.gather [hbm4b:s6+s2], $0x80, v3, vm0, $0xb8;
	[tilespmem:$0x18100] =	vst v63  }
0x2a: {  	s26 =	simm.s32 $0x2900  }
0x2b: {  	[tilespmem:s26], [sflag:$0x1] =	stream.indirect_vreg.gather [hbm4b:s7+s2], $0x80, v3, vm0, $0xb8;
	[tilespmem:$0x18100] =	vst v63  }
0x2c: {  	v3 =	vld [tilespmem:$0x10];
	_ =	sdelay $0x4  }
0x2d: {  	v4 =	vshrl.u32 v3, $0x3  }
0x2e: {  	v4 =	vmul.u32 $0x30, v4  }
0x2f: {  	v3 =	vand.u32 $0x7, v3  }
0x30: {  	v3 =	vor.u32 v3, v4  }
0x31: {  	v4 =	vperm.xlane v3, v0;
	_ =	sdelay $0x1  }
0x32: {  	v4 =	vadd.s32 v1, v4;
	_ =	sdelay $0x3  }
0x33: {  	s28 =	simm.s32 $0x3100;
	v3 =	vperm.xlane v3, v2  }
0x34: {  	[tilespmem:s28], [sflag:$0x1] =	stream.indirect_vreg.gather [hbm4b:s3+s2], $0x80, v4, vm0, $0xb8;
	[tilespmem:$0x18100] =	vst v63  }
0x35: {  	s29 =	simm.s32 $0x3900;
	v3 =	vadd.s32 v1, v3  }
0x36: {  	[tilespmem:s29], [sflag:$0x1] =	stream.indirect_vreg.gather [hbm4b:s6+s2], $0x80, v4, vm0, $0xb8;
	[tilespmem:$0x18100] =	vst v63  }
0x37: {  	s25 =	simm.s32 $0x4100  }
0x38: {  	[tilespmem:s25], [sflag:$0x1] =	stream.indirect_vreg.gather [hbm4b:s7+s2], $0x80, v4, vm0, $0xb8;
	[tilespmem:$0x18100] =	vst v63  }
0x39: {  	s26 =	simm.s32 $0x4900  }
0x3a: {  	[tilespmem:s26], [sflag:$0x1] =	stream.indirect_vreg.gather [hbm4b:s3+s2], $0x80, v3, vm0, $0xb8;
	[tilespmem:$0x18100] =	vst v63  }
0x3b: {  	s28 =	simm.s32 $0x5100  }
0x3c: {  	[tilespmem:s28], [sflag:$0x1] =	stream.indirect_vreg.gather [hbm4b:s6+s2], $0x80, v3, vm0, $0xb8;
	[tilespmem:$0x18100] =	vst v63  }
0x3d: {  	s29 =	simm.s32 $0x5900  }
0x3e: {  	[tilespmem:s29], [sflag:$0x1] =	stream.indirect_vreg.gather [hbm4b:s7+s2], $0x80, v3, vm0, $0xb8;
	[tilespmem:$0x18100] =	vst v63  }
0x3f: {  	v3 =	vld [tilespmem:$0x80];
	_ =	sdelay $0x4  }
0x40: {  	v4 =	vshrl.u32 v3, $0x3  }
0x41: {  	v4 =	vmul.u32 $0x30, v4  }
0x42: {  	v3 =	vand.u32 $0x7, v3  }
0x43: {  	v3 =	vor.u32 v3, v4  }
0x44: {  	v4 =	vperm.xlane v3, v0;
	_ =	sdelay $0x1  }
0x45: {  	v4 =	vadd.s32 v1, v4;
	_ =	sdelay $0x3  }
0x46: {  	s25 =	simm.s32 $0x6100;
	v3 =	vperm.xlane v3, v2  }
0x47: {  	[tilespmem:s25], [sflag:$0x1] =	stream.indirect_vreg.gather [hbm4b:s3+s2], $0x80, v4, vm0, $0xb8;
	[tilespmem:$0x18100] =	vst v63  }
0x48: {  	s26 =	simm.s32 $0x6900;
	v3 =	vadd.s32 v1, v3  }
0x49: {  	[tilespmem:s26], [sflag:$0x1] =	stream.indirect_vreg.gather [hbm4b:s6+s2], $0x80, v4, vm0, $0xb8;
	[tilespmem:$0x18100] =	vst v63  }
0x4a: {  	s28 =	simm.s32 $0x7100  }
0x4b: {  	[tilespmem:s28], [sflag:$0x1] =	stream.indirect_vreg.gather [hbm4b:s7+s2], $0x80, v4, vm0, $0xb8;
	[tilespmem:$0x18100] =	vst v63  }
0x4c: {  	s29 =	simm.s32 $0x7900  }
0x4d: {  	[tilespmem:s29], [sflag:$0x1] =	stream.indirect_vreg.gather [hbm4b:s3+s2], $0x80, v3, vm0, $0xb8;
	[tilespmem:$0x18100] =	vst v63  }
0x4e: {  	s25 =	simm.s32 $0x8100  }
0x4f: {  	[tilespmem:s25], [sflag:$0x1] =	stream.indirect_vreg.gather [hbm4b:s6+s2], $0x80, v3, vm0, $0xb8;
	[tilespmem:$0x18100] =	vst v63  }
0x50: {  	s26 =	simm.s32 $0x8900  }
0x51: {  	[tilespmem:s26], [sflag:$0x1] =	stream.indirect_vreg.gather [hbm4b:s7+s2], $0x80, v3, vm0, $0xb8;
	[tilespmem:$0x18100] =	vst v63  }
0x52: {  	v3 =	vld [tilespmem:$0x90];
	_ =	sdelay $0x4  }
0x53: {  	v4 =	vshrl.u32 v3, $0x3  }
0x54: {  	v4 =	vmul.u32 $0x30, v4  }
0x55: {  	v3 =	vand.u32 $0x7, v3  }
0x56: {  	v3 =	vor.u32 v3, v4  }
0x57: {  	v4 =	vperm.xlane v3, v0;
	_ =	sdelay $0x1  }
0x58: {  	v4 =	vadd.s32 v1, v4;
	_ =	sdelay $0x3  }
0x59: {  	s28 =	simm.s32 $0x9100;
	v3 =	vperm.xlane v3, v2  }
0x5a: {  	[tilespmem:s28], [sflag:$0x1] =	stream.indirect_vreg.gather [hbm4b:s3+s2], $0x80, v4, vm0, $0xb8;
	[tilespmem:$0x18100] =	vst v63  }
0x5b: {  	s29 =	simm.s32 $0x9900;
	v3 =	vadd.s32 v1, v3  }
0x5c: {  	[tilespmem:s29], [sflag:$0x1] =	stream.indirect_vreg.gather [hbm4b:s6+s2], $0x80, v4, vm0, $0xb8;
	[tilespmem:$0x18100] =	vst v63  }
0x5d: {  	s25 =	simm.s32 $0xA100  }
0x5e: {  	[tilespmem:s25], [sflag:$0x1] =	stream.indirect_vreg.gather [hbm4b:s7+s2], $0x80, v4, vm0, $0xb8;
	[tilespmem:$0x18100] =	vst v63  }
0x5f: {  	s26 =	simm.s32 $0xA900  }
0x60: {  	[tilespmem:s26], [sflag:$0x1] =	stream.indirect_vreg.gather [hbm4b:s3+s2], $0x80, v3, vm0, $0xb8;
	[tilespmem:$0x18100] =	vst v63  }
0x61: {  	s28 =	simm.s32 $0xB100  }
0x62: {  	[tilespmem:s28], [sflag:$0x1] =	stream.indirect_vreg.gather [hbm4b:s6+s2], $0x80, v3, vm0, $0xb8;
	[tilespmem:$0x18100] =	vst v63  }
0x63: {  	s29 =	simm.s32 $0xB900  }
0x64: {  	[tilespmem:s29], [sflag:$0x1] =	stream.indirect_vreg.gather [hbm4b:s7+s2], $0x80, v3, vm0, $0xb8;
	[tilespmem:$0x18100] =	vst v63  }
0x65: {  	v3 =	vld [tilespmem:$0x20];
	_ =	sdelay $0x4  }
0x66: {  	v4 =	vshrl.u32 v3, $0x3  }
0x67: {  	v4 =	vmul.u32 $0x30, v4  }
0x68: {  	v3 =	vand.u32 $0x7, v3  }
0x69: {  	v3 =	vor.u32 v3, v4  }
0x6a: {  	v4 =	vperm.xlane v3, v0;
	_ =	sdelay $0x1  }
0x6b: {  	v4 =	vadd.s32 v1, v4;
	_ =	sdelay $0x3  }
0x6c: {  	v3 =	vperm.xlane v3, v2  }
0x6d: {  	[tilespmem:s17], [sflag:$0x1] =	stream.indirect_vreg.gather [hbm4b:s3+s2], $0x80, v4, vm0, $0xb8;
	[tilespmem:$0x18100] =	vst v63  }
0x6e: {  	s25 =	simm.s32 $0xC900;
	v3 =	vadd.s32 v1, v3  }
0x6f: {  	[tilespmem:s25], [sflag:$0x1] =	stream.indirect_vreg.gather [hbm4b:s6+s2], $0x80, v4, vm0, $0xb8;
	[tilespmem:$0x18100] =	vst v63  }
0x70: {  	s26 =	simm.s32 $0xD100  }
0x71: {  	[tilespmem:s26], [sflag:$0x1] =	stream.indirect_vreg.gather [hbm4b:s7+s2], $0x80, v4, vm0, $0xb8;
	[tilespmem:$0x18100] =	vst v63  }
0x72: {  	s28 =	simm.s32 $0xD900  }
0x73: {  	[tilespmem:s28], [sflag:$0x1] =	stream.indirect_vreg.gather [hbm4b:s3+s2], $0x80, v3, vm0, $0xb8;
	[tilespmem:$0x18100] =	vst v63  }
0x74: {  	s29 =	simm.s32 $0xE100  }
0x75: {  	[tilespmem:s29], [sflag:$0x1] =	stream.indirect_vreg.gather [hbm4b:s6+s2], $0x80, v3, vm0, $0xb8;
	[tilespmem:$0x18100] =	vst v63  }
0x76: {  	s25 =	simm.s32 $0xE900  }
0x77: {  	[tilespmem:s25], [sflag:$0x1] =	stream.indirect_vreg.gather [hbm4b:s7+s2], $0x80, v3, vm0, $0xb8;
	[tilespmem:$0x18100] =	vst v63  }
0x78: {  	v3 =	vld [tilespmem:$0x30];
	_ =	sdelay $0x4  }
0x79: {  	v4 =	vshrl.u32 v3, $0x3  }
0x7a: {  	v4 =	vmul.u32 $0x30, v4  }
0x7b: {  	v3 =	vand.u32 $0x7, v3  }
0x7c: {  	v3 =	vor.u32 v3, v4  }
0x7d: {  	v4 =	vperm.xlane v3, v0;
	_ =	sdelay $0x1  }
0x7e: {  	v4 =	vadd.s32 v1, v4;
	_ =	sdelay $0x3  }
0x7f: {  	s26 =	simm.s32 $0xF100;
	v3 =	vperm.xlane v3, v2  }
0x80: {  	[tilespmem:s26], [sflag:$0x1] =	stream.indirect_vreg.gather [hbm4b:s3+s2], $0x80, v4, vm0, $0xb8;
	[tilespmem:$0x18100] =	vst v63  }
0x81: {  	s28 =	simm.s32 $0xF900;
	v3 =	vadd.s32 v1, v3  }
0x82: {  	[tilespmem:s28], [sflag:$0x1] =	stream.indirect_vreg.gather [hbm4b:s6+s2], $0x80, v4, vm0, $0xb8;
	[tilespmem:$0x18100] =	vst v63  }
0x83: {  	s29 =	simm.s32 $0x10100  }
0x84: {  	[tilespmem:s29], [sflag:$0x1] =	stream.indirect_vreg.gather [hbm4b:s7+s2], $0x80, v4, vm0, $0xb8;
	[tilespmem:$0x18100] =	vst v63  }
0x85: {  	s25 =	simm.s32 $0x10900  }
0x86: {  	[tilespmem:s25], [sflag:$0x1] =	stream.indirect_vreg.gather [hbm4b:s3+s2], $0x80, v3, vm0, $0xb8;
	[tilespmem:$0x18100] =	vst v63  }
0x87: {  	s26 =	simm.s32 $0x11100  }
0x88: {  	[tilespmem:s26], [sflag:$0x1] =	stream.indirect_vreg.gather [hbm4b:s6+s2], $0x80, v3, vm0, $0xb8;
	[tilespmem:$0x18100] =	vst v63  }
0x89: {  	s28 =	simm.s32 $0x11900  }
0x8a: {  	[tilespmem:s28], [sflag:$0x1] =	stream.indirect_vreg.gather [hbm4b:s7+s2], $0x80, v3, vm0, $0xb8;
	[tilespmem:$0x18100] =	vst v63  }
0x8b: {  	v3 =	vld [tilespmem:$0xA0];
	_ =	sdelay $0x4  }
0x8c: {  	v4 =	vshrl.u32 v3, $0x3  }
0x8d: {  	v4 =	vmul.u32 $0x30, v4  }
0x8e: {  	v3 =	vand.u32 $0x7, v3  }
0x8f: {  	v3 =	vor.u32 v3, v4  }
0x90: {  	v4 =	vperm.xlane v3, v0;
	_ =	sdelay $0x1  }
0x91: {  	v4 =	vadd.s32 v1, v4;
	_ =	sdelay $0x3  }
0x92: {  	v3 =	vperm.xlane v3, v2  }
0x93: {  	[tilespmem:s30], [sflag:$0x1] =	stream.indirect_vreg.gather [hbm4b:s3+s2], $0x80, v4, vm0, $0xb8;
	[tilespmem:$0x18100] =	vst v63  }
0x94: {  	v3 =	vadd.s32 v1, v3  }
0x95: {  	[tilespmem:s31], [sflag:$0x1] =	stream.indirect_vreg.gather [hbm4b:s6+s2], $0x80, v4, vm0, $0xb8;
	[tilespmem:$0x18100] =	vst v63  }
0x96: {  	_ = 	snop  }
0x97: {  	[tilespmem:s0], [sflag:$0x1] =	stream.indirect_vreg.gather [hbm4b:s7+s2], $0x80, v4, vm0, $0xb8;
	[tilespmem:$0x18100] =	vst v63  }
0x98: {  	_ = 	snop  }
0x99: {  	[tilespmem:s1], [sflag:$0x1] =	stream.indirect_vreg.gather [hbm4b:s3+s2], $0x80, v3, vm0, $0xb8;
	[tilespmem:$0x18100] =	vst v63  }
0x9a: {  	_ = 	snop  }
0x9b: {  	[tilespmem:s11], [sflag:$0x1] =	stream.indirect_vreg.gather [hbm4b:s6+s2], $0x80, v3, vm0, $0xb8;
	[tilespmem:$0x18100] =	vst v63  }
0x9c: {  	_ = 	snop  }
0x9d: {  	[tilespmem:s14], [sflag:$0x1] =	stream.indirect_vreg.gather [hbm4b:s7+s2], $0x80, v3, vm0, $0xb8;
	[tilespmem:$0x18100] =	vst v63  }
0x9e: {  	v3 =	vld [tilespmem:$0xB0];
	_ =	sdelay $0x4  }
0x9f: {  	v4 =	vshrl.u32 v3, $0x3  }
0xa0: {  	v4 =	vmul.u32 $0x30, v4  }
0xa1: {  	v3 =	vand.u32 $0x7, v3  }
0xa2: {  	v3 =	vor.u32 v3, v4  }
0xa3: {  	v4 =	vperm.xlane v3, v0;
	_ =	sdelay $0x1  }
0xa4: {  	v4 =	vadd.s32 v1, v4;
	_ =	sdelay $0x3  }
0xa5: {  	v3 =	vperm.xlane v3, v2  }
0xa6: {  	[tilespmem:s15], [sflag:$0x1] =	stream.indirect_vreg.gather [hbm4b:s3+s2], $0x80, v4, vm0, $0xb8;
	[tilespmem:$0x18100] =	vst v63  }
0xa7: {  	v3 =	vadd.s32 v1, v3  }
0xa8: {  	[tilespmem:s16], [sflag:$0x1] =	stream.indirect_vreg.gather [hbm4b:s6+s2], $0x80, v4, vm0, $0xb8;
	[tilespmem:$0x18100] =	vst v63  }
0xa9: {  	_ = 	snop  }
0xaa: {  	[tilespmem:s18], [sflag:$0x1] =	stream.indirect_vreg.gather [hbm4b:s7+s2], $0x80, v4, vm0, $0xb8;
	[tilespmem:$0x18100] =	vst v63  }
0xab: {  	_ = 	snop  }
0xac: {  	[tilespmem:s19], [sflag:$0x1] =	stream.indirect_vreg.gather [hbm4b:s3+s2], $0x80, v3, vm0, $0xb8;
	[tilespmem:$0x18100] =	vst v63  }
0xad: {  	_ = 	snop  }
0xae: {  	[tilespmem:s20], [sflag:$0x1] =	stream.indirect_vreg.gather [hbm4b:s6+s2], $0x80, v3, vm0, $0xb8;
	[tilespmem:$0x18100] =	vst v63  }
0xaf: {  	_ = 	snop  }
0xb0: {  	[tilespmem:s21], [sflag:$0x1] =	stream.indirect_vreg.gather [hbm4b:s7+s2], $0x80, v3, vm0, $0xb8;
	[tilespmem:$0x18100] =	vst v63  }
0xb1: {  	_ =	swait.ge [sflag:s12], $0x6000  }
0xb2: {  	[sflag:s12] =	ssyncset.done $0x0  }
0xb3: {  	s29 =	simm.s32 $0x0;
	[sflag:s12] =	ssyncadd.s32 $0xFFFFA000  }
0xb4: {  	s24 =	smul.u32 $0x1800, s29;
	_ =	swait.ge [sflag:s12], $0x6000  }
0xb5: {  	s25 =	sand.u32 $0x380, s2;
	[sflag:s12] =	ssyncset.done $0x0  }
0xb6: {  	s24 =	sor.u32 s25, s24;
	[sflag:s12] =	ssyncadd.s32 $0xFFFFA000  }
0xb7: {  	v12 =	vld [tilespmem:s24+$0x6100]  }
0xb8: {  	v13 =	vld [tilespmem:s24+$0x6110]  }
0xb9: {  	v14 =	vld [tilespmem:s24+$0x6120]  }
0xba: {  	v15 =	vld [tilespmem:s24+$0x6130]  }
0xbb: {  	v16 =	vld [tilespmem:s24+$0x6140]  }
0xbc: {  	v17 =	vld [tilespmem:s24+$0x6150]  }
0xbd: {  	v18 =	vld [tilespmem:s24+$0x6160]  }
0xbe: {  	v19 =	vld [tilespmem:s24+$0x6170]  }
0xbf: {  	v20 =	vld [tilespmem:s24+$0x6500]  }
0xc0: {  	v21 =	vld [tilespmem:s24+$0x6510]  }
0xc1: {  	v22 =	vld [tilespmem:s24+$0x6520]  }
0xc2: {  	v23 =	vld [tilespmem:s24+$0x6530]  }
0xc3: {  	v24 =	vld [tilespmem:s24+$0x6540]  }
0xc4: {  	v25 =	vld [tilespmem:s24+$0x6550]  }
0xc5: {  	v26 =	vld [tilespmem:s24+$0x6560]  }
0xc6: {  	v27 =	vld [tilespmem:s24+$0x6570]  }
0xc7: {  	v28 =	vld [tilespmem:s24+$0x6900]  }
0xc8: {  	v29 =	vld [tilespmem:s24+$0x6910]  }
0xc9: {  	v30 =	vld [tilespmem:s24+$0x6920]  }
0xca: {  	v31 =	vld [tilespmem:s24+$0x6930]  }
0xcb: {  	v32 =	vld [tilespmem:s24+$0x6940]  }
0xcc: {  	v33 =	vld [tilespmem:s24+$0x6950]  }
0xcd: {  	v34 =	vld [tilespmem:s24+$0x6960]  }
0xce: {  	v35 =	vld [tilespmem:s24+$0x6970]  }
0xcf: {  	v36 =	vld [tilespmem:s24+$0x6D00]  }
0xd0: {  	v37 =	vld [tilespmem:s24+$0x6D10]  }
0xd1: {  	v38 =	vld [tilespmem:s24+$0x6D20]  }
0xd2: {  	v39 =	vld [tilespmem:s24+$0x6D30]  }
0xd3: {  	v40 =	vld [tilespmem:s24+$0x6D40]  }
0xd4: {  	v41 =	vld [tilespmem:s24+$0x6D50]  }
0xd5: {  	v42 =	vld [tilespmem:s24+$0x6D60]  }
0xd6: {  	v43 =	vld [tilespmem:s24+$0x6D70]  }
0xd7: {  	v44 =	vld [tilespmem:s24+$0x7100]  }
0xd8: {  	v45 =	vld [tilespmem:s24+$0x7110]  }
0xd9: {  	v46 =	vld [tilespmem:s24+$0x7120]  }
0xda: {  	v47 =	vld [tilespmem:s24+$0x7130]  }
0xdb: {  	v48 =	vld [tilespmem:s24+$0x7140]  }
0xdc: {  	v49 =	vld [tilespmem:s24+$0x7150]  }
0xdd: {  	v50 =	vld [tilespmem:s24+$0x7160]  }
0xde: {  	v11 =	vld [tilespmem:s24+$0x7170]  }
0xdf: {  	v10 =	vld [tilespmem:s24+$0x7500]  }
0xe0: {  	v9 =	vld [tilespmem:s24+$0x7510]  }
0xe1: {  	v8 =	vld [tilespmem:s24+$0x7520]  }
0xe2: {  	v7 =	vld [tilespmem:s24+$0x7530]  }
0xe3: {  	v6 =	vld [tilespmem:s24+$0x7540]  }
0xe4: {  	v51 =	vld [tilespmem:s24+$0x100]  }
0xe5: {  	v52 =	vld [tilespmem:s24+$0x110]  }
0xe6: {  	v53 =	vld [tilespmem:s24+$0x120]  }
0xe7: {  	v54 =	vld [tilespmem:s24+$0x130]  }
0xe8: {  	v55 =	vld [tilespmem:s24+$0x140]  }
0xe9: {  	v62 =	vld [tilespmem:s24+$0x150];
	v12 =	vadd.f32 v12, v51  }
0xea: {  	v63 =	vld [tilespmem:s24+$0x160];
	v13 =	vadd.f32 v13, v52  }
0xeb: {  	[tilespmem:s24+$0x100] =	vst v12;
	v12 =	vadd.f32 v14, v53;
	v14 =	vld [tilespmem:s24+$0x170]  }
0xec: {  	[tilespmem:s24+$0x110] =	vst v13;
	v13 =	vadd.f32 v15, v54;
	v15 =	vld [tilespmem:s24+$0x500]  }
0xed: {  	[tilespmem:s24+$0x120] =	vst v12;
	v12 =	vadd.f32 v16, v55;
	v16 =	vld [tilespmem:s24+$0x510]  }
0xee: {  	[tilespmem:s24+$0x130] =	vst v13;
	v13 =	vadd.f32 v17, v62;
	v17 =	vld [tilespmem:s24+$0x520]  }
0xef: {  	v5 =	vld [tilespmem:s24+$0x7550]  }
0xf0: {  	[tilespmem:s24+$0x140] =	vst v12;
	v12 =	vadd.f32 v18, v63;
	v18 =	vld [tilespmem:s24+$0x570]  }
0xf1: {  	[tilespmem:s24+$0x150] =	vst v13;
	v13 =	vadd.f32 v19, v14;
	v14 =	vld [tilespmem:s24+$0x530]  }
0xf2: {  	[tilespmem:s24+$0x160] =	vst v12;
	v12 =	vadd.f32 v20, v15;
	v15 =	vld [tilespmem:s24+$0x540]  }
0xf3: {  	[tilespmem:s24+$0x170] =	vst v13;
	v13 =	vadd.f32 v21, v16;
	v16 =	vadd.f32 v22, v17;
	v17 =	vld [tilespmem:s24+$0x560]  }
0xf4: {  	[tilespmem:s24+$0x500] =	vst v12;
	v12 =	vld [tilespmem:s24+$0x550]  }
0xf5: {  	[tilespmem:s24+$0x510] =	vst v13;
	v13 =	vld [tilespmem:s24+$0x900];
	v18 =	vadd.f32 v27, v18  }
0xf6: {  	[tilespmem:s24+$0x520] =	vst v16;
	v16 =	vld [tilespmem:s24+$0x910];
	v14 =	vadd.f32 v23, v14  }
0xf7: {  	v4 =	vld [tilespmem:s24+$0x7560];
	v15 =	vadd.f32 v24, v15;
	[tilespmem:s24+$0x570] =	vst v18  }
0xf8: {  	[tilespmem:s24+$0x530] =	vst v14;
	v14 =	vld [tilespmem:s24+$0x920];
	v17 =	vadd.f32 v26, v17  }
0xf9: {  	v12 =	vadd.f32 v25, v12;
	[tilespmem:s24+$0x540] =	vst v15;
	v15 =	vld [tilespmem:s24+$0x930]  }
0xfa: {  	v18 =	vld [tilespmem:s24+$0x970];
	[tilespmem:s24+$0x560] =	vst v17;
	v13 =	vadd.f32 v28, v13  }
0xfb: {  	v16 =	vadd.f32 v29, v16;
	[tilespmem:s24+$0x550] =	vst v12;
	v12 =	vld [tilespmem:s24+$0x940]  }
0xfc: {  	v17 =	vld [tilespmem:s24+$0x950];
	[tilespmem:s24+$0x900] =	vst v13  }
0xfd: {  	[tilespmem:s24+$0x910] =	vst v16;
	v16 =	vld [tilespmem:s24+$0x960];
	v13 =	vadd.f32 v30, v14  }
0xfe: {  	v14 =	vld [tilespmem:s24+$0xD00];
	v15 =	vadd.f32 v31, v15  }
0xff: {  	[tilespmem:s24+$0x920] =	vst v13;
	v13 =	vld [tilespmem:s24+$0xD10]  }
0x100: {  	v12 =	vadd.f32 v32, v12;
	[tilespmem:s24+$0x930] =	vst v15;
	v15 =	vld [tilespmem:s24+$0xD20]  }
0x101: {  	v3 =	vld [tilespmem:s24+$0x7570];
	v17 =	vadd.f32 v33, v17  }
0x102: {  	v16 =	vadd.f32 v34, v16;
	[tilespmem:s24+$0x940] =	vst v12;
	v12 =	vld [tilespmem:s24+$0xD30]  }
0x103: {  	[tilespmem:s24+$0x950] =	vst v17;
	v17 =	vld [tilespmem:s24+$0xD40];
	v14 =	vadd.f32 v36, v14  }
0x104: {  	v18 =	vadd.f32 v35, v18;
	[tilespmem:s24+$0x960] =	vst v16;
	v16 =	vld [tilespmem:s24+$0xD50]  }
0x105: {  	v13 =	vadd.f32 v37, v13;
	[tilespmem:s24+$0xD00] =	vst v14;
	v14 =	vadd.f32 v38, v15;
	v15 =	vld [tilespmem:s24+$0xD60]  }
0x106: {  	[tilespmem:s24+$0x970] =	vst v18;
	v18 =	vld [tilespmem:s24+$0xD70]  }
0x107: {  	[tilespmem:s24+$0xD10] =	vst v13;
	v13 =	vld [tilespmem:s24+$0x1100];
	v12 =	vadd.f32 v39, v12  }
0x108: {  	v17 =	vadd.f32 v40, v17;
	[tilespmem:s24+$0xD20] =	vst v14;
	v14 =	vld [tilespmem:s24+$0x1110]  }
0x109: {  	v16 =	vadd.f32 v41, v16;
	[tilespmem:s24+$0xD30] =	vst v12;
	v12 =	vld [tilespmem:s24+$0x1120]  }
0x10a: {  	[tilespmem:s24+$0xD40] =	vst v17;
	v17 =	vld [tilespmem:s24+$0x1130];
	v15 =	vadd.f32 v42, v15  }
0x10b: {  	v19 =	vld [tilespmem:s24+$0x1140];
	[tilespmem:s24+$0xD50] =	vst v16;
	v16 =	vadd.f32 v43, v18  }
0x10c: {  	v18 =	vld [tilespmem:s24+$0x1150];
	v13 =	vadd.f32 v44, v13;
	[tilespmem:s24+$0xD60] =	vst v15  }
0x10d: {  	v20 =	vld [tilespmem:s24+$0x1160];
	[tilespmem:s24+$0xD70] =	vst v16;
	v14 =	vadd.f32 v45, v14  }
0x10e: {  	v16 =	vld [tilespmem:s24+$0x1170];
	[tilespmem:s24+$0x1100] =	vst v13;
	v12 =	vadd.f32 v46, v12  }
0x10f: {  	v15 =	vld [tilespmem:s24+$0x1500];
	v13 =	vadd.f32 v47, v17;
	[tilespmem:s24+$0x1110] =	vst v14  }
0x110: {  	v14 =	vld [tilespmem:s24+$0x1510];
	[tilespmem:s24+$0x1120] =	vst v12;
	v12 =	vadd.f32 v48, v19  }
0x111: {  	[tilespmem:s24+$0x1130] =	vst v13;
	v13 =	vld [tilespmem:s24+$0x1520];
	v18 =	vadd.f32 v49, v18  }
0x112: {  	s25 =	simm.s32 $0x1;
	s26 =	simm.s32 $0x0;
	v17 =	vadd.f32 v50, v20;
	[tilespmem:s24+$0x1140] =	vst v12;
	v12 =	vld [tilespmem:s24+$0x1530]  }
.LBB2_2:
0x113: {  	s28 =	sshrl.u32 s25, $0x3;
	p0 =	sne.s32 s25, $0x1F;
	[tilespmem:s24+$0x1150] =	vst v18;
	v11 =	vadd.f32 v11, v16;
	v16 =	vld [tilespmem:s24+$0x1540]  }
0x114: {  	s26 =	sadd.s32 $0x80, s26;
	s28 =	smul.u32 $0x1800, s28;
	[tilespmem:s24+$0x1160] =	vst v17;
	v10 =	vadd.f32 v10, v15;
	v15 =	vld [tilespmem:s24+$0x1550]  }
0x115: {  	s29 =	sand.u32 $0x380, s26;
	[tilespmem:s24+$0x1170] =	vst v11;
	v9 =	vadd.f32 v9, v14;
	v11 =	vld [tilespmem:s24+$0x1560]  }
0x116: {  	s28 =	sor.u32 s29, s28;
	[tilespmem:s24+$0x1500] =	vst v10;
	v8 =	vadd.f32 v8, v13;
	v10 =	vld [tilespmem:s24+$0x1570]  }
0x117: {  	v39 =	vld [tilespmem:s28+$0x6100];
	[tilespmem:s24+$0x1510] =	vst v9;
	v7 =	vadd.f32 v7, v12  }
0x118: {  	v40 =	vld [tilespmem:s28+$0x6110];
	[tilespmem:s24+$0x1520] =	vst v8;
	v6 =	vadd.f32 v6, v16  }
0x119: {  	v41 =	vld [tilespmem:s28+$0x6120];
	[tilespmem:s24+$0x1530] =	vst v7;
	v5 =	vadd.f32 v5, v15  }
0x11a: {  	v42 =	vld [tilespmem:s28+$0x6130];
	[tilespmem:s24+$0x1540] =	vst v6;
	v4 =	vadd.f32 v4, v11  }
0x11b: {  	v43 =	vld [tilespmem:s28+$0x6140];
	[tilespmem:s24+$0x1550] =	vst v5;
	v3 =	vadd.f32 v3, v10  }
0x11c: {  	v44 =	vld [tilespmem:s28+$0x6150];
	[tilespmem:s24+$0x1560] =	vst v4  }
0x11d: {  	v45 =	vld [tilespmem:s28+$0x6160];
	[tilespmem:s24+$0x1570] =	vst v3;
	s24 =	smov.u32 s28  }
0x11e: {  	v46 =	vld [tilespmem:s24+$0x6170]  }
0x11f: {  	v47 =	vld [tilespmem:s24+$0x6500]  }
0x120: {  	v48 =	vld [tilespmem:s24+$0x6510]  }
0x121: {  	v49 =	vld [tilespmem:s24+$0x6520]  }
0x122: {  	v50 =	vld [tilespmem:s24+$0x6530]  }
0x123: {  	v38 =	vld [tilespmem:s24+$0x6540]  }
0x124: {  	v37 =	vld [tilespmem:s24+$0x6550]  }
0x125: {  	v36 =	vld [tilespmem:s24+$0x6560]  }
0x126: {  	v35 =	vld [tilespmem:s24+$0x6570]  }
0x127: {  	v34 =	vld [tilespmem:s24+$0x6900]  }
0x128: {  	v33 =	vld [tilespmem:s24+$0x6910]  }
0x129: {  	v32 =	vld [tilespmem:s24+$0x6920]  }
0x12a: {  	v31 =	vld [tilespmem:s24+$0x6930]  }
0x12b: {  	v30 =	vld [tilespmem:s24+$0x6940]  }
0x12c: {  	v29 =	vld [tilespmem:s24+$0x6950]  }
0x12d: {  	v28 =	vld [tilespmem:s24+$0x6960]  }
0x12e: {  	v27 =	vld [tilespmem:s24+$0x6970]  }
0x12f: {  	v26 =	vld [tilespmem:s24+$0x6D00]  }
0x130: {  	v25 =	vld [tilespmem:s24+$0x6D10]  }
0x131: {  	v24 =	vld [tilespmem:s24+$0x6D20]  }
0x132: {  	v23 =	vld [tilespmem:s24+$0x6D30]  }
0x133: {  	v22 =	vld [tilespmem:s24+$0x6D40]  }
0x134: {  	v21 =	vld [tilespmem:s24+$0x6D50]  }
0x135: {  	v20 =	vld [tilespmem:s24+$0x6D60]  }
0x136: {  	v19 =	vld [tilespmem:s24+$0x6D70]  }
0x137: {  	v18 =	vld [tilespmem:s24+$0x7100]  }
0x138: {  	v17 =	vld [tilespmem:s24+$0x7110]  }
0x139: {  	v16 =	vld [tilespmem:s24+$0x7120]  }
0x13a: {  	v15 =	vld [tilespmem:s24+$0x7130]  }
0x13b: {  	v14 =	vld [tilespmem:s24+$0x7140]  }
0x13c: {  	v13 =	vld [tilespmem:s24+$0x7150]  }
0x13d: {  	v12 =	vld [tilespmem:s24+$0x7160]  }
0x13e: {  	v11 =	vld [tilespmem:s24+$0x7170]  }
0x13f: {  	v10 =	vld [tilespmem:s24+$0x7500]  }
0x140: {  	v9 =	vld [tilespmem:s24+$0x7510]  }
0x141: {  	v8 =	vld [tilespmem:s24+$0x7520]  }
0x142: {  	v7 =	vld [tilespmem:s24+$0x7530]  }
0x143: {  	v6 =	vld [tilespmem:s24+$0x7540]  }
0x144: {  	v5 =	vld [tilespmem:s24+$0x7550]  }
0x145: {  	v4 =	vld [tilespmem:s24+$0x7560]  }
0x146: {  	v3 =	vld [tilespmem:s24+$0x7570]  }
0x147: {  	v51 =	vld [tilespmem:s24+$0x100]  }
0x148: {  	v52 =	vld [tilespmem:s24+$0x110]  }
0x149: {  	v53 =	vld [tilespmem:s24+$0x120]  }
0x14a: {  	v54 =	vld [tilespmem:s24+$0x130]  }
0x14b: {  	v55 =	vld [tilespmem:s24+$0x140]  }
0x14c: {  	v39 =	vadd.f32 v39, v51;
	v51 =	vld [tilespmem:s24+$0x150]  }
0x14d: {  	v40 =	vadd.f32 v40, v52;
	v52 =	vld [tilespmem:s24+$0x160]  }
0x14e: {  	[tilespmem:s24+$0x100] =	vst v39;
	v39 =	vadd.f32 v41, v53;
	v41 =	vld [tilespmem:s24+$0x170]  }
0x14f: {  	[tilespmem:s24+$0x110] =	vst v40;
	v40 =	vadd.f32 v42, v54;
	v42 =	vld [tilespmem:s24+$0x500]  }
0x150: {  	[tilespmem:s24+$0x120] =	vst v39;
	v39 =	vadd.f32 v43, v55;
	v43 =	vld [tilespmem:s24+$0x510]  }
0x151: {  	[tilespmem:s24+$0x130] =	vst v40;
	v40 =	vadd.f32 v44, v51;
	v44 =	vld [tilespmem:s24+$0x520]  }
0x152: {  	[tilespmem:s24+$0x140] =	vst v39;
	v39 =	vadd.f32 v45, v52;
	v45 =	vld [tilespmem:s24+$0x530]  }
0x153: {  	[tilespmem:s24+$0x150] =	vst v40;
	v40 =	vadd.f32 v46, v41;
	v41 =	vld [tilespmem:s24+$0x540]  }
0x154: {  	[tilespmem:s24+$0x160] =	vst v39;
	v39 =	vadd.f32 v47, v42;
	v42 =	vld [tilespmem:s24+$0x550]  }
0x155: {  	[tilespmem:s24+$0x170] =	vst v40;
	v40 =	vadd.f32 v48, v43;
	v43 =	vld [tilespmem:s24+$0x560]  }
0x156: {  	[tilespmem:s24+$0x500] =	vst v39;
	v39 =	vadd.f32 v49, v44;
	v44 =	vld [tilespmem:s24+$0x570]  }
0x157: {  	[tilespmem:s24+$0x510] =	vst v40;
	v40 =	vadd.f32 v50, v45;
	v45 =	vld [tilespmem:s24+$0x900]  }
0x158: {  	[tilespmem:s24+$0x520] =	vst v39;
	v38 =	vadd.f32 v38, v41;
	v39 =	vld [tilespmem:s24+$0x910]  }
0x159: {  	[tilespmem:s24+$0x530] =	vst v40;
	v37 =	vadd.f32 v37, v42;
	v40 =	vld [tilespmem:s24+$0x920]  }
0x15a: {  	[tilespmem:s24+$0x540] =	vst v38;
	v36 =	vadd.f32 v36, v43;
	v38 =	vld [tilespmem:s24+$0x930]  }
0x15b: {  	[tilespmem:s24+$0x550] =	vst v37;
	v35 =	vadd.f32 v35, v44;
	v37 =	vld [tilespmem:s24+$0x940]  }
0x15c: {  	[tilespmem:s24+$0x560] =	vst v36;
	v34 =	vadd.f32 v34, v45;
	v36 =	vld [tilespmem:s24+$0x950]  }
0x15d: {  	[tilespmem:s24+$0x570] =	vst v35;
	v33 =	vadd.f32 v33, v39;
	v35 =	vld [tilespmem:s24+$0x960]  }
0x15e: {  	[tilespmem:s24+$0x900] =	vst v34;
	v32 =	vadd.f32 v32, v40;
	v34 =	vld [tilespmem:s24+$0x970]  }
0x15f: {  	[tilespmem:s24+$0x910] =	vst v33;
	v31 =	vadd.f32 v31, v38;
	v33 =	vld [tilespmem:s24+$0xD00]  }
0x160: {  	[tilespmem:s24+$0x920] =	vst v32;
	v30 =	vadd.f32 v30, v37;
	v32 =	vld [tilespmem:s24+$0xD10]  }
0x161: {  	[tilespmem:s24+$0x930] =	vst v31;
	v29 =	vadd.f32 v29, v36;
	v31 =	vld [tilespmem:s24+$0xD20]  }
0x162: {  	[tilespmem:s24+$0x940] =	vst v30;
	v28 =	vadd.f32 v28, v35;
	v30 =	vld [tilespmem:s24+$0xD30]  }
0x163: {  	[tilespmem:s24+$0x950] =	vst v29;
	v27 =	vadd.f32 v27, v34;
	v29 =	vld [tilespmem:s24+$0xD40]  }
0x164: {  	[tilespmem:s24+$0x960] =	vst v28;
	v26 =	vadd.f32 v26, v33;
	v28 =	vld [tilespmem:s24+$0xD50]  }
0x165: {  	[tilespmem:s24+$0x970] =	vst v27;
	v25 =	vadd.f32 v25, v32;
	v27 =	vld [tilespmem:s24+$0xD60]  }
0x166: {  	[tilespmem:s24+$0xD00] =	vst v26;
	v24 =	vadd.f32 v24, v31;
	v26 =	vld [tilespmem:s24+$0xD70]  }
0x167: {  	[tilespmem:s24+$0xD10] =	vst v25;
	v23 =	vadd.f32 v23, v30;
	v25 =	vld [tilespmem:s24+$0x1100]  }
0x168: {  	[tilespmem:s24+$0xD20] =	vst v24;
	v22 =	vadd.f32 v22, v29;
	v24 =	vld [tilespmem:s24+$0x1110]  }
0x169: {  	[tilespmem:s24+$0xD30] =	vst v23;
	v21 =	vadd.f32 v21, v28;
	v23 =	vld [tilespmem:s24+$0x1120]  }
0x16a: {  	[tilespmem:s24+$0xD40] =	vst v22;
	v20 =	vadd.f32 v20, v27;
	v22 =	vld [tilespmem:s24+$0x1130]  }
0x16b: {  	[tilespmem:s24+$0xD50] =	vst v21;
	v19 =	vadd.f32 v19, v26;
	v21 =	vld [tilespmem:s24+$0x1140]  }
0x16c: {  	[tilespmem:s24+$0xD60] =	vst v20;
	v18 =	vadd.f32 v18, v25;
	v20 =	vld [tilespmem:s24+$0x1150]  }
0x16d: {  	[tilespmem:s24+$0xD70] =	vst v19;
	v17 =	vadd.f32 v17, v24;
	v19 =	vld [tilespmem:s24+$0x1160]  }
.Ltmp0:
0x16e: {  	[tilespmem:s24+$0x1100] =	vst v18;
	v18 =	vadd.f32 v16, v23;
	v16 =	vld [tilespmem:s24+$0x1170];
	(pc) =	sbr.rel @p0 .LBB2_2-.Ltmp0, $4  }
0x16f: {  	[tilespmem:s24+$0x1110] =	vst v17;
	v17 =	vadd.f32 v15, v22;
	v15 =	vld [tilespmem:s24+$0x1500]  }
0x170: {  	[tilespmem:s24+$0x1120] =	vst v18;
	v21 =	vadd.f32 v14, v21;
	v14 =	vld [tilespmem:s24+$0x1510]  }
0x171: {  	[tilespmem:s24+$0x1130] =	vst v17;
	v18 =	vadd.f32 v13, v20;
	v13 =	vld [tilespmem:s24+$0x1520]  }
0x172: {  	s25 =	sadd.s32 $0x1, s25;
	[tilespmem:s24+$0x1140] =	vst v21;
	v17 =	vadd.f32 v12, v19;
	v12 =	vld [tilespmem:s24+$0x1530]  }
0x173: {  	[tilespmem:s24+$0x1150] =	vst v18;
	v18 =	vld [tilespmem:s24+$0x1540];
	v11 =	vadd.f32 v11, v16  }
0x174: {  	v16 =	vld [tilespmem:s24+$0x1550];
	[tilespmem:s24+$0x1160] =	vst v17;
	v10 =	vadd.f32 v10, v15  }
0x175: {  	[tilespmem:s24+$0x1170] =	vst v11;
	v9 =	vadd.f32 v9, v14;
	v11 =	vld [tilespmem:s24+$0x1560]  }
0x176: {  	[tilespmem:s24+$0x1500] =	vst v10;
	v8 =	vadd.f32 v8, v13;
	v10 =	vld [tilespmem:s24+$0x1570]  }
0x177: {  	[tilespmem:s24+$0x1510] =	vst v9;
	v7 =	vadd.f32 v7, v12  }
0x178: {  	[tilespmem:s24+$0x1520] =	vst v8;
	v6 =	vadd.f32 v6, v18  }
0x179: {  	v5 =	vadd.f32 v5, v16;
	[tilespmem:s24+$0x1530] =	vst v7  }
0x17a: {  	[tilespmem:s24+$0x1540] =	vst v6;
	v4 =	vadd.f32 v4, v11  }
0x17b: {  	[tilespmem:s24+$0x1550] =	vst v5;
	v3 =	vadd.f32 v3, v10  }
0x17c: {  	[tilespmem:s24+$0x1560] =	vst v4  }
0x17d: {  	s25 =	simm.s32 $0x0;
	[tilespmem:s24+$0x1570] =	vst v3  }
0x17e: {  	[hbm4b:s8+s25] =	stream.linear.scatter [tilespmem:s13], [sflag:$0x2], $0x6000, $0x38;
	[tilespmem:$0x18100] =	vst v63  }
0x17f: {  	_ =	swait.ge [sflag:s12], $0x6000  }
0x180: {  	[sflag:s12] =	ssyncset.done $0x0  }
0x181: {  	s29 =	simm.s32 $0x0;
	[sflag:s12] =	ssyncadd.s32 $0xFFFFA000  }
0x182: {  	s24 =	smul.u32 $0x1800, s29;
	_ =	swait.ge [sflag:s12], $0x6000  }
0x183: {  	s26 =	sand.u32 $0x380, s25;
	[sflag:s12] =	ssyncset.done $0x0  }
0x184: {  	s24 =	sor.u32 s26, s24;
	[sflag:s12] =	ssyncadd.s32 $0xFFFFA000  }
0x185: {  	v12 =	vld [tilespmem:s24+$0x12100]  }
0x186: {  	v13 =	vld [tilespmem:s24+$0x12110]  }
0x187: {  	v14 =	vld [tilespmem:s24+$0x12120]  }
0x188: {  	v15 =	vld [tilespmem:s24+$0x12130]  }
0x189: {  	v16 =	vld [tilespmem:s24+$0x12140]  }
0x18a: {  	v17 =	vld [tilespmem:s24+$0x12150]  }
0x18b: {  	v18 =	vld [tilespmem:s24+$0x12160]  }
0x18c: {  	v19 =	vld [tilespmem:s24+$0x12170]  }
0x18d: {  	v20 =	vld [tilespmem:s24+$0x12500]  }
0x18e: {  	v21 =	vld [tilespmem:s24+$0x12510]  }
0x18f: {  	v22 =	vld [tilespmem:s24+$0x12520]  }
0x190: {  	v23 =	vld [tilespmem:s24+$0x12530]  }
0x191: {  	v24 =	vld [tilespmem:s24+$0x12540]  }
0x192: {  	v25 =	vld [tilespmem:s24+$0x12550]  }
0x193: {  	v26 =	vld [tilespmem:s24+$0x12560]  }
0x194: {  	v27 =	vld [tilespmem:s24+$0x12570]  }
0x195: {  	v28 =	vld [tilespmem:s24+$0x12900]  }
0x196: {  	v29 =	vld [tilespmem:s24+$0x12910]  }
0x197: {  	v30 =	vld [tilespmem:s24+$0x12920]  }
0x198: {  	v31 =	vld [tilespmem:s24+$0x12930]  }
0x199: {  	v32 =	vld [tilespmem:s24+$0x12940]  }
0x19a: {  	v33 =	vld [tilespmem:s24+$0x12950]  }
0x19b: {  	v34 =	vld [tilespmem:s24+$0x12960]  }
0x19c: {  	v35 =	vld [tilespmem:s24+$0x12970]  }
0x19d: {  	v36 =	vld [tilespmem:s24+$0x12D00]  }
0x19e: {  	v37 =	vld [tilespmem:s24+$0x12D10]  }
0x19f: {  	v38 =	vld [tilespmem:s24+$0x12D20]  }
0x1a0: {  	v39 =	vld [tilespmem:s24+$0x12D30]  }
0x1a1: {  	v40 =	vld [tilespmem:s24+$0x12D40]  }
0x1a2: {  	v41 =	vld [tilespmem:s24+$0x12D50]  }
0x1a3: {  	v42 =	vld [tilespmem:s24+$0x12D60]  }
0x1a4: {  	v43 =	vld [tilespmem:s24+$0x12D70]  }
0x1a5: {  	v44 =	vld [tilespmem:s24+$0x13100]  }
0x1a6: {  	v45 =	vld [tilespmem:s24+$0x13110]  }
0x1a7: {  	v46 =	vld [tilespmem:s24+$0x13120]  }
0x1a8: {  	v47 =	vld [tilespmem:s24+$0x13130]  }
0x1a9: {  	v48 =	vld [tilespmem:s24+$0x13140]  }
0x1aa: {  	v49 =	vld [tilespmem:s24+$0x13150]  }
0x1ab: {  	v50 =	vld [tilespmem:s24+$0x13160]  }
0x1ac: {  	v11 =	vld [tilespmem:s24+$0x13170]  }
0x1ad: {  	v10 =	vld [tilespmem:s24+$0x13500]  }
0x1ae: {  	v9 =	vld [tilespmem:s24+$0x13510]  }
0x1af: {  	v8 =	vld [tilespmem:s24+$0x13520]  }
0x1b0: {  	v7 =	vld [tilespmem:s24+$0x13530]  }
0x1b1: {  	v6 =	vld [tilespmem:s24+$0x13540]  }
0x1b2: {  	v51 =	vld [tilespmem:s24+$0xC100]  }
0x1b3: {  	v52 =	vld [tilespmem:s24+$0xC110]  }
0x1b4: {  	v53 =	vld [tilespmem:s24+$0xC120]  }
0x1b5: {  	v54 =	vld [tilespmem:s24+$0xC130]  }
0x1b6: {  	v55 =	vld [tilespmem:s24+$0xC140]  }
0x1b7: {  	v62 =	vld [tilespmem:s24+$0xC150];
	v12 =	vadd.f32 v12, v51  }
0x1b8: {  	v63 =	vld [tilespmem:s24+$0xC160];
	v13 =	vadd.f32 v13, v52  }
0x1b9: {  	[tilespmem:s24+$0xC100] =	vst v12;
	v12 =	vadd.f32 v14, v53;
	v14 =	vld [tilespmem:s24+$0xC170]  }
0x1ba: {  	[tilespmem:s24+$0xC110] =	vst v13;
	v13 =	vadd.f32 v15, v54;
	v15 =	vld [tilespmem:s24+$0xC500]  }
0x1bb: {  	[tilespmem:s24+$0xC120] =	vst v12;
	v12 =	vadd.f32 v16, v55;
	v16 =	vld [tilespmem:s24+$0xC510]  }
0x1bc: {  	[tilespmem:s24+$0xC130] =	vst v13;
	v13 =	vadd.f32 v17, v62;
	v17 =	vld [tilespmem:s24+$0xC520]  }
0x1bd: {  	v5 =	vld [tilespmem:s24+$0x13550]  }
0x1be: {  	[tilespmem:s24+$0xC140] =	vst v12;
	v12 =	vadd.f32 v18, v63;
	v18 =	vld [tilespmem:s24+$0xC570]  }
0x1bf: {  	[tilespmem:s24+$0xC150] =	vst v13;
	v13 =	vadd.f32 v19, v14;
	v14 =	vld [tilespmem:s24+$0xC530]  }
0x1c0: {  	[tilespmem:s24+$0xC160] =	vst v12;
	v12 =	vadd.f32 v20, v15;
	v15 =	vld [tilespmem:s24+$0xC540]  }
0x1c1: {  	[tilespmem:s24+$0xC170] =	vst v13;
	v13 =	vadd.f32 v21, v16;
	v16 =	vadd.f32 v22, v17;
	v17 =	vld [tilespmem:s24+$0xC560]  }
0x1c2: {  	[tilespmem:s24+$0xC500] =	vst v12;
	v12 =	vld [tilespmem:s24+$0xC550]  }
0x1c3: {  	[tilespmem:s24+$0xC510] =	vst v13;
	v13 =	vld [tilespmem:s24+$0xC900];
	v18 =	vadd.f32 v27, v18  }
0x1c4: {  	[tilespmem:s24+$0xC520] =	vst v16;
	v16 =	vld [tilespmem:s24+$0xC910];
	v14 =	vadd.f32 v23, v14  }
0x1c5: {  	v4 =	vld [tilespmem:s24+$0x13560];
	v15 =	vadd.f32 v24, v15;
	[tilespmem:s24+$0xC570] =	vst v18  }
0x1c6: {  	[tilespmem:s24+$0xC530] =	vst v14;
	v14 =	vld [tilespmem:s24+$0xC920];
	v17 =	vadd.f32 v26, v17  }
0x1c7: {  	v12 =	vadd.f32 v25, v12;
	[tilespmem:s24+$0xC540] =	vst v15;
	v15 =	vld [tilespmem:s24+$0xC930]  }
0x1c8: {  	v18 =	vld [tilespmem:s24+$0xC970];
	[tilespmem:s24+$0xC560] =	vst v17;
	v13 =	vadd.f32 v28, v13  }
0x1c9: {  	v16 =	vadd.f32 v29, v16;
	[tilespmem:s24+$0xC550] =	vst v12;
	v12 =	vld [tilespmem:s24+$0xC940]  }
0x1ca: {  	v17 =	vld [tilespmem:s24+$0xC950];
	[tilespmem:s24+$0xC900] =	vst v13  }
0x1cb: {  	[tilespmem:s24+$0xC910] =	vst v16;
	v16 =	vld [tilespmem:s24+$0xC960];
	v13 =	vadd.f32 v30, v14  }
0x1cc: {  	v14 =	vld [tilespmem:s24+$0xCD00];
	v15 =	vadd.f32 v31, v15  }
0x1cd: {  	[tilespmem:s24+$0xC920] =	vst v13;
	v13 =	vld [tilespmem:s24+$0xCD10]  }
0x1ce: {  	v12 =	vadd.f32 v32, v12;
	[tilespmem:s24+$0xC930] =	vst v15;
	v15 =	vld [tilespmem:s24+$0xCD20]  }
0x1cf: {  	v3 =	vld [tilespmem:s24+$0x13570];
	v17 =	vadd.f32 v33, v17  }
0x1d0: {  	v16 =	vadd.f32 v34, v16;
	[tilespmem:s24+$0xC940] =	vst v12;
	v12 =	vld [tilespmem:s24+$0xCD30]  }
0x1d1: {  	[tilespmem:s24+$0xC950] =	vst v17;
	v17 =	vld [tilespmem:s24+$0xCD40];
	v14 =	vadd.f32 v36, v14  }
0x1d2: {  	v18 =	vadd.f32 v35, v18;
	[tilespmem:s24+$0xC960] =	vst v16;
	v16 =	vld [tilespmem:s24+$0xCD50]  }
0x1d3: {  	v13 =	vadd.f32 v37, v13;
	[tilespmem:s24+$0xCD00] =	vst v14;
	v14 =	vadd.f32 v38, v15;
	v15 =	vld [tilespmem:s24+$0xCD60]  }
0x1d4: {  	[tilespmem:s24+$0xC970] =	vst v18;
	v18 =	vld [tilespmem:s24+$0xCD70]  }
0x1d5: {  	[tilespmem:s24+$0xCD10] =	vst v13;
	v13 =	vld [tilespmem:s24+$0xD100];
	v12 =	vadd.f32 v39, v12  }
0x1d6: {  	v17 =	vadd.f32 v40, v17;
	[tilespmem:s24+$0xCD20] =	vst v14;
	v14 =	vld [tilespmem:s24+$0xD110]  }
0x1d7: {  	v16 =	vadd.f32 v41, v16;
	[tilespmem:s24+$0xCD30] =	vst v12;
	v12 =	vld [tilespmem:s24+$0xD120]  }
0x1d8: {  	[tilespmem:s24+$0xCD40] =	vst v17;
	v17 =	vld [tilespmem:s24+$0xD130];
	v15 =	vadd.f32 v42, v15  }
0x1d9: {  	v19 =	vld [tilespmem:s24+$0xD140];
	[tilespmem:s24+$0xCD50] =	vst v16;
	v16 =	vadd.f32 v43, v18  }
0x1da: {  	v18 =	vld [tilespmem:s24+$0xD150];
	v13 =	vadd.f32 v44, v13;
	[tilespmem:s24+$0xCD60] =	vst v15  }
0x1db: {  	v20 =	vld [tilespmem:s24+$0xD160];
	[tilespmem:s24+$0xCD70] =	vst v16;
	v14 =	vadd.f32 v45, v14  }
0x1dc: {  	v16 =	vld [tilespmem:s24+$0xD170];
	[tilespmem:s24+$0xD100] =	vst v13;
	v12 =	vadd.f32 v46, v12  }
0x1dd: {  	v15 =	vld [tilespmem:s24+$0xD500];
	v13 =	vadd.f32 v47, v17;
	[tilespmem:s24+$0xD110] =	vst v14  }
0x1de: {  	v14 =	vld [tilespmem:s24+$0xD510];
	[tilespmem:s24+$0xD120] =	vst v12;
	v12 =	vadd.f32 v48, v19  }
0x1df: {  	[tilespmem:s24+$0xD130] =	vst v13;
	v13 =	vld [tilespmem:s24+$0xD520];
	v18 =	vadd.f32 v49, v18  }
0x1e0: {  	s26 =	simm.s32 $0x1;
	v17 =	vadd.f32 v50, v20;
	[tilespmem:s24+$0xD140] =	vst v12;
	v12 =	vld [tilespmem:s24+$0xD530]  }
.LBB2_4:
0x1e1: {  	s28 =	sshrl.u32 s26, $0x3;
	p0 =	sne.s32 s26, $0x1F;
	[tilespmem:s24+$0xD150] =	vst v18;
	v11 =	vadd.f32 v11, v16;
	v16 =	vld [tilespmem:s24+$0xD540]  }
0x1e2: {  	s25 =	sadd.s32 $0x80, s25;
	s28 =	smul.u32 $0x1800, s28;
	[tilespmem:s24+$0xD160] =	vst v17;
	v10 =	vadd.f32 v10, v15;
	v15 =	vld [tilespmem:s24+$0xD550]  }
0x1e3: {  	s29 =	sand.u32 $0x380, s25;
	[tilespmem:s24+$0xD170] =	vst v11;
	v9 =	vadd.f32 v9, v14;
	v11 =	vld [tilespmem:s24+$0xD560]  }
0x1e4: {  	s28 =	sor.u32 s29, s28;
	[tilespmem:s24+$0xD500] =	vst v10;
	v8 =	vadd.f32 v8, v13;
	v10 =	vld [tilespmem:s24+$0xD570]  }
0x1e5: {  	v39 =	vld [tilespmem:s28+$0x12100];
	[tilespmem:s24+$0xD510] =	vst v9;
	v7 =	vadd.f32 v7, v12  }
0x1e6: {  	v40 =	vld [tilespmem:s28+$0x12110];
	[tilespmem:s24+$0xD520] =	vst v8;
	v6 =	vadd.f32 v6, v16  }
0x1e7: {  	v41 =	vld [tilespmem:s28+$0x12120];
	[tilespmem:s24+$0xD530] =	vst v7;
	v5 =	vadd.f32 v5, v15  }
0x1e8: {  	v42 =	vld [tilespmem:s28+$0x12130];
	[tilespmem:s24+$0xD540] =	vst v6;
	v4 =	vadd.f32 v4, v11  }
0x1e9: {  	v43 =	vld [tilespmem:s28+$0x12140];
	[tilespmem:s24+$0xD550] =	vst v5;
	v3 =	vadd.f32 v3, v10  }
0x1ea: {  	v44 =	vld [tilespmem:s28+$0x12150];
	[tilespmem:s24+$0xD560] =	vst v4  }
0x1eb: {  	v45 =	vld [tilespmem:s28+$0x12160];
	[tilespmem:s24+$0xD570] =	vst v3;
	s24 =	smov.u32 s28  }
0x1ec: {  	v46 =	vld [tilespmem:s24+$0x12170]  }
0x1ed: {  	v47 =	vld [tilespmem:s24+$0x12500]  }
0x1ee: {  	v48 =	vld [tilespmem:s24+$0x12510]  }
0x1ef: {  	v49 =	vld [tilespmem:s24+$0x12520]  }
0x1f0: {  	v50 =	vld [tilespmem:s24+$0x12530]  }
0x1f1: {  	v38 =	vld [tilespmem:s24+$0x12540]  }
0x1f2: {  	v37 =	vld [tilespmem:s24+$0x12550]  }
0x1f3: {  	v36 =	vld [tilespmem:s24+$0x12560]  }
0x1f4: {  	v35 =	vld [tilespmem:s24+$0x12570]  }
0x1f5: {  	v34 =	vld [tilespmem:s24+$0x12900]  }
0x1f6: {  	v33 =	vld [tilespmem:s24+$0x12910]  }
0x1f7: {  	v32 =	vld [tilespmem:s24+$0x12920]  }
0x1f8: {  	v31 =	vld [tilespmem:s24+$0x12930]  }
0x1f9: {  	v30 =	vld [tilespmem:s24+$0x12940]  }
0x1fa: {  	v29 =	vld [tilespmem:s24+$0x12950]  }
0x1fb: {  	v28 =	vld [tilespmem:s24+$0x12960]  }
0x1fc: {  	v27 =	vld [tilespmem:s24+$0x12970]  }
0x1fd: {  	v26 =	vld [tilespmem:s24+$0x12D00]  }
0x1fe: {  	v25 =	vld [tilespmem:s24+$0x12D10]  }
0x1ff: {  	v24 =	vld [tilespmem:s24+$0x12D20]  }
0x200: {  	v23 =	vld [tilespmem:s24+$0x12D30]  }
0x201: {  	v22 =	vld [tilespmem:s24+$0x12D40]  }
0x202: {  	v21 =	vld [tilespmem:s24+$0x12D50]  }
0x203: {  	v20 =	vld [tilespmem:s24+$0x12D60]  }
0x204: {  	v19 =	vld [tilespmem:s24+$0x12D70]  }
0x205: {  	v18 =	vld [tilespmem:s24+$0x13100]  }
0x206: {  	v17 =	vld [tilespmem:s24+$0x13110]  }
0x207: {  	v16 =	vld [tilespmem:s24+$0x13120]  }
0x208: {  	v15 =	vld [tilespmem:s24+$0x13130]  }
0x209: {  	v14 =	vld [tilespmem:s24+$0x13140]  }
0x20a: {  	v13 =	vld [tilespmem:s24+$0x13150]  }
0x20b: {  	v12 =	vld [tilespmem:s24+$0x13160]  }
0x20c: {  	v11 =	vld [tilespmem:s24+$0x13170]  }
0x20d: {  	v10 =	vld [tilespmem:s24+$0x13500]  }
0x20e: {  	v9 =	vld [tilespmem:s24+$0x13510]  }
0x20f: {  	v8 =	vld [tilespmem:s24+$0x13520]  }
0x210: {  	v7 =	vld [tilespmem:s24+$0x13530]  }
0x211: {  	v6 =	vld [tilespmem:s24+$0x13540]  }
0x212: {  	v5 =	vld [tilespmem:s24+$0x13550]  }
0x213: {  	v4 =	vld [tilespmem:s24+$0x13560]  }
0x214: {  	v3 =	vld [tilespmem:s24+$0x13570]  }
0x215: {  	v51 =	vld [tilespmem:s24+$0xC100]  }
0x216: {  	v52 =	vld [tilespmem:s24+$0xC110]  }
0x217: {  	v53 =	vld [tilespmem:s24+$0xC120]  }
0x218: {  	v54 =	vld [tilespmem:s24+$0xC130]  }
0x219: {  	v55 =	vld [tilespmem:s24+$0xC140]  }
0x21a: {  	v39 =	vadd.f32 v39, v51;
	v51 =	vld [tilespmem:s24+$0xC150]  }
0x21b: {  	v40 =	vadd.f32 v40, v52;
	v52 =	vld [tilespmem:s24+$0xC160]  }
0x21c: {  	[tilespmem:s24+$0xC100] =	vst v39;
	v39 =	vadd.f32 v41, v53;
	v41 =	vld [tilespmem:s24+$0xC170]  }
0x21d: {  	[tilespmem:s24+$0xC110] =	vst v40;
	v40 =	vadd.f32 v42, v54;
	v42 =	vld [tilespmem:s24+$0xC500]  }
0x21e: {  	[tilespmem:s24+$0xC120] =	vst v39;
	v39 =	vadd.f32 v43, v55;
	v43 =	vld [tilespmem:s24+$0xC510]  }
0x21f: {  	[tilespmem:s24+$0xC130] =	vst v40;
	v40 =	vadd.f32 v44, v51;
	v44 =	vld [tilespmem:s24+$0xC520]  }
0x220: {  	[tilespmem:s24+$0xC140] =	vst v39;
	v39 =	vadd.f32 v45, v52;
	v45 =	vld [tilespmem:s24+$0xC530]  }
0x221: {  	[tilespmem:s24+$0xC150] =	vst v40;
	v40 =	vadd.f32 v46, v41;
	v41 =	vld [tilespmem:s24+$0xC540]  }
0x222: {  	[tilespmem:s24+$0xC160] =	vst v39;
	v39 =	vadd.f32 v47, v42;
	v42 =	vld [tilespmem:s24+$0xC550]  }
0x223: {  	[tilespmem:s24+$0xC170] =	vst v40;
	v40 =	vadd.f32 v48, v43;
	v43 =	vld [tilespmem:s24+$0xC560]  }
0x224: {  	[tilespmem:s24+$0xC500] =	vst v39;
	v39 =	vadd.f32 v49, v44;
	v44 =	vld [tilespmem:s24+$0xC570]  }
0x225: {  	[tilespmem:s24+$0xC510] =	vst v40;
	v40 =	vadd.f32 v50, v45;
	v45 =	vld [tilespmem:s24+$0xC900]  }
0x226: {  	[tilespmem:s24+$0xC520] =	vst v39;
	v38 =	vadd.f32 v38, v41;
	v39 =	vld [tilespmem:s24+$0xC910]  }
0x227: {  	[tilespmem:s24+$0xC530] =	vst v40;
	v37 =	vadd.f32 v37, v42;
	v40 =	vld [tilespmem:s24+$0xC920]  }
0x228: {  	[tilespmem:s24+$0xC540] =	vst v38;
	v36 =	vadd.f32 v36, v43;
	v38 =	vld [tilespmem:s24+$0xC930]  }
0x229: {  	[tilespmem:s24+$0xC550] =	vst v37;
	v35 =	vadd.f32 v35, v44;
	v37 =	vld [tilespmem:s24+$0xC940]  }
0x22a: {  	[tilespmem:s24+$0xC560] =	vst v36;
	v34 =	vadd.f32 v34, v45;
	v36 =	vld [tilespmem:s24+$0xC950]  }
0x22b: {  	[tilespmem:s24+$0xC570] =	vst v35;
	v33 =	vadd.f32 v33, v39;
	v35 =	vld [tilespmem:s24+$0xC960]  }
0x22c: {  	[tilespmem:s24+$0xC900] =	vst v34;
	v32 =	vadd.f32 v32, v40;
	v34 =	vld [tilespmem:s24+$0xC970]  }
0x22d: {  	[tilespmem:s24+$0xC910] =	vst v33;
	v31 =	vadd.f32 v31, v38;
	v33 =	vld [tilespmem:s24+$0xCD00]  }
0x22e: {  	[tilespmem:s24+$0xC920] =	vst v32;
	v30 =	vadd.f32 v30, v37;
	v32 =	vld [tilespmem:s24+$0xCD10]  }
0x22f: {  	[tilespmem:s24+$0xC930] =	vst v31;
	v29 =	vadd.f32 v29, v36;
	v31 =	vld [tilespmem:s24+$0xCD20]  }
0x230: {  	[tilespmem:s24+$0xC940] =	vst v30;
	v28 =	vadd.f32 v28, v35;
	v30 =	vld [tilespmem:s24+$0xCD30]  }
0x231: {  	[tilespmem:s24+$0xC950] =	vst v29;
	v27 =	vadd.f32 v27, v34;
	v29 =	vld [tilespmem:s24+$0xCD40]  }
0x232: {  	[tilespmem:s24+$0xC960] =	vst v28;
	v26 =	vadd.f32 v26, v33;
	v28 =	vld [tilespmem:s24+$0xCD50]  }
0x233: {  	[tilespmem:s24+$0xC970] =	vst v27;
	v25 =	vadd.f32 v25, v32;
	v27 =	vld [tilespmem:s24+$0xCD60]  }
0x234: {  	[tilespmem:s24+$0xCD00] =	vst v26;
	v24 =	vadd.f32 v24, v31;
	v26 =	vld [tilespmem:s24+$0xCD70]  }
0x235: {  	[tilespmem:s24+$0xCD10] =	vst v25;
	v23 =	vadd.f32 v23, v30;
	v25 =	vld [tilespmem:s24+$0xD100]  }
0x236: {  	[tilespmem:s24+$0xCD20] =	vst v24;
	v22 =	vadd.f32 v22, v29;
	v24 =	vld [tilespmem:s24+$0xD110]  }
0x237: {  	[tilespmem:s24+$0xCD30] =	vst v23;
	v21 =	vadd.f32 v21, v28;
	v23 =	vld [tilespmem:s24+$0xD120]  }
0x238: {  	[tilespmem:s24+$0xCD40] =	vst v22;
	v20 =	vadd.f32 v20, v27;
	v22 =	vld [tilespmem:s24+$0xD130]  }
0x239: {  	[tilespmem:s24+$0xCD50] =	vst v21;
	v19 =	vadd.f32 v19, v26;
	v21 =	vld [tilespmem:s24+$0xD140]  }
0x23a: {  	[tilespmem:s24+$0xCD60] =	vst v20;
	v18 =	vadd.f32 v18, v25;
	v20 =	vld [tilespmem:s24+$0xD150]  }
0x23b: {  	[tilespmem:s24+$0xCD70] =	vst v19;
	v17 =	vadd.f32 v17, v24;
	v19 =	vld [tilespmem:s24+$0xD160]  }
.Ltmp1:
0x23c: {  	[tilespmem:s24+$0xD100] =	vst v18;
	v18 =	vadd.f32 v16, v23;
	v16 =	vld [tilespmem:s24+$0xD170];
	(pc) =	sbr.rel @p0 .LBB2_4-.Ltmp1, $4  }
0x23d: {  	[tilespmem:s24+$0xD110] =	vst v17;
	v17 =	vadd.f32 v15, v22;
	v15 =	vld [tilespmem:s24+$0xD500]  }
0x23e: {  	[tilespmem:s24+$0xD120] =	vst v18;
	v21 =	vadd.f32 v14, v21;
	v14 =	vld [tilespmem:s24+$0xD510]  }
0x23f: {  	[tilespmem:s24+$0xD130] =	vst v17;
	v18 =	vadd.f32 v13, v20;
	v13 =	vld [tilespmem:s24+$0xD520]  }
0x240: {  	s26 =	sadd.s32 $0x1, s26;
	[tilespmem:s24+$0xD140] =	vst v21;
	v17 =	vadd.f32 v12, v19;
	v12 =	vld [tilespmem:s24+$0xD530]  }
0x241: {  	[tilespmem:s24+$0xD150] =	vst v18;
	v60 =	vld [tilespmem:s24+$0xD540];
	v11 =	vadd.f32 v11, v16  }
0x242: {  	v61 =	vld [tilespmem:s24+$0xD550];
	[tilespmem:s24+$0xD160] =	vst v17;
	v10 =	vadd.f32 v10, v15  }
0x243: {  	v62 =	vld [tilespmem:s24+$0xD560];
	[tilespmem:s24+$0xD170] =	vst v11;
	v9 =	vadd.f32 v9, v14  }
0x244: {  	v63 =	vld [tilespmem:s24+$0xD570];
	[tilespmem:s24+$0xD500] =	vst v10;
	v8 =	vadd.f32 v8, v13  }
0x245: {  	[tilespmem:s24+$0xD510] =	vst v9;
	v7 =	vadd.f32 v7, v12  }
0x246: {  	[tilespmem:s24+$0xD520] =	vst v8;
	v6 =	vadd.f32 v6, v60  }
0x247: {  	v5 =	vadd.f32 v5, v61;
	[tilespmem:s24+$0xD530] =	vst v7  }
0x248: {  	v4 =	vadd.f32 v4, v62;
	[tilespmem:s24+$0xD540] =	vst v6  }
0x249: {  	v3 =	vadd.f32 v3, v63;
	[tilespmem:s24+$0xD550] =	vst v5  }
0x24a: {  	[tilespmem:s24+$0xD560] =	vst v4  }
0x24b: {  	s23 =	sadd.s32 $0x1, s23;
	[tilespmem:s24+$0xD570] =	vst v3  }
0x24c: {  	[hbm4b:s9+s2] =	stream.linear.scatter [tilespmem:s17], [sflag:$0x2], $0x6000, $0x38;
	[tilespmem:$0x18100] =	vst v63  }
0x24d: {  	p0 =	sne.s32 s23, s10;
	_ =	swait.ge [sflag:s22], $0x6000  }
.Ltmp2:
0x24e: {  	[sflag:s22] =	ssyncset.done $0x0;
	(pc) =	sbr.rel @p0 .LBB2_1-.Ltmp2, $4  }
0x24f: {  	[sflag:s22] =	ssyncadd.s32 $0xFFFFA000  }
0x250: {  	_ =	swait.ge [sflag:s22], $0x6000  }
0x251: {  	[sflag:s22] =	ssyncset.done $0x0  }
0x252: {  	[sflag:s22] =	ssyncadd.s32 $0xFFFFA000  }
0x253: {  	_ =	sfence.sel $0x180000  }
0x254: {  	[bflag:$0x0] =	sbarrier.arrive $0xFFFF  }
0x255: {  	_ =	strace $0x90000047  }
0x256: {  	s0 =	stileid.u32;
	[bflag:$0x2] =	sbarrier.arrive $0xFFFF  }
0x257: {  	p0 =	sne.s32 s0, $0x0;
	s0 =	rddreg [dreg:$0x2]  }
0x258: {  	s0 =	sadd.s32 @!p0 $0x100000, s0  }
0x259: {  	[sflag:s0] =	ssyncadd.tile.s32 @!p0 $0x1;
	_ =	shalt  }
.Lfunc_end2:
_tile_overlayer_lowered:
.L_overlay_start_2:
0x25a: {  	(tag) =	ssettag $0x2  }
0x25b: {  	s0 =	rddreg [dreg:$0x0];
	s2 =	stileid.u32  }
0x25c: {  	s1 =	rddreg [dreg:$0x1];
	p0 =	sne.s32 s2, $0x0  }
0x25d: {  	s3 =	rddreg [dreg:$0x2];
	[bflag:$0x3] =	sbarrier.arrive $0xFFFF;
	s2 =	simm.s32 @!p0 $0x1C03  }
0x25e: {  	[timem:s3], [sflag:s2] =	dma.local @!p0 [hbm:s0], s1  }
0x25f: {  	s0 =	simm.s32 @!p0 $0x3  }
0x260: {  	_ =	swait.ge @!p0 [sflag:s0], s1  }
0x261: {  	s1 =	ssub.s32 @!p0 $0x0, s1;
	[sflag:s0] =	ssyncset.done @!p0 $0x0  }
0x262: {  	[sflag:s0] =	ssyncadd.s32 @!p0 s1  }
0x263: {  	[bflag:$0x3] =	sbarrier.arrive $0xFFFF  }
0x264: {  	_ =	shalt  }

</sc_bundles>
